<compile_context>
chip_gen: v7x
topology: tpu7x:2x2x1
jax: 0.10.2.dev20260603
libtpu: 0.0.44.dev20260713+nightly
codegen_flags: <defaults>
</compile_context>

<pallas_src>
import functools

import jax
import jax.numpy as jnp
from jax import lax
from jax.experimental import pallas as pl
from jax.experimental.pallas import tpu as pltpu

try:
    from jax.experimental.pallas import tpu_sc as plsc
except ImportError:
    plsc = None

def _median_body(x_ref, o_ref, *, n, rows):
    nc = 2 * n
    half = n // 2
    _I32_MIN = jnp.int32(-(2**31))
    _I32_MAX = jnp.int32(2**31 - 1)
    _SIGNMASK = jnp.int32(0x7FFFFFFF)
    x = x_ref[...].reshape(rows, nc)
    b = jax.lax.bitcast_convert_type(x, jnp.int32)
    s = jnp.where(b < 0, b ^ _SIGNMASK, b)
    lane = jax.lax.broadcasted_iota(jnp.int32, (rows, nc), 1)
    evi = jnp.where(lane % 2 == 0, jnp.int32(1), jnp.int32(0))
    ev = lane % 2 == 0

    def bcast2(v):
        c0 = jnp.broadcast_to(v[:, 0:1], (rows, nc))
        c1 = jnp.broadcast_to(v[:, 1:2], (rows, nc))
        return jnp.where(ev, c0, c1)

    payload = jnp.where(ev, jnp.int32(1), jnp.int32(1 << 16))

    def parity_counts(cmp):
        packed = jnp.sum(jnp.where(cmp, payload, jnp.int32(0)),
                         axis=1, keepdims=True)
        c0 = packed & jnp.int32(0xFFFF)
        c1 = jax.lax.shift_right_logical(packed, 16)
        return jnp.concatenate([c0, c1], axis=1)

    def step(i, p_u):
        bit = jax.lax.shift_left(jnp.int32(1), 31 - i)
        cand_u = p_u | bit
        cand_s = cand_u ^ _I32_MIN
        cnts = parity_counts(s < bcast2(cand_s))
        take = cnts <= jnp.int32(half - 1)
        return jnp.where(take, cand_u, p_u)

    p_u = jax.lax.fori_loop(0, 32, step, jnp.zeros((rows, 2), jnp.int32))
    s_lo = p_u ^ _I32_MIN

    le = s <= bcast2(s_lo)
    c_le = parity_counts(le)
    s_ab = jnp.where(le, _I32_MAX, s)
    m0 = jnp.min(jnp.where(ev, s_ab, _I32_MAX), axis=1, keepdims=True)
    m1 = jnp.min(jnp.where(ev, _I32_MAX, s_ab), axis=1, keepdims=True)
    m_above = jnp.concatenate([m0, m1], axis=1)
    s_hi = jnp.where(c_le >= jnp.int32(half + 1), s_lo, m_above)

    def to_f32(sk):
        return jax.lax.bitcast_convert_type(
            jnp.where(sk < 0, sk ^ _SIGNMASK, sk), jnp.float32)

    o_ref[...] = (to_f32(s_lo) + to_f32(s_hi)) * jnp.float32(0.5)


def _sc_median(x2d, b0, nb, n):
    nc = 2 * n
    half = n // 2
    info = plsc.get_sparse_core_info()
    NC = info.num_cores
    NW = NC * info.num_subcores
    rows_per = nb // NW
    chunk_rows = 8
    nchunks = rows_per // chunk_rows
    chunk_elems = chunk_rows * nc
    slices_row = nc // 16
    slices_chunk = chunk_elems // 16
    mesh = plsc.VectorSubcoreMesh(core_axis_name="c", subcore_axis_name="s")

    @functools.partial(
        pl.kernel, mesh=mesh,
        out_type=jax.ShapeDtypeStruct((NW, 2 * chunk_rows * 2 * nchunks),
                                      jnp.int32),
        scratch_types=[
            pltpu.VMEM((chunk_rows, nc), jnp.int32),
            pltpu.VMEM((chunk_rows, nc), jnp.int32),
            pltpu.VMEM((chunk_rows, nc), jnp.int32),
            pltpu.VMEM((2 * chunk_rows * 2 * nchunks,), jnp.int32),
            pltpu.SemaphoreType.DMA,
            pltpu.SemaphoreType.DMA,
        ],
    )
    def sc_kern(x_hbm, out_hbm, in0, in1, keys, res, sem0, sem1):
        _I32_MIN = jnp.int32(-(2**31))
        _I32_MAX = jnp.int32(2**31 - 1)
        _SIGNMASK = jnp.int32(0x7FFFFFFF)
        wid = lax.axis_index("s") * NC + lax.axis_index("c")
        base = b0 + wid * rows_per

        lane = lax.broadcasted_iota(jnp.int32, (16,), 0)
        pairid = lax.shift_right_logical(lane, 1)
        gdn = lax.GatherDimensionNumbers(
            offset_dims=(), collapsed_slice_dims=(0,), start_index_map=(0,))

        def shuf(v, d):
            return lax.gather(
                v, (lane ^ d).reshape(16, 1), gdn, (1,),
                mode=lax.GatherScatterMode.PROMISE_IN_BOUNDS)

        def parity_allreduce(v, op):
            for d in (2, 4, 8):
                v = op(v, shuf(v, d))
            return v

        def chunk_src(cc):
            return x_hbm.at[pl.ds(base + cc * chunk_rows, chunk_rows)]

        ins = (in0, in1)
        sems = (sem0, sem1)
        pltpu.make_async_copy(chunk_src(0), in0, sem0).start()
        pltpu.make_async_copy(chunk_src(1), in1, sem1).start()

        def do_chunk(cc, in_ref, sem):
            pltpu.make_async_copy(chunk_src(cc), in_ref, sem).wait()

            def tf_row(rr, _):
                def tf(j, _2):
                    for u in range(16):
                        off = j * 256 + u * 16
                        k = in_ref[rr, pl.ds(off, 16)]
                        keys[rr, pl.ds(off, 16)] = jnp.where(
                            k < 0, k ^ _SIGNMASK, k)
                    return jnp.int32(0)

                return lax.fori_loop(0, slices_row // 16, tf, jnp.int32(0))

            lax.fori_loop(0, chunk_rows, tf_row, jnp.int32(0))

            @pl.when(cc + 2 < nchunks)
            def _():
                pltpu.make_async_copy(chunk_src(cc + 2), in_ref, sem).start()

            def row_fn(rr, res_vecs):
                def bitstep(i, p_vec):
                    bit = lax.shift_left(jnp.int32(1), jnp.int32(31) - i)
                    cand_u = p_vec | bit
                    cand = cand_u ^ _I32_MIN

                    def cnt_step(j, cnt):
                        for u in range(16):
                            blk = keys[rr, pl.ds(j * 256 + u * 16, 16)]
                            cnt = cnt + jnp.where(blk < cand, jnp.int32(1),
                                                  jnp.int32(0))
                        return cnt

                    cnt = lax.fori_loop(0, slices_row // 16, cnt_step,
                                        jnp.zeros((16,), jnp.int32))
                    cnt = parity_allreduce(cnt, jnp.add)
                    return jnp.where(cnt <= jnp.int32(half - 1),
                                     cand_u, p_vec)

                p_vec = lax.fori_loop(0, 32, bitstep,
                                      jnp.zeros((16,), jnp.int32))
                slo_vec = p_vec ^ _I32_MIN

                def fin(j, carry):
                    cnt, mins = carry
                    for u in range(16):
                        blk = keys[rr, pl.ds(j * 256 + u * 16, 16)]
                        le = blk <= slo_vec
                        cnt = cnt + jnp.where(le, jnp.int32(1), jnp.int32(0))
                        mins = jnp.minimum(mins,
                                           jnp.where(le, _I32_MAX, blk))
                    return cnt, mins

                cnt, mins = lax.fori_loop(
                    0, slices_row // 16, fin,
                    (jnp.zeros((16,), jnp.int32),
                     jnp.full((16,), _I32_MAX, jnp.int32)))
                cle = parity_allreduce(cnt, jnp.add)
                mab = parity_allreduce(mins, jnp.minimum)
                shi_vec = jnp.where(cle >= jnp.int32(half + 1),
                                    slo_vec, mab)
                lo_vec, hi_vec = res_vecs
                sel = pairid == rr
                return (jnp.where(sel, slo_vec, lo_vec),
                        jnp.where(sel, shi_vec, hi_vec))

            lo_vec, hi_vec = lax.fori_loop(
                0, chunk_rows, row_fn,
                (jnp.zeros((16,), jnp.int32), jnp.zeros((16,), jnp.int32)))
            res[pl.ds(cc * 32, 16)] = lo_vec
            res[pl.ds(cc * 32 + 16, 16)] = hi_vec

        def pair_fn(p, _):
            for b in range(2):
                do_chunk(2 * p + b, ins[b], sems[b])
            return jnp.int32(0)

        lax.fori_loop(0, nchunks // 2, pair_fn, jnp.int32(0))
        if nchunks % 2:
            do_chunk(jnp.int32(nchunks - 1), ins[0], sems[0])
        pltpu.sync_copy(res, out_hbm.at[wid])

    out = sc_kern(x2d)
    r = out.reshape(NW, nchunks, 2, 16)
    lo = r[:, :, 0, :].reshape(nb, 2)
    hi = r[:, :, 1, :].reshape(nb, 2)

    def unmap(s):
        return lax.bitcast_convert_type(
            jnp.where(s < 0, s ^ jnp.int32(0x7FFFFFFF), s), jnp.float32)

    return (unmap(lo) + unmap(hi)) * jnp.float32(0.5)


def _tc_median(x2d, b, n):
    rows = 128 if b % 128 == 0 else 8
    body = functools.partial(_median_body, n=n, rows=rows)
    return pl.pallas_call(
        body,
        grid=(b // rows,),
        in_specs=[pl.BlockSpec((rows, n * 2), lambda i: (i, 0))],
        out_specs=pl.BlockSpec((rows, 2), lambda i: (i, 0)),
        out_shape=jax.ShapeDtypeStruct((b, 2), jnp.float32),
    )(x2d)


def kernel(inputs):
    b, n, c = inputs.shape
    assert c == 2 and n % 2 == 0
    b_sc = (b * 3 // 8) // 256 * 256 if plsc is not None else 0
    x2d = inputs.reshape(b, n * c)
    if b_sc and (b - b_sc) % 128 == 0:
        x_i = lax.bitcast_convert_type(x2d, jnp.int32)
        med_sc = _sc_median(x_i, b - b_sc, b_sc, n)
        med_tc = _tc_median(x2d, b - b_sc, n)
        med = jnp.concatenate([med_tc, med_sc], axis=0)
    else:
        med = _tc_median(x2d, b, n)
    return med.reshape(b, 1, c)

# --- scband reference (transcript-rebuilt; emitter-appended) ---
"""Pipeline reference for scband-median-model-38835094290958 (READ-ONLY COPY).

The authoritative reference and input builder live on the scoring server;
editing this copy changes nothing except your own understanding.
"""

import jax, jax.numpy as jnp
import numpy as np

def setup_inputs(seed: int = 0) -> dict:
    key = jax.random.key(seed)
    inputs = jax.random.normal(key, (4096, 2048, 2), dtype=jnp.float32)
    return {"inputs": inputs}

def reference(inputs):
    # tf.sort(inputs, axis=1): independent sort per (batch, channel) column
    sorted_inputs = jnp.sort(inputs, axis=1)
    num_elements = inputs.shape[1]
    median_index = num_elements // 2
    if num_elements % 2 == 0:
        median1 = sorted_inputs[:, median_index, :]
        median2 = sorted_inputs[:, median_index - 1, :]
        median = (median1 + median2) / 2.0
    else:
        median = sorted_inputs[:, median_index, :]
    return jnp.expand_dims(median, axis=1)

if __name__ == "__main__":
    import jax
    _d = setup_inputs()
    print(jax.jit(kernel)(*tuple(_d.values())))

</pallas_src>

<mosaic_0001>
#map = affine_map<(d0, d1) -> (0, 0)>
module attributes {stable_mosaic.version = 14 : i64} {
  func.func @sc_kern(%arg0: i32, %arg1: i32, %arg2: memref<4096x4096xi32, #tpu.memory_space<hbm>>, %arg3: memref<32x192xi32, #tpu.memory_space<hbm>>, %arg4: memref<8x4096xi32, #tpu.memory_space<vmem>>, %arg5: memref<8x4096xi32, #tpu.memory_space<vmem>>, %arg6: memref<8x4096xi32, #tpu.memory_space<vmem>>, %arg7: memref<192xi32, #tpu.memory_space<vmem>>, %arg8: memref<!tpu.dma_semaphore, #tpu.memory_space<semaphore_mem>>, %arg9: memref<!tpu.dma_semaphore, #tpu.memory_space<semaphore_mem>>) attributes {dimension_semantics = [#tpu.dimension_semantics<core_parallel>, #tpu.dimension_semantics<subcore_parallel>], iteration_bounds = array<i64: 2, 16>, scalar_prefetch = 0 : i64, scratch_operands = 6 : i64, tpu.core_type = #tpu.core_type<sc_vector_subcore>, window_params = [{transform_indices = #map}, {transform_indices = #map}]} {
    %mul3A = arith.constant 2 : i32
    %mul3A_0 = arith.muli %arg1, %mul3A : i32
    %add3A = arith.addi %mul3A_0, %arg0 : i32
    %mul3A_1 = arith.constant 48 : i32
    %mul3A_2 = arith.muli %add3A, %mul3A_1 : i32
    %add3A_3 = arith.constant 2560 : i32
    %add3A_4 = arith.addi %add3A_3, %mul3A_2 : i32
    %iota3A = tpu.iota {dimensions = array<i32: 0>} : vector<16xi32>
    %shift_right_logical3A = arith.constant 1 : i32
    %shift_right_logical3A_5 = vector.broadcast %shift_right_logical3A : i32 to vector<16xi32>
    %shift_right_logical3A_6 = arith.shrui %iota3A, %shift_right_logical3A_5 : vector<16xi32>
    %add3A_7 = arith.constant 0 : i32
    %add3A_8 = arith.addi %add3A_4, %add3A_7 : i32
    %dma_start3A = arith.constant 0 : i32
    %dma_start3A_9 = tpu.memref_slice %arg2[%add3A_8, %dma_start3A] : memref<4096x4096xi32, #tpu.memory_space<hbm>> -> memref<8x4096xi32, #tpu.memory_space<hbm>>
    %dma_start3A_10 = arith.constant 0 : i32
    %dma_start3A_11 = tpu.memref_slice %arg2[%add3A_8, %dma_start3A_10] : memref<4096x4096xi32, #tpu.memory_space<hbm>> -> memref<8x4096xi32, #tpu.memory_space<hbm>>
    tpu.enqueue_dma source(%dma_start3A_11 : memref<8x4096xi32, #tpu.memory_space<hbm>>) target(%arg4 : memref<8x4096xi32, #tpu.memory_space<vmem>>) target_semaphore(%arg8 : memref<!tpu.dma_semaphore, #tpu.memory_space<semaphore_mem>>)
    %add3A_12 = arith.constant 8 : i32
    %add3A_13 = arith.addi %add3A_4, %add3A_12 : i32
    %dma_start3A_14 = arith.constant 0 : i32
    %dma_start3A_15 = tpu.memref_slice %arg2[%add3A_13, %dma_start3A_14] : memref<4096x4096xi32, #tpu.memory_space<hbm>> -> memref<8x4096xi32, #tpu.memory_space<hbm>>
    %dma_start3A_16 = arith.constant 0 : i32
    %dma_start3A_17 = tpu.memref_slice %arg2[%add3A_13, %dma_start3A_16] : memref<4096x4096xi32, #tpu.memory_space<hbm>> -> memref<8x4096xi32, #tpu.memory_space<hbm>>
    tpu.enqueue_dma source(%dma_start3A_17 : memref<8x4096xi32, #tpu.memory_space<hbm>>) target(%arg5 : memref<8x4096xi32, #tpu.memory_space<vmem>>) target_semaphore(%arg9 : memref<!tpu.dma_semaphore, #tpu.memory_space<semaphore_mem>>)
    %scan3A = arith.constant 2147483647 : i32
    %scan3A_18 = arith.constant -2147483648 : i32
    %scan3A_19 = arith.constant 2147483647 : i32
    %scan3A_20 = arith.constant 0 : i32
    %scan3A_21 = arith.constant 0 : i32
    %scan3A_22 = arith.constant 3 : i32
    %scan3A_23 = arith.addi %scan3A_21, %scan3A_22 : i32
    %scan3A_24 = arith.constant 1 : i32
    %scan3A_25 = scf.for %scan3A_27 = %scan3A_21 to %scan3A_23 step %scan3A_24 iter_args(%scan3A_28 = %scan3A_20) -> (i32)  : i32 {
      %mul3A_29 = arith.constant 2 : i32
      %mul3A_30 = arith.muli %mul3A_29, %scan3A_27 : i32
      %add3A_31 = arith.constant 0 : i32
      %add3A_32 = arith.addi %mul3A_30, %add3A_31 : i32
      %mul3A_33 = arith.constant 8 : i32
      %mul3A_34 = arith.muli %add3A_32, %mul3A_33 : i32
      %add3A_35 = arith.addi %add3A_4, %mul3A_34 : i32
      %dma_wait3A = arith.constant 0 : i32
      %dma_wait3A_36 = tpu.memref_slice %arg2[%add3A_35, %dma_wait3A] : memref<4096x4096xi32, #tpu.memory_space<hbm>> -> memref<8x4096xi32, #tpu.memory_space<hbm>>
      %dma_wait3A_37 = arith.constant 0 : i32
      %dma_wait3A_38 = tpu.memref_slice %arg2[%add3A_35, %dma_wait3A_37] : memref<4096x4096xi32, #tpu.memory_space<hbm>> -> memref<8x4096xi32, #tpu.memory_space<hbm>>
      tpu.wait_dma2 semaphore(%arg8 : memref<!tpu.dma_semaphore, #tpu.memory_space<semaphore_mem>>) src(%dma_wait3A_38 : memref<8x4096xi32, #tpu.memory_space<hbm>>) dst(%arg4 : memref<8x4096xi32, #tpu.memory_space<vmem>>)
      %scan3A_39 = arith.constant 0 : i32
      %scan3A_40 = arith.constant 0 : i32
      %scan3A_41 = arith.constant 8 : i32
      %scan3A_42 = arith.addi %scan3A_40, %scan3A_41 : i32
      %scan3A_43 = arith.constant 1 : i32
      %scan3A_44 = scf.for %scan3A_122 = %scan3A_40 to %scan3A_42 step %scan3A_43 iter_args(%scan3A_123 = %scan3A_39) -> (i32)  : i32 {
        %scan3A_124 = arith.constant 0 : i32
        %scan3A_125 = arith.constant 0 : i32
        %scan3A_126 = arith.constant 16 : i32
        %scan3A_127 = arith.addi %scan3A_125, %scan3A_126 : i32
        %scan3A_128 = arith.constant 1 : i32
        %scan3A_129 = scf.for %scan3A_131 = %scan3A_125 to %scan3A_127 step %scan3A_128 iter_args(%scan3A_132 = %scan3A_124) -> (i32)  : i32 {
          %mul3A_133 = arith.constant 256 : i32
          %mul3A_134 = arith.muli %scan3A_131, %mul3A_133 : i32
          %add3A_135 = arith.constant 0 : i32
          %add3A_136 = arith.addi %mul3A_134, %add3A_135 : i32
          %get3A = arith.index_cast %scan3A_122 : i32 to index
          %get3A_137 = arith.index_cast %add3A_136 : i32 to index
          %get3A_138 = tpu.vector_load %arg4[%get3A, %get3A_137] {strides = array<i32>} : memref<8x4096xi32, #tpu.memory_space<vmem>>, vector<1x16xi32>,
          %get3A_139 = vector.shape_cast %get3A_138 : vector<1x16xi32> to vector<16xi32>
          %lt3A_140 = arith.constant 0 : i32
          %lt3A_141 = vector.broadcast %lt3A_140 : i32 to vector<16xi32>
          %lt3A_142 = arith.cmpi slt, %get3A_139, %lt3A_141 : vector<16xi32>
          %xor3A = vector.broadcast %scan3A : i32 to vector<16xi32>
          %xor3A_143 = arith.xori %get3A_139, %xor3A : vector<16xi32>
          %select_n3A = arith.select %lt3A_142, %xor3A_143, %get3A_139 : vector<16xi1>, vector<16xi32>
          %swap3A_144 = arith.index_cast %scan3A_122 : i32 to index
          %swap3A_145 = arith.index_cast %add3A_136 : i32 to index
          %swap3A_146 = tpu.vector_load %arg6[%swap3A_144, %swap3A_145] {strides = array<i32>} : memref<8x4096xi32, #tpu.memory_space<vmem>>, vector<1x16xi32>,
          %swap3A_147 = vector.shape_cast %swap3A_146 : vector<1x16xi32> to vector<16xi32>
          %swap3A_148 = vector.shape_cast %select_n3A : vector<16xi32> to vector<1x16xi32>
          tpu.vector_store %arg6[%swap3A_144, %swap3A_145], %swap3A_148 {strides = array<i32>} : memref<8x4096xi32, #tpu.memory_space<vmem>>, vector<1x16xi32>,
          %mul3A_149 = arith.constant 256 : i32
          %mul3A_150 = arith.muli %scan3A_131, %mul3A_149 : i32
          %add3A_151 = arith.constant 16 : i32
          %add3A_152 = arith.addi %mul3A_150, %add3A_151 : i32
          %get3A_153 = arith.index_cast %scan3A_122 : i32 to index
          %get3A_154 = arith.index_cast %add3A_152 : i32 to index
          %get3A_155 = tpu.vector_load %arg4[%get3A_153, %get3A_154] {strides = array<i32>} : memref<8x4096xi32, #tpu.memory_space<vmem>>, vector<1x16xi32>,
          %get3A_156 = vector.shape_cast %get3A_155 : vector<1x16xi32> to vector<16xi32>
          %lt3A_157 = arith.constant 0 : i32
          %lt3A_158 = vector.broadcast %lt3A_157 : i32 to vector<16xi32>
          %lt3A_159 = arith.cmpi slt, %get3A_156, %lt3A_158 : vector<16xi32>
          %xor3A_160 = vector.broadcast %scan3A : i32 to vector<16xi32>
          %xor3A_161 = arith.xori %get3A_156, %xor3A_160 : vector<16xi32>
          %select_n3A_162 = arith.select %lt3A_159, %xor3A_161, %get3A_156 : vector<16xi1>, vector<16xi32>
          %swap3A_163 = arith.index_cast %scan3A_122 : i32 to index
          %swap3A_164 = arith.index_cast %add3A_152 : i32 to index
          %swap3A_165 = tpu.vector_load %arg6[%swap3A_163, %swap3A_164] {strides = array<i32>} : memref<8x4096xi32, #tpu.memory_space<vmem>>, vector<1x16xi32>,
          %swap3A_166 = vector.shape_cast %swap3A_165 : vector<1x16xi32> to vector<16xi32>
          %swap3A_167 = vector.shape_cast %select_n3A_162 : vector<16xi32> to vector<1x16xi32>
          tpu.vector_store %arg6[%swap3A_163, %swap3A_164], %swap3A_167 {strides = array<i32>} : memref<8x4096xi32, #tpu.memory_space<vmem>>, vector<1x16xi32>,
          %mul3A_168 = arith.constant 256 : i32
          %mul3A_169 = arith.muli %scan3A_131, %mul3A_168 : i32
          %add3A_170 = arith.constant 32 : i32
          %add3A_171 = arith.addi %mul3A_169, %add3A_170 : i32
          %get3A_172 = arith.index_cast %scan3A_122 : i32 to index
          %get3A_173 = arith.index_cast %add3A_171 : i32 to index
          %get3A_174 = tpu.vector_load %arg4[%get3A_172, %get3A_173] {strides = array<i32>} : memref<8x4096xi32, #tpu.memory_space<vmem>>, vector<1x16xi32>,
          %get3A_175 = vector.shape_cast %get3A_174 : vector<1x16xi32> to vector<16xi32>
          %lt3A_176 = arith.constant 0 : i32
          %lt3A_177 = vector.broadcast %lt3A_176 : i32 to vector<16xi32>
          %lt3A_178 = arith.cmpi slt, %get3A_175, %lt3A_177 : vector<16xi32>
          %xor3A_179 = vector.broadcast %scan3A : i32 to vector<16xi32>
          %xor3A_180 = arith.xori %get3A_175, %xor3A_179 : vector<16xi32>
          %select_n3A_181 = arith.select %lt3A_178, %xor3A_180, %get3A_175 : vector<16xi1>, vector<16xi32>
          %swap3A_182 = arith.index_cast %scan3A_122 : i32 to index
          %swap3A_183 = arith.index_cast %add3A_171 : i32 to index
          %swap3A_184 = tpu.vector_load %arg6[%swap3A_182, %swap3A_183] {strides = array<i32>} : memref<8x4096xi32, #tpu.memory_space<vmem>>, vector<1x16xi32>,
          %swap3A_185 = vector.shape_cast %swap3A_184 : vector<1x16xi32> to vector<16xi32>
          %swap3A_186 = vector.shape_cast %select_n3A_181 : vector<16xi32> to vector<1x16xi32>
          tpu.vector_store %arg6[%swap3A_182, %swap3A_183], %swap3A_186 {strides = array<i32>} : memref<8x4096xi32, #tpu.memory_space<vmem>>, vector<1x16xi32>,
          %mul3A_187 = arith.constant 256 : i32
          %mul3A_188 = arith.muli %scan3A_131, %mul3A_187 : i32
          %add3A_189 = arith.constant 48 : i32
          %add3A_190 = arith.addi %mul3A_188, %add3A_189 : i32
          %get3A_191 = arith.index_cast %scan3A_122 : i32 to index
          %get3A_192 = arith.index_cast %add3A_190 : i32 to index
          %get3A_193 = tpu.vector_load %arg4[%get3A_191, %get3A_192] {strides = array<i32>} : memref<8x4096xi32, #tpu.memory_space<vmem>>, vector<1x16xi32>,
          %get3A_194 = vector.shape_cast %get3A_193 : vector<1x16xi32> to vector<16xi32>
          %lt3A_195 = arith.constant 0 : i32
          %lt3A_196 = vector.broadcast %lt3A_195 : i32 to vector<16xi32>
          %lt3A_197 = arith.cmpi slt, %get3A_194, %lt3A_196 : vector<16xi32>
          %xor3A_198 = vector.broadcast %scan3A : i32 to vector<16xi32>
          %xor3A_199 = arith.xori %get3A_194, %xor3A_198 : vector<16xi32>
          %select_n3A_200 = arith.select %lt3A_197, %xor3A_199, %get3A_194 : vector<16xi1>, vector<16xi32>
          %swap3A_201 = arith.index_cast %scan3A_122 : i32 to index
          %swap3A_202 = arith.index_cast %add3A_190 : i32 to index
          %swap3A_203 = tpu.vector_load %arg6[%swap3A_201, %swap3A_202] {strides = array<i32>} : memref<8x4096xi32, #tpu.memory_space<vmem>>, vector<1x16xi32>,
          %swap3A_204 = vector.shape_cast %swap3A_203 : vector<1x16xi32> to vector<16xi32>
          %swap3A_205 = vector.shape_cast %select_n3A_200 : vector<16xi32> to vector<1x16xi32>
          tpu.vector_store %arg6[%swap3A_201, %swap3A_202], %swap3A_205 {strides = array<i32>} : memref<8x4096xi32, #tpu.memory_space<vmem>>, vector<1x16xi32>,
          %mul3A_206 = arith.constant 256 : i32
          %mul3A_207 = arith.muli %scan3A_131, %mul3A_206 : i32
          %add3A_208 = arith.constant 64 : i32
          %add3A_209 = arith.addi %mul3A_207, %add3A_208 : i32
          %get3A_210 = arith.index_cast %scan3A_122 : i32 to index
          %get3A_211 = arith.index_cast %add3A_209 : i32 to index
          %get3A_212 = tpu.vector_load %arg4[%get3A_210, %get3A_211] {strides = array<i32>} : memref<8x4096xi32, #tpu.memory_space<vmem>>, vector<1x16xi32>,
          %get3A_213 = vector.shape_cast %get3A_212 : vector<1x16xi32> to vector<16xi32>
          %lt3A_214 = arith.constant 0 : i32
          %lt3A_215 = vector.broadcast %lt3A_214 : i32 to vector<16xi32>
          %lt3A_216 = arith.cmpi slt, %get3A_213, %lt3A_215 : vector<16xi32>
          %xor3A_217 = vector.broadcast %scan3A : i32 to vector<16xi32>
          %xor3A_218 = arith.xori %get3A_213, %xor3A_217 : vector<16xi32>
          %select_n3A_219 = arith.select %lt3A_216, %xor3A_218, %get3A_213 : vector<16xi1>, vector<16xi32>
          %swap3A_220 = arith.index_cast %scan3A_122 : i32 to index
          %swap3A_221 = arith.index_cast %add3A_209 : i32 to index
          %swap3A_222 = tpu.vector_load %arg6[%swap3A_220, %swap3A_221] {strides = array<i32>} : memref<8x4096xi32, #tpu.memory_space<vmem>>, vector<1x16xi32>,
          %swap3A_223 = vector.shape_cast %swap3A_222 : vector<1x16xi32> to vector<16xi32>
          %swap3A_224 = vector.shape_cast %select_n3A_219 : vector<16xi32> to vector<1x16xi32>
          tpu.vector_store %arg6[%swap3A_220, %swap3A_221], %swap3A_224 {strides = array<i32>} : memref<8x4096xi32, #tpu.memory_space<vmem>>, vector<1x16xi32>,
          %mul3A_225 = arith.constant 256 : i32
          %mul3A_226 = arith.muli %scan3A_131, %mul3A_225 : i32
          %add3A_227 = arith.constant 80 : i32
          %add3A_228 = arith.addi %mul3A_226, %add3A_227 : i32
          %get3A_229 = arith.index_cast %scan3A_122 : i32 to index
          %get3A_230 = arith.index_cast %add3A_228 : i32 to index
          %get3A_231 = tpu.vector_load %arg4[%get3A_229, %get3A_230] {strides = array<i32>} : memref<8x4096xi32, #tpu.memory_space<vmem>>, vector<1x16xi32>,
          %get3A_232 = vector.shape_cast %get3A_231 : vector<1x16xi32> to vector<16xi32>
          %lt3A_233 = arith.constant 0 : i32
          %lt3A_234 = vector.broadcast %lt3A_233 : i32 to vector<16xi32>
          %lt3A_235 = arith.cmpi slt, %get3A_232, %lt3A_234 : vector<16xi32>
          %xor3A_236 = vector.broadcast %scan3A : i32 to vector<16xi32>
          %xor3A_237 = arith.xori %get3A_232, %xor3A_236 : vector<16xi32>
          %select_n3A_238 = arith.select %lt3A_235, %xor3A_237, %get3A_232 : vector<16xi1>, vector<16xi32>
          %swap3A_239 = arith.index_cast %scan3A_122 : i32 to index
          %swap3A_240 = arith.index_cast %add3A_228 : i32 to index
          %swap3A_241 = tpu.vector_load %arg6[%swap3A_239, %swap3A_240] {strides = array<i32>} : memref<8x4096xi32, #tpu.memory_space<vmem>>, vector<1x16xi32>,
          %swap3A_242 = vector.shape_cast %swap3A_241 : vector<1x16xi32> to vector<16xi32>
          %swap3A_243 = vector.shape_cast %select_n3A_238 : vector<16xi32> to vector<1x16xi32>
          tpu.vector_store %arg6[%swap3A_239, %swap3A_240], %swap3A_243 {strides = array<i32>} : memref<8x4096xi32, #tpu.memory_space<vmem>>, vector<1x16xi32>,
          %mul3A_244 = arith.constant 256 : i32
          %mul3A_245 = arith.muli %scan3A_131, %mul3A_244 : i32
          %add3A_246 = arith.constant 96 : i32
          %add3A_247 = arith.addi %mul3A_245, %add3A_246 : i32
          %get3A_248 = arith.index_cast %scan3A_122 : i32 to index
          %get3A_249 = arith.index_cast %add3A_247 : i32 to index
          %get3A_250 = tpu.vector_load %arg4[%get3A_248, %get3A_249] {strides = array<i32>} : memref<8x4096xi32, #tpu.memory_space<vmem>>, vector<1x16xi32>,
          %get3A_251 = vector.shape_cast %get3A_250 : vector<1x16xi32> to vector<16xi32>
          %lt3A_252 = arith.constant 0 : i32
          %lt3A_253 = vector.broadcast %lt3A_252 : i32 to vector<16xi32>
          %lt3A_254 = arith.cmpi slt, %get3A_251, %lt3A_253 : vector<16xi32>
          %xor3A_255 = vector.broadcast %scan3A : i32 to vector<16xi32>
          %xor3A_256 = arith.xori %get3A_251, %xor3A_255 : vector<16xi32>
          %select_n3A_257 = arith.select %lt3A_254, %xor3A_256, %get3A_251 : vector<16xi1>, vector<16xi32>
          %swap3A_258 = arith.index_cast %scan3A_122 : i32 to index
          %swap3A_259 = arith.index_cast %add3A_247 : i32 to index
          %swap3A_260 = tpu.vector_load %arg6[%swap3A_258, %swap3A_259] {strides = array<i32>} : memref<8x4096xi32, #tpu.memory_space<vmem>>, vector<1x16xi32>,
          %swap3A_261 = vector.shape_cast %swap3A_260 : vector<1x16xi32> to vector<16xi32>
          %swap3A_262 = vector.shape_cast %select_n3A_257 : vector<16xi32> to vector<1x16xi32>
          tpu.vector_store %arg6[%swap3A_258, %swap3A_259], %swap3A_262 {strides = array<i32>} : memref<8x4096xi32, #tpu.memory_space<vmem>>, vector<1x16xi32>,
          %mul3A_263 = arith.constant 256 : i32
          %mul3A_264 = arith.muli %scan3A_131, %mul3A_263 : i32
          %add3A_265 = arith.constant 112 : i32
          %add3A_266 = arith.addi %mul3A_264, %add3A_265 : i32
          %get3A_267 = arith.index_cast %scan3A_122 : i32 to index
          %get3A_268 = arith.index_cast %add3A_266 : i32 to index
          %get3A_269 = tpu.vector_load %arg4[%get3A_267, %get3A_268] {strides = array<i32>} : memref<8x4096xi32, #tpu.memory_space<vmem>>, vector<1x16xi32>,
          %get3A_270 = vector.shape_cast %get3A_269 : vector<1x16xi32> to vector<16xi32>
          %lt3A_271 = arith.constant 0 : i32
          %lt3A_272 = vector.broadcast %lt3A_271 : i32 to vector<16xi32>
          %lt3A_273 = arith.cmpi slt, %get3A_270, %lt3A_272 : vector<16xi32>
          %xor3A_274 = vector.broadcast %scan3A : i32 to vector<16xi32>
          %xor3A_275 = arith.xori %get3A_270, %xor3A_274 : vector<16xi32>
          %select_n3A_276 = arith.select %lt3A_273, %xor3A_275, %get3A_270 : vector<16xi1>, vector<16xi32>
          %swap3A_277 = arith.index_cast %scan3A_122 : i32 to index
          %swap3A_278 = arith.index_cast %add3A_266 : i32 to index
          %swap3A_279 = tpu.vector_load %arg6[%swap3A_277, %swap3A_278] {strides = array<i32>} : memref<8x4096xi32, #tpu.memory_space<vmem>>, vector<1x16xi32>,
          %swap3A_280 = vector.shape_cast %swap3A_279 : vector<1x16xi32> to vector<16xi32>
          %swap3A_281 = vector.shape_cast %select_n3A_276 : vector<16xi32> to vector<1x16xi32>
          tpu.vector_store %arg6[%swap3A_277, %swap3A_278], %swap3A_281 {strides = array<i32>} : memref<8x4096xi32, #tpu.memory_space<vmem>>, vector<1x16xi32>,
          %mul3A_282 = arith.constant 256 : i32
          %mul3A_283 = arith.muli %scan3A_131, %mul3A_282 : i32
          %add3A_284 = arith.constant 128 : i32
          %add3A_285 = arith.addi %mul3A_283, %add3A_284 : i32
          %get3A_286 = arith.index_cast %scan3A_122 : i32 to index
          %get3A_287 = arith.index_cast %add3A_285 : i32 to index
          %get3A_288 = tpu.vector_load %arg4[%get3A_286, %get3A_287] {strides = array<i32>} : memref<8x4096xi32, #tpu.memory_space<vmem>>, vector<1x16xi32>,
          %get3A_289 = vector.shape_cast %get3A_288 : vector<1x16xi32> to vector<16xi32>
          %lt3A_290 = arith.constant 0 : i32
          %lt3A_291 = vector.broadcast %lt3A_290 : i32 to vector<16xi32>
          %lt3A_292 = arith.cmpi slt, %get3A_289, %lt3A_291 : vector<16xi32>
          %xor3A_293 = vector.broadcast %scan3A : i32 to vector<16xi32>
          %xor3A_294 = arith.xori %get3A_289, %xor3A_293 : vector<16xi32>
          %select_n3A_295 = arith.select %lt3A_292, %xor3A_294, %get3A_289 : vector<16xi1>, vector<16xi32>
          %swap3A_296 = arith.index_cast %scan3A_122 : i32 to index
          %swap3A_297 = arith.index_cast %add3A_285 : i32 to index
          %swap3A_298 = tpu.vector_load %arg6[%swap3A_296, %swap3A_297] {strides = array<i32>} : memref<8x4096xi32, #tpu.memory_space<vmem>>, vector<1x16xi32>,
          %swap3A_299 = vector.shape_cast %swap3A_298 : vector<1x16xi32> to vector<16xi32>
          %swap3A_300 = vector.shape_cast %select_n3A_295 : vector<16xi32> to vector<1x16xi32>
          tpu.vector_store %arg6[%swap3A_296, %swap3A_297], %swap3A_300 {strides = array<i32>} : memref<8x4096xi32, #tpu.memory_space<vmem>>, vector<1x16xi32>,
          %mul3A_301 = arith.constant 256 : i32
          %mul3A_302 = arith.muli %scan3A_131, %mul3A_301 : i32
          %add3A_303 = arith.constant 144 : i32
          %add3A_304 = arith.addi %mul3A_302, %add3A_303 : i32
          %get3A_305 = arith.index_cast %scan3A_122 : i32 to index
          %get3A_306 = arith.index_cast %add3A_304 : i32 to index
          %get3A_307 = tpu.vector_load %arg4[%get3A_305, %get3A_306] {strides = array<i32>} : memref<8x4096xi32, #tpu.memory_space<vmem>>, vector<1x16xi32>,
          %get3A_308 = vector.shape_cast %get3A_307 : vector<1x16xi32> to vector<16xi32>
          %lt3A_309 = arith.constant 0 : i32
          %lt3A_310 = vector.broadcast %lt3A_309 : i32 to vector<16xi32>
          %lt3A_311 = arith.cmpi slt, %get3A_308, %lt3A_310 : vector<16xi32>
          %xor3A_312 = vector.broadcast %scan3A : i32 to vector<16xi32>
          %xor3A_313 = arith.xori %get3A_308, %xor3A_312 : vector<16xi32>
          %select_n3A_314 = arith.select %lt3A_311, %xor3A_313, %get3A_308 : vector<16xi1>, vector<16xi32>
          %swap3A_315 = arith.index_cast %scan3A_122 : i32 to index
          %swap3A_316 = arith.index_cast %add3A_304 : i32 to index
          %swap3A_317 = tpu.vector_load %arg6[%swap3A_315, %swap3A_316] {strides = array<i32>} : memref<8x4096xi32, #tpu.memory_space<vmem>>, vector<1x16xi32>,
          %swap3A_318 = vector.shape_cast %swap3A_317 : vector<1x16xi32> to vector<16xi32>
          %swap3A_319 = vector.shape_cast %select_n3A_314 : vector<16xi32> to vector<1x16xi32>
          tpu.vector_store %arg6[%swap3A_315, %swap3A_316], %swap3A_319 {strides = array<i32>} : memref<8x4096xi32, #tpu.memory_space<vmem>>, vector<1x16xi32>,
          %mul3A_320 = arith.constant 256 : i32
          %mul3A_321 = arith.muli %scan3A_131, %mul3A_320 : i32
          %add3A_322 = arith.constant 160 : i32
          %add3A_323 = arith.addi %mul3A_321, %add3A_322 : i32
          %get3A_324 = arith.index_cast %scan3A_122 : i32 to index
          %get3A_325 = arith.index_cast %add3A_323 : i32 to index
          %get3A_326 = tpu.vector_load %arg4[%get3A_324, %get3A_325] {strides = array<i32>} : memref<8x4096xi32, #tpu.memory_space<vmem>>, vector<1x16xi32>,
          %get3A_327 = vector.shape_cast %get3A_326 : vector<1x16xi32> to vector<16xi32>
          %lt3A_328 = arith.constant 0 : i32
          %lt3A_329 = vector.broadcast %lt3A_328 : i32 to vector<16xi32>
          %lt3A_330 = arith.cmpi slt, %get3A_327, %lt3A_329 : vector<16xi32>
          %xor3A_331 = vector.broadcast %scan3A : i32 to vector<16xi32>
          %xor3A_332 = arith.xori %get3A_327, %xor3A_331 : vector<16xi32>
          %select_n3A_333 = arith.select %lt3A_330, %xor3A_332, %get3A_327 : vector<16xi1>, vector<16xi32>
          %swap3A_334 = arith.index_cast %scan3A_122 : i32 to index
          %swap3A_335 = arith.index_cast %add3A_323 : i32 to index
          %swap3A_336 = tpu.vector_load %arg6[%swap3A_334, %swap3A_335] {strides = array<i32>} : memref<8x4096xi32, #tpu.memory_space<vmem>>, vector<1x16xi32>,
          %swap3A_337 = vector.shape_cast %swap3A_336 : vector<1x16xi32> to vector<16xi32>
          %swap3A_338 = vector.shape_cast %select_n3A_333 : vector<16xi32> to vector<1x16xi32>
          tpu.vector_store %arg6[%swap3A_334, %swap3A_335], %swap3A_338 {strides = array<i32>} : memref<8x4096xi32, #tpu.memory_space<vmem>>, vector<1x16xi32>,
          %mul3A_339 = arith.constant 256 : i32
          %mul3A_340 = arith.muli %scan3A_131, %mul3A_339 : i32
          %add3A_341 = arith.constant 176 : i32
          %add3A_342 = arith.addi %mul3A_340, %add3A_341 : i32
          %get3A_343 = arith.index_cast %scan3A_122 : i32 to index
          %get3A_344 = arith.index_cast %add3A_342 : i32 to index
          %get3A_345 = tpu.vector_load %arg4[%get3A_343, %get3A_344] {strides = array<i32>} : memref<8x4096xi32, #tpu.memory_space<vmem>>, vector<1x16xi32>,
          %get3A_346 = vector.shape_cast %get3A_345 : vector<1x16xi32> to vector<16xi32>
          %lt3A_347 = arith.constant 0 : i32
          %lt3A_348 = vector.broadcast %lt3A_347 : i32 to vector<16xi32>
          %lt3A_349 = arith.cmpi slt, %get3A_346, %lt3A_348 : vector<16xi32>
          %xor3A_350 = vector.broadcast %scan3A : i32 to vector<16xi32>
          %xor3A_351 = arith.xori %get3A_346, %xor3A_350 : vector<16xi32>
          %select_n3A_352 = arith.select %lt3A_349, %xor3A_351, %get3A_346 : vector<16xi1>, vector<16xi32>
          %swap3A_353 = arith.index_cast %scan3A_122 : i32 to index
          %swap3A_354 = arith.index_cast %add3A_342 : i32 to index
          %swap3A_355 = tpu.vector_load %arg6[%swap3A_353, %swap3A_354] {strides = array<i32>} : memref<8x4096xi32, #tpu.memory_space<vmem>>, vector<1x16xi32>,
          %swap3A_356 = vector.shape_cast %swap3A_355 : vector<1x16xi32> to vector<16xi32>
          %swap3A_357 = vector.shape_cast %select_n3A_352 : vector<16xi32> to vector<1x16xi32>
          tpu.vector_store %arg6[%swap3A_353, %swap3A_354], %swap3A_357 {strides = array<i32>} : memref<8x4096xi32, #tpu.memory_space<vmem>>, vector<1x16xi32>,
          %mul3A_358 = arith.constant 256 : i32
          %mul3A_359 = arith.muli %scan3A_131, %mul3A_358 : i32
          %add3A_360 = arith.constant 192 : i32
          %add3A_361 = arith.addi %mul3A_359, %add3A_360 : i32
          %get3A_362 = arith.index_cast %scan3A_122 : i32 to index
          %get3A_363 = arith.index_cast %add3A_361 : i32 to index
          %get3A_364 = tpu.vector_load %arg4[%get3A_362, %get3A_363] {strides = array<i32>} : memref<8x4096xi32, #tpu.memory_space<vmem>>, vector<1x16xi32>,
          %get3A_365 = vector.shape_cast %get3A_364 : vector<1x16xi32> to vector<16xi32>
          %lt3A_366 = arith.constant 0 : i32
          %lt3A_367 = vector.broadcast %lt3A_366 : i32 to vector<16xi32>
          %lt3A_368 = arith.cmpi slt, %get3A_365, %lt3A_367 : vector<16xi32>
          %xor3A_369 = vector.broadcast %scan3A : i32 to vector<16xi32>
          %xor3A_370 = arith.xori %get3A_365, %xor3A_369 : vector<16xi32>
          %select_n3A_371 = arith.select %lt3A_368, %xor3A_370, %get3A_365 : vector<16xi1>, vector<16xi32>
          %swap3A_372 = arith.index_cast %scan3A_122 : i32 to index
          %swap3A_373 = arith.index_cast %add3A_361 : i32 to index
          %swap3A_374 = tpu.vector_load %arg6[%swap3A_372, %swap3A_373] {strides = array<i32>} : memref<8x4096xi32, #tpu.memory_space<vmem>>, vector<1x16xi32>,
          %swap3A_375 = vector.shape_cast %swap3A_374 : vector<1x16xi32> to vector<16xi32>
          %swap3A_376 = vector.shape_cast %select_n3A_371 : vector<16xi32> to vector<1x16xi32>
          tpu.vector_store %arg6[%swap3A_372, %swap3A_373], %swap3A_376 {strides = array<i32>} : memref<8x4096xi32, #tpu.memory_space<vmem>>, vector<1x16xi32>,
          %mul3A_377 = arith.constant 256 : i32
          %mul3A_378 = arith.muli %scan3A_131, %mul3A_377 : i32
          %add3A_379 = arith.constant 208 : i32
          %add3A_380 = arith.addi %mul3A_378, %add3A_379 : i32
          %get3A_381 = arith.index_cast %scan3A_122 : i32 to index
          %get3A_382 = arith.index_cast %add3A_380 : i32 to index
          %get3A_383 = tpu.vector_load %arg4[%get3A_381, %get3A_382] {strides = array<i32>} : memref<8x4096xi32, #tpu.memory_space<vmem>>, vector<1x16xi32>,
          %get3A_384 = vector.shape_cast %get3A_383 : vector<1x16xi32> to vector<16xi32>
          %lt3A_385 = arith.constant 0 : i32
          %lt3A_386 = vector.broadcast %lt3A_385 : i32 to vector<16xi32>
          %lt3A_387 = arith.cmpi slt, %get3A_384, %lt3A_386 : vector<16xi32>
          %xor3A_388 = vector.broadcast %scan3A : i32 to vector<16xi32>
          %xor3A_389 = arith.xori %get3A_384, %xor3A_388 : vector<16xi32>
          %select_n3A_390 = arith.select %lt3A_387, %xor3A_389, %get3A_384 : vector<16xi1>, vector<16xi32>
          %swap3A_391 = arith.index_cast %scan3A_122 : i32 to index
          %swap3A_392 = arith.index_cast %add3A_380 : i32 to index
          %swap3A_393 = tpu.vector_load %arg6[%swap3A_391, %swap3A_392] {strides = array<i32>} : memref<8x4096xi32, #tpu.memory_space<vmem>>, vector<1x16xi32>,
          %swap3A_394 = vector.shape_cast %swap3A_393 : vector<1x16xi32> to vector<16xi32>
          %swap3A_395 = vector.shape_cast %select_n3A_390 : vector<16xi32> to vector<1x16xi32>
          tpu.vector_store %arg6[%swap3A_391, %swap3A_392], %swap3A_395 {strides = array<i32>} : memref<8x4096xi32, #tpu.memory_space<vmem>>, vector<1x16xi32>,
          %mul3A_396 = arith.constant 256 : i32
          %mul3A_397 = arith.muli %scan3A_131, %mul3A_396 : i32
          %add3A_398 = arith.constant 224 : i32
          %add3A_399 = arith.addi %mul3A_397, %add3A_398 : i32
          %get3A_400 = arith.index_cast %scan3A_122 : i32 to index
          %get3A_401 = arith.index_cast %add3A_399 : i32 to index
          %get3A_402 = tpu.vector_load %arg4[%get3A_400, %get3A_401] {strides = array<i32>} : memref<8x4096xi32, #tpu.memory_space<vmem>>, vector<1x16xi32>,
          %get3A_403 = vector.shape_cast %get3A_402 : vector<1x16xi32> to vector<16xi32>
          %lt3A_404 = arith.constant 0 : i32
          %lt3A_405 = vector.broadcast %lt3A_404 : i32 to vector<16xi32>
          %lt3A_406 = arith.cmpi slt, %get3A_403, %lt3A_405 : vector<16xi32>
          %xor3A_407 = vector.broadcast %scan3A : i32 to vector<16xi32>
          %xor3A_408 = arith.xori %get3A_403, %xor3A_407 : vector<16xi32>
          %select_n3A_409 = arith.select %lt3A_406, %xor3A_408, %get3A_403 : vector<16xi1>, vector<16xi32>
          %swap3A_410 = arith.index_cast %scan3A_122 : i32 to index
          %swap3A_411 = arith.index_cast %add3A_399 : i32 to index
          %swap3A_412 = tpu.vector_load %arg6[%swap3A_410, %swap3A_411] {strides = array<i32>} : memref<8x4096xi32, #tpu.memory_space<vmem>>, vector<1x16xi32>,
          %swap3A_413 = vector.shape_cast %swap3A_412 : vector<1x16xi32> to vector<16xi32>
          %swap3A_414 = vector.shape_cast %select_n3A_409 : vector<16xi32> to vector<1x16xi32>
          tpu.vector_store %arg6[%swap3A_410, %swap3A_411], %swap3A_414 {strides = array<i32>} : memref<8x4096xi32, #tpu.memory_space<vmem>>, vector<1x16xi32>,
          %mul3A_415 = arith.constant 256 : i32
          %mul3A_416 = arith.muli %scan3A_131, %mul3A_415 : i32
          %add3A_417 = arith.constant 240 : i32
          %add3A_418 = arith.addi %mul3A_416, %add3A_417 : i32
          %get3A_419 = arith.index_cast %scan3A_122 : i32 to index
          %get3A_420 = arith.index_cast %add3A_418 : i32 to index
          %get3A_421 = tpu.vector_load %arg4[%get3A_419, %get3A_420] {strides = array<i32>} : memref<8x4096xi32, #tpu.memory_space<vmem>>, vector<1x16xi32>,
          %get3A_422 = vector.shape_cast %get3A_421 : vector<1x16xi32> to vector<16xi32>
          %lt3A_423 = arith.constant 0 : i32
          %lt3A_424 = vector.broadcast %lt3A_423 : i32 to vector<16xi32>
          %lt3A_425 = arith.cmpi slt, %get3A_422, %lt3A_424 : vector<16xi32>
          %xor3A_426 = vector.broadcast %scan3A : i32 to vector<16xi32>
          %xor3A_427 = arith.xori %get3A_422, %xor3A_426 : vector<16xi32>
          %select_n3A_428 = arith.select %lt3A_425, %xor3A_427, %get3A_422 : vector<16xi1>, vector<16xi32>
          %swap3A_429 = arith.index_cast %scan3A_122 : i32 to index
          %swap3A_430 = arith.index_cast %add3A_418 : i32 to index
          %swap3A_431 = tpu.vector_load %arg6[%swap3A_429, %swap3A_430] {strides = array<i32>} : memref<8x4096xi32, #tpu.memory_space<vmem>>, vector<1x16xi32>,
          %swap3A_432 = vector.shape_cast %swap3A_431 : vector<1x16xi32> to vector<16xi32>
          %swap3A_433 = vector.shape_cast %select_n3A_428 : vector<16xi32> to vector<1x16xi32>
          tpu.vector_store %arg6[%swap3A_429, %swap3A_430], %swap3A_433 {strides = array<i32>} : memref<8x4096xi32, #tpu.memory_space<vmem>>, vector<1x16xi32>,
          %scan3A_434 = arith.constant 0 : i32
          scf.yield %scan3A_434 : i32
        }
        %scan3A_130 = arith.constant 16 : i32
        scf.yield %scan3A_129 : i32
      }
      %scan3A_45 = arith.constant 8 : i32
      %add3A_46 = arith.constant 2 : i32
      %add3A_47 = arith.addi %add3A_32, %add3A_46 : i32
      %lt3A = arith.constant 6 : i32
      %lt3A_48 = arith.cmpi slt, %add3A_47, %lt3A : i32
      %convert_element_type3A = arith.extui %lt3A_48 : i1 to i32
      %cond3A = arith.constant 0 : i32
      %cond3A_49 = arith.cmpi ne, %convert_element_type3A, %cond3A : i32
      scf.if %cond3A_49 {
        %add3A_122 = arith.constant 2 : i32
        %add3A_123 = arith.addi %add3A_32, %add3A_122 : i32
        %mul3A_124 = arith.constant 8 : i32
        %mul3A_125 = arith.muli %add3A_123, %mul3A_124 : i32
        %add3A_126 = arith.addi %add3A_4, %mul3A_125 : i32
        %dma_start3A_127 = arith.constant 0 : i32
        %dma_start3A_128 = tpu.memref_slice %arg2[%add3A_126, %dma_start3A_127] : memref<4096x4096xi32, #tpu.memory_space<hbm>> -> memref<8x4096xi32, #tpu.memory_space<hbm>>
        %dma_start3A_129 = arith.constant 0 : i32
        %dma_start3A_130 = tpu.memref_slice %arg2[%add3A_126, %dma_start3A_129] : memref<4096x4096xi32, #tpu.memory_space<hbm>> -> memref<8x4096xi32, #tpu.memory_space<hbm>>
        tpu.enqueue_dma source(%dma_start3A_130 : memref<8x4096xi32, #tpu.memory_space<hbm>>) target(%arg4 : memref<8x4096xi32, #tpu.memory_space<vmem>>) target_semaphore(%arg8 : memref<!tpu.dma_semaphore, #tpu.memory_space<semaphore_mem>>)
      } else {
      }
      %broadcast_in_dim3A = arith.constant 0 : i32
      %broadcast_in_dim3A_50 = vector.broadcast %broadcast_in_dim3A : i32 to vector<16xi32>
      %broadcast_in_dim3A_51 = arith.constant 0 : i32
      %broadcast_in_dim3A_52 = vector.broadcast %broadcast_in_dim3A_51 : i32 to vector<16xi32>
      %scan3A_53 = arith.constant 0 : i32
      %scan3A_54 = arith.constant 8 : i32
      %scan3A_55 = arith.addi %scan3A_53, %scan3A_54 : i32
      %scan3A_56 = arith.constant 1 : i32
      %scan3A_57:2 = scf.for %scan3A_122 = %scan3A_53 to %scan3A_55 step %scan3A_56 iter_args(%scan3A_123 = %broadcast_in_dim3A_50, %scan3A_124 = %broadcast_in_dim3A_52) -> (vector<16xi32>, vector<16xi32>)  : i32 {
        %broadcast_in_dim3A_125 = arith.constant 0 : i32
        %broadcast_in_dim3A_126 = vector.broadcast %broadcast_in_dim3A_125 : i32 to vector<16xi32>
        %scan3A_127 = arith.constant 0 : i32
        %scan3A_128 = arith.constant 32 : i32
        %scan3A_129 = arith.addi %scan3A_127, %scan3A_128 : i32
        %scan3A_130 = arith.constant 1 : i32
        %scan3A_131 = scf.for %scan3A_187 = %scan3A_127 to %scan3A_129 step %scan3A_130 iter_args(%scan3A_188 = %broadcast_in_dim3A_126) -> (vector<16xi32>)  : i32 {
          %sub3A = arith.constant 31 : i32
          %sub3A_189 = arith.subi %sub3A, %scan3A_187 : i32
          %shift_left3A = arith.constant 1 : i32
          %shift_left3A_190 = arith.shli %shift_left3A, %sub3A_189 : i32
          %or3A = vector.broadcast %shift_left3A_190 : i32 to vector<16xi32>
          %or3A_191 = arith.ori %scan3A_188, %or3A : vector<16xi32>
          %xor3A_192 = vector.broadcast %scan3A_18 : i32 to vector<16xi32>
          %xor3A_193 = arith.xori %or3A_191, %xor3A_192 : vector<16xi32>
          %broadcast_in_dim3A_194 = arith.constant 0 : i32
          %broadcast_in_dim3A_195 = vector.broadcast %broadcast_in_dim3A_194 : i32 to vector<16xi32>
          %scan3A_196 = arith.constant 0 : i32
          %scan3A_197 = arith.constant 16 : i32
          %scan3A_198 = arith.addi %scan3A_196, %scan3A_197 : i32
          %scan3A_199 = arith.constant 1 : i32
          %scan3A_200 = scf.for %scan3A_226 = %scan3A_196 to %scan3A_198 step %scan3A_199 iter_args(%scan3A_227 = %broadcast_in_dim3A_195) -> (vector<16xi32>)  : i32 {
            %mul3A_228 = arith.constant 256 : i32
            %mul3A_229 = arith.muli %scan3A_226, %mul3A_228 : i32
            %add3A_230 = arith.constant 0 : i32
            %add3A_231 = arith.addi %mul3A_229, %add3A_230 : i32
            %get3A = arith.index_cast %scan3A_122 : i32 to index
            %get3A_232 = arith.index_cast %add3A_231 : i32 to index
            %get3A_233 = tpu.vector_load %arg6[%get3A, %get3A_232] {strides = array<i32>} : memref<8x4096xi32, #tpu.memory_space<vmem>>, vector<1x16xi32>,
            %get3A_234 = vector.shape_cast %get3A_233 : vector<1x16xi32> to vector<16xi32>
            %lt3A_235 = arith.cmpi slt, %get3A_234, %xor3A_193 : vector<16xi32>
            %jit3A = arith.constant 1 : i32
            %jit3A_236 = arith.constant 0 : i32
            %broadcast_in_dim3A_237 = vector.broadcast %jit3A : i32 to vector<16xi32>
            %broadcast_in_dim3A_238 = vector.broadcast %jit3A_236 : i32 to vector<16xi32>
            %select_n3A_239 = arith.select %lt3A_235, %broadcast_in_dim3A_237, %broadcast_in_dim3A_238 : vector<16xi1>, vector<16xi32>
            %add3A_240 = arith.addi %scan3A_227, %select_n3A_239 : vector<16xi32>
            %mul3A_241 = arith.constant 256 : i32
            %mul3A_242 = arith.muli %scan3A_226, %mul3A_241 : i32
            %add3A_243 = arith.constant 16 : i32
            %add3A_244 = arith.addi %mul3A_242, %add3A_243 : i32
            %get3A_245 = arith.index_cast %scan3A_122 : i32 to index
            %get3A_246 = arith.index_cast %add3A_244 : i32 to index
            %get3A_247 = tpu.vector_load %arg6[%get3A_245, %get3A_246] {strides = array<i32>} : memref<8x4096xi32, #tpu.memory_space<vmem>>, vector<1x16xi32>,
            %get3A_248 = vector.shape_cast %get3A_247 : vector<1x16xi32> to vector<16xi32>
            %lt3A_249 = arith.cmpi slt, %get3A_248, %xor3A_193 : vector<16xi32>
            %jit3A_250 = arith.constant 1 : i32
            %jit3A_251 = arith.constant 0 : i32
            %broadcast_in_dim3A_252 = vector.broadcast %jit3A_250 : i32 to vector<16xi32>
            %broadcast_in_dim3A_253 = vector.broadcast %jit3A_251 : i32 to vector<16xi32>
            %select_n3A_254 = arith.select %lt3A_249, %broadcast_in_dim3A_252, %broadcast_in_dim3A_253 : vector<16xi1>, vector<16xi32>
            %add3A_255 = arith.addi %add3A_240, %select_n3A_254 : vector<16xi32>
            %mul3A_256 = arith.constant 256 : i32
            %mul3A_257 = arith.muli %scan3A_226, %mul3A_256 : i32
            %add3A_258 = arith.constant 32 : i32
            %add3A_259 = arith.addi %mul3A_257, %add3A_258 : i32
            %get3A_260 = arith.index_cast %scan3A_122 : i32 to index
            %get3A_261 = arith.index_cast %add3A_259 : i32 to index
            %get3A_262 = tpu.vector_load %arg6[%get3A_260, %get3A_261] {strides = array<i32>} : memref<8x4096xi32, #tpu.memory_space<vmem>>, vector<1x16xi32>,
            %get3A_263 = vector.shape_cast %get3A_262 : vector<1x16xi32> to vector<16xi32>
            %lt3A_264 = arith.cmpi slt, %get3A_263, %xor3A_193 : vector<16xi32>
            %jit3A_265 = arith.constant 1 : i32
            %jit3A_266 = arith.constant 0 : i32
            %broadcast_in_dim3A_267 = vector.broadcast %jit3A_265 : i32 to vector<16xi32>
            %broadcast_in_dim3A_268 = vector.broadcast %jit3A_266 : i32 to vector<16xi32>
            %select_n3A_269 = arith.select %lt3A_264, %broadcast_in_dim3A_267, %broadcast_in_dim3A_268 : vector<16xi1>, vector<16xi32>
            %add3A_270 = arith.addi %add3A_255, %select_n3A_269 : vector<16xi32>
            %mul3A_271 = arith.constant 256 : i32
            %mul3A_272 = arith.muli %scan3A_226, %mul3A_271 : i32
            %add3A_273 = arith.constant 48 : i32
            %add3A_274 = arith.addi %mul3A_272, %add3A_273 : i32
            %get3A_275 = arith.index_cast %scan3A_122 : i32 to index
            %get3A_276 = arith.index_cast %add3A_274 : i32 to index
            %get3A_277 = tpu.vector_load %arg6[%get3A_275, %get3A_276] {strides = array<i32>} : memref<8x4096xi32, #tpu.memory_space<vmem>>, vector<1x16xi32>,
            %get3A_278 = vector.shape_cast %get3A_277 : vector<1x16xi32> to vector<16xi32>
            %lt3A_279 = arith.cmpi slt, %get3A_278, %xor3A_193 : vector<16xi32>
            %jit3A_280 = arith.constant 1 : i32
            %jit3A_281 = arith.constant 0 : i32
            %broadcast_in_dim3A_282 = vector.broadcast %jit3A_280 : i32 to vector<16xi32>
            %broadcast_in_dim3A_283 = vector.broadcast %jit3A_281 : i32 to vector<16xi32>
            %select_n3A_284 = arith.select %lt3A_279, %broadcast_in_dim3A_282, %broadcast_in_dim3A_283 : vector<16xi1>, vector<16xi32>
            %add3A_285 = arith.addi %add3A_270, %select_n3A_284 : vector<16xi32>
            %mul3A_286 = arith.constant 256 : i32
            %mul3A_287 = arith.muli %scan3A_226, %mul3A_286 : i32
            %add3A_288 = arith.constant 64 : i32
            %add3A_289 = arith.addi %mul3A_287, %add3A_288 : i32
            %get3A_290 = arith.index_cast %scan3A_122 : i32 to index
            %get3A_291 = arith.index_cast %add3A_289 : i32 to index
            %get3A_292 = tpu.vector_load %arg6[%get3A_290, %get3A_291] {strides = array<i32>} : memref<8x4096xi32, #tpu.memory_space<vmem>>, vector<1x16xi32>,
            %get3A_293 = vector.shape_cast %get3A_292 : vector<1x16xi32> to vector<16xi32>
            %lt3A_294 = arith.cmpi slt, %get3A_293, %xor3A_193 : vector<16xi32>
            %jit3A_295 = arith.constant 1 : i32
            %jit3A_296 = arith.constant 0 : i32
            %broadcast_in_dim3A_297 = vector.broadcast %jit3A_295 : i32 to vector<16xi32>
            %broadcast_in_dim3A_298 = vector.broadcast %jit3A_296 : i32 to vector<16xi32>
            %select_n3A_299 = arith.select %lt3A_294, %broadcast_in_dim3A_297, %broadcast_in_dim3A_298 : vector<16xi1>, vector<16xi32>
            %add3A_300 = arith.addi %add3A_285, %select_n3A_299 : vector<16xi32>
            %mul3A_301 = arith.constant 256 : i32
            %mul3A_302 = arith.muli %scan3A_226, %mul3A_301 : i32
            %add3A_303 = arith.constant 80 : i32
            %add3A_304 = arith.addi %mul3A_302, %add3A_303 : i32
            %get3A_305 = arith.index_cast %scan3A_122 : i32 to index
            %get3A_306 = arith.index_cast %add3A_304 : i32 to index
            %get3A_307 = tpu.vector_load %arg6[%get3A_305, %get3A_306] {strides = array<i32>} : memref<8x4096xi32, #tpu.memory_space<vmem>>, vector<1x16xi32>,
            %get3A_308 = vector.shape_cast %get3A_307 : vector<1x16xi32> to vector<16xi32>
            %lt3A_309 = arith.cmpi slt, %get3A_308, %xor3A_193 : vector<16xi32>
            %jit3A_310 = arith.constant 1 : i32
            %jit3A_311 = arith.constant 0 : i32
            %broadcast_in_dim3A_312 = vector.broadcast %jit3A_310 : i32 to vector<16xi32>
            %broadcast_in_dim3A_313 = vector.broadcast %jit3A_311 : i32 to vector<16xi32>
            %select_n3A_314 = arith.select %lt3A_309, %broadcast_in_dim3A_312, %broadcast_in_dim3A_313 : vector<16xi1>, vector<16xi32>
            %add3A_315 = arith.addi %add3A_300, %select_n3A_314 : vector<16xi32>
            %mul3A_316 = arith.constant 256 : i32
            %mul3A_317 = arith.muli %scan3A_226, %mul3A_316 : i32
            %add3A_318 = arith.constant 96 : i32
            %add3A_319 = arith.addi %mul3A_317, %add3A_318 : i32
            %get3A_320 = arith.index_cast %scan3A_122 : i32 to index
            %get3A_321 = arith.index_cast %add3A_319 : i32 to index
            %get3A_322 = tpu.vector_load %arg6[%get3A_320, %get3A_321] {strides = array<i32>} : memref<8x4096xi32, #tpu.memory_space<vmem>>, vector<1x16xi32>,
            %get3A_323 = vector.shape_cast %get3A_322 : vector<1x16xi32> to vector<16xi32>
            %lt3A_324 = arith.cmpi slt, %get3A_323, %xor3A_193 : vector<16xi32>
            %jit3A_325 = arith.constant 1 : i32
            %jit3A_326 = arith.constant 0 : i32
            %broadcast_in_dim3A_327 = vector.broadcast %jit3A_325 : i32 to vector<16xi32>
            %broadcast_in_dim3A_328 = vector.broadcast %jit3A_326 : i32 to vector<16xi32>
            %select_n3A_329 = arith.select %lt3A_324, %broadcast_in_dim3A_327, %broadcast_in_dim3A_328 : vector<16xi1>, vector<16xi32>
            %add3A_330 = arith.addi %add3A_315, %select_n3A_329 : vector<16xi32>
            %mul3A_331 = arith.constant 256 : i32
            %mul3A_332 = arith.muli %scan3A_226, %mul3A_331 : i32
            %add3A_333 = arith.constant 112 : i32
            %add3A_334 = arith.addi %mul3A_332, %add3A_333 : i32
            %get3A_335 = arith.index_cast %scan3A_122 : i32 to index
            %get3A_336 = arith.index_cast %add3A_334 : i32 to index
            %get3A_337 = tpu.vector_load %arg6[%get3A_335, %get3A_336] {strides = array<i32>} : memref<8x4096xi32, #tpu.memory_space<vmem>>, vector<1x16xi32>,
            %get3A_338 = vector.shape_cast %get3A_337 : vector<1x16xi32> to vector<16xi32>
            %lt3A_339 = arith.cmpi slt, %get3A_338, %xor3A_193 : vector<16xi32>
            %jit3A_340 = arith.constant 1 : i32
            %jit3A_341 = arith.constant 0 : i32
            %broadcast_in_dim3A_342 = vector.broadcast %jit3A_340 : i32 to vector<16xi32>
            %broadcast_in_dim3A_343 = vector.broadcast %jit3A_341 : i32 to vector<16xi32>
            %select_n3A_344 = arith.select %lt3A_339, %broadcast_in_dim3A_342, %broadcast_in_dim3A_343 : vector<16xi1>, vector<16xi32>
            %add3A_345 = arith.addi %add3A_330, %select_n3A_344 : vector<16xi32>
            %mul3A_346 = arith.constant 256 : i32
            %mul3A_347 = arith.muli %scan3A_226, %mul3A_346 : i32
            %add3A_348 = arith.constant 128 : i32
            %add3A_349 = arith.addi %mul3A_347, %add3A_348 : i32
            %get3A_350 = arith.index_cast %scan3A_122 : i32 to index
            %get3A_351 = arith.index_cast %add3A_349 : i32 to index
            %get3A_352 = tpu.vector_load %arg6[%get3A_350, %get3A_351] {strides = array<i32>} : memref<8x4096xi32, #tpu.memory_space<vmem>>, vector<1x16xi32>,
            %get3A_353 = vector.shape_cast %get3A_352 : vector<1x16xi32> to vector<16xi32>
            %lt3A_354 = arith.cmpi slt, %get3A_353, %xor3A_193 : vector<16xi32>
            %jit3A_355 = arith.constant 1 : i32
            %jit3A_356 = arith.constant 0 : i32
            %broadcast_in_dim3A_357 = vector.broadcast %jit3A_355 : i32 to vector<16xi32>
            %broadcast_in_dim3A_358 = vector.broadcast %jit3A_356 : i32 to vector<16xi32>
            %select_n3A_359 = arith.select %lt3A_354, %broadcast_in_dim3A_357, %broadcast_in_dim3A_358 : vector<16xi1>, vector<16xi32>
            %add3A_360 = arith.addi %add3A_345, %select_n3A_359 : vector<16xi32>
            %mul3A_361 = arith.constant 256 : i32
            %mul3A_362 = arith.muli %scan3A_226, %mul3A_361 : i32
            %add3A_363 = arith.constant 144 : i32
            %add3A_364 = arith.addi %mul3A_362, %add3A_363 : i32
            %get3A_365 = arith.index_cast %scan3A_122 : i32 to index
            %get3A_366 = arith.index_cast %add3A_364 : i32 to index
            %get3A_367 = tpu.vector_load %arg6[%get3A_365, %get3A_366] {strides = array<i32>} : memref<8x4096xi32, #tpu.memory_space<vmem>>, vector<1x16xi32>,
            %get3A_368 = vector.shape_cast %get3A_367 : vector<1x16xi32> to vector<16xi32>
            %lt3A_369 = arith.cmpi slt, %get3A_368, %xor3A_193 : vector<16xi32>
            %jit3A_370 = arith.constant 1 : i32
            %jit3A_371 = arith.constant 0 : i32
            %broadcast_in_dim3A_372 = vector.broadcast %jit3A_370 : i32 to vector<16xi32>
            %broadcast_in_dim3A_373 = vector.broadcast %jit3A_371 : i32 to vector<16xi32>
            %select_n3A_374 = arith.select %lt3A_369, %broadcast_in_dim3A_372, %broadcast_in_dim3A_373 : vector<16xi1>, vector<16xi32>
            %add3A_375 = arith.addi %add3A_360, %select_n3A_374 : vector<16xi32>
            %mul3A_376 = arith.constant 256 : i32
            %mul3A_377 = arith.muli %scan3A_226, %mul3A_376 : i32
            %add3A_378 = arith.constant 160 : i32
            %add3A_379 = arith.addi %mul3A_377, %add3A_378 : i32
            %get3A_380 = arith.index_cast %scan3A_122 : i32 to index
            %get3A_381 = arith.index_cast %add3A_379 : i32 to index
            %get3A_382 = tpu.vector_load %arg6[%get3A_380, %get3A_381] {strides = array<i32>} : memref<8x4096xi32, #tpu.memory_space<vmem>>, vector<1x16xi32>,
            %get3A_383 = vector.shape_cast %get3A_382 : vector<1x16xi32> to vector<16xi32>
            %lt3A_384 = arith.cmpi slt, %get3A_383, %xor3A_193 : vector<16xi32>
            %jit3A_385 = arith.constant 1 : i32
            %jit3A_386 = arith.constant 0 : i32
            %broadcast_in_dim3A_387 = vector.broadcast %jit3A_385 : i32 to vector<16xi32>
            %broadcast_in_dim3A_388 = vector.broadcast %jit3A_386 : i32 to vector<16xi32>
            %select_n3A_389 = arith.select %lt3A_384, %broadcast_in_dim3A_387, %broadcast_in_dim3A_388 : vector<16xi1>, vector<16xi32>
            %add3A_390 = arith.addi %add3A_375, %select_n3A_389 : vector<16xi32>
            %mul3A_391 = arith.constant 256 : i32
            %mul3A_392 = arith.muli %scan3A_226, %mul3A_391 : i32
            %add3A_393 = arith.constant 176 : i32
            %add3A_394 = arith.addi %mul3A_392, %add3A_393 : i32
            %get3A_395 = arith.index_cast %scan3A_122 : i32 to index
            %get3A_396 = arith.index_cast %add3A_394 : i32 to index
            %get3A_397 = tpu.vector_load %arg6[%get3A_395, %get3A_396] {strides = array<i32>} : memref<8x4096xi32, #tpu.memory_space<vmem>>, vector<1x16xi32>,
            %get3A_398 = vector.shape_cast %get3A_397 : vector<1x16xi32> to vector<16xi32>
            %lt3A_399 = arith.cmpi slt, %get3A_398, %xor3A_193 : vector<16xi32>
            %jit3A_400 = arith.constant 1 : i32
            %jit3A_401 = arith.constant 0 : i32
            %broadcast_in_dim3A_402 = vector.broadcast %jit3A_400 : i32 to vector<16xi32>
            %broadcast_in_dim3A_403 = vector.broadcast %jit3A_401 : i32 to vector<16xi32>
            %select_n3A_404 = arith.select %lt3A_399, %broadcast_in_dim3A_402, %broadcast_in_dim3A_403 : vector<16xi1>, vector<16xi32>
            %add3A_405 = arith.addi %add3A_390, %select_n3A_404 : vector<16xi32>
            %mul3A_406 = arith.constant 256 : i32
            %mul3A_407 = arith.muli %scan3A_226, %mul3A_406 : i32
            %add3A_408 = arith.constant 192 : i32
            %add3A_409 = arith.addi %mul3A_407, %add3A_408 : i32
            %get3A_410 = arith.index_cast %scan3A_122 : i32 to index
            %get3A_411 = arith.index_cast %add3A_409 : i32 to index
            %get3A_412 = tpu.vector_load %arg6[%get3A_410, %get3A_411] {strides = array<i32>} : memref<8x4096xi32, #tpu.memory_space<vmem>>, vector<1x16xi32>,
            %get3A_413 = vector.shape_cast %get3A_412 : vector<1x16xi32> to vector<16xi32>
            %lt3A_414 = arith.cmpi slt, %get3A_413, %xor3A_193 : vector<16xi32>
            %jit3A_415 = arith.constant 1 : i32
            %jit3A_416 = arith.constant 0 : i32
            %broadcast_in_dim3A_417 = vector.broadcast %jit3A_415 : i32 to vector<16xi32>
            %broadcast_in_dim3A_418 = vector.broadcast %jit3A_416 : i32 to vector<16xi32>
            %select_n3A_419 = arith.select %lt3A_414, %broadcast_in_dim3A_417, %broadcast_in_dim3A_418 : vector<16xi1>, vector<16xi32>
            %add3A_420 = arith.addi %add3A_405, %select_n3A_419 : vector<16xi32>
            %mul3A_421 = arith.constant 256 : i32
            %mul3A_422 = arith.muli %scan3A_226, %mul3A_421 : i32
            %add3A_423 = arith.constant 208 : i32
            %add3A_424 = arith.addi %mul3A_422, %add3A_423 : i32
            %get3A_425 = arith.index_cast %scan3A_122 : i32 to index
            %get3A_426 = arith.index_cast %add3A_424 : i32 to index
            %get3A_427 = tpu.vector_load %arg6[%get3A_425, %get3A_426] {strides = array<i32>} : memref<8x4096xi32, #tpu.memory_space<vmem>>, vector<1x16xi32>,
            %get3A_428 = vector.shape_cast %get3A_427 : vector<1x16xi32> to vector<16xi32>
            %lt3A_429 = arith.cmpi slt, %get3A_428, %xor3A_193 : vector<16xi32>
            %jit3A_430 = arith.constant 1 : i32
            %jit3A_431 = arith.constant 0 : i32
            %broadcast_in_dim3A_432 = vector.broadcast %jit3A_430 : i32 to vector<16xi32>
            %broadcast_in_dim3A_433 = vector.broadcast %jit3A_431 : i32 to vector<16xi32>
            %select_n3A_434 = arith.select %lt3A_429, %broadcast_in_dim3A_432, %broadcast_in_dim3A_433 : vector<16xi1>, vector<16xi32>
            %add3A_435 = arith.addi %add3A_420, %select_n3A_434 : vector<16xi32>
            %mul3A_436 = arith.constant 256 : i32
            %mul3A_437 = arith.muli %scan3A_226, %mul3A_436 : i32
            %add3A_438 = arith.constant 224 : i32
            %add3A_439 = arith.addi %mul3A_437, %add3A_438 : i32
            %get3A_440 = arith.index_cast %scan3A_122 : i32 to index
            %get3A_441 = arith.index_cast %add3A_439 : i32 to index
            %get3A_442 = tpu.vector_load %arg6[%get3A_440, %get3A_441] {strides = array<i32>} : memref<8x4096xi32, #tpu.memory_space<vmem>>, vector<1x16xi32>,
            %get3A_443 = vector.shape_cast %get3A_442 : vector<1x16xi32> to vector<16xi32>
            %lt3A_444 = arith.cmpi slt, %get3A_443, %xor3A_193 : vector<16xi32>
            %jit3A_445 = arith.constant 1 : i32
            %jit3A_446 = arith.constant 0 : i32
            %broadcast_in_dim3A_447 = vector.broadcast %jit3A_445 : i32 to vector<16xi32>
            %broadcast_in_dim3A_448 = vector.broadcast %jit3A_446 : i32 to vector<16xi32>
            %select_n3A_449 = arith.select %lt3A_444, %broadcast_in_dim3A_447, %broadcast_in_dim3A_448 : vector<16xi1>, vector<16xi32>
            %add3A_450 = arith.addi %add3A_435, %select_n3A_449 : vector<16xi32>
            %mul3A_451 = arith.constant 256 : i32
            %mul3A_452 = arith.muli %scan3A_226, %mul3A_451 : i32
            %add3A_453 = arith.constant 240 : i32
            %add3A_454 = arith.addi %mul3A_452, %add3A_453 : i32
            %get3A_455 = arith.index_cast %scan3A_122 : i32 to index
            %get3A_456 = arith.index_cast %add3A_454 : i32 to index
            %get3A_457 = tpu.vector_load %arg6[%get3A_455, %get3A_456] {strides = array<i32>} : memref<8x4096xi32, #tpu.memory_space<vmem>>, vector<1x16xi32>,
            %get3A_458 = vector.shape_cast %get3A_457 : vector<1x16xi32> to vector<16xi32>
            %lt3A_459 = arith.cmpi slt, %get3A_458, %xor3A_193 : vector<16xi32>
            %jit3A_460 = arith.constant 1 : i32
            %jit3A_461 = arith.constant 0 : i32
            %broadcast_in_dim3A_462 = vector.broadcast %jit3A_460 : i32 to vector<16xi32>
            %broadcast_in_dim3A_463 = vector.broadcast %jit3A_461 : i32 to vector<16xi32>
            %select_n3A_464 = arith.select %lt3A_459, %broadcast_in_dim3A_462, %broadcast_in_dim3A_463 : vector<16xi1>, vector<16xi32>
            %add3A_465 = arith.addi %add3A_450, %select_n3A_464 : vector<16xi32>
            scf.yield %add3A_465 : vector<16xi32>
          }
          %scan3A_201 = arith.constant 16 : i32
          %xor3A_202 = arith.constant 2 : i32
          %xor3A_203 = vector.broadcast %xor3A_202 : i32 to vector<16xi32>
          %xor3A_204 = arith.xori %iota3A, %xor3A_203 : vector<16xi32>
          %reshape3A_205 = vector.shape_cast %xor3A_204 : vector<16xi32> to vector<16x1xi32>
          %gather3A_206 = vector.shape_cast %reshape3A_205 : vector<16x1xi32> to vector<16xi32>
          %gather3A_207 = tpu.dynamic_gather %scan3A_200[%gather3A_206] in [0] : vector<16xi32>, vector<16xi32> -> vector<16xi32>
          %add3A_208 = arith.addi %scan3A_200, %gather3A_207 : vector<16xi32>
          %xor3A_209 = arith.constant 4 : i32
          %xor3A_210 = vector.broadcast %xor3A_209 : i32 to vector<16xi32>
          %xor3A_211 = arith.xori %iota3A, %xor3A_210 : vector<16xi32>
          %reshape3A_212 = vector.shape_cast %xor3A_211 : vector<16xi32> to vector<16x1xi32>
          %gather3A_213 = vector.shape_cast %reshape3A_212 : vector<16x1xi32> to vector<16xi32>
          %gather3A_214 = tpu.dynamic_gather %add3A_208[%gather3A_213] in [0] : vector<16xi32>, vector<16xi32> -> vector<16xi32>
          %add3A_215 = arith.addi %add3A_208, %gather3A_214 : vector<16xi32>
          %xor3A_216 = arith.constant 8 : i32
          %xor3A_217 = vector.broadcast %xor3A_216 : i32 to vector<16xi32>
          %xor3A_218 = arith.xori %iota3A, %xor3A_217 : vector<16xi32>
          %reshape3A_219 = vector.shape_cast %xor3A_218 : vector<16xi32> to vector<16x1xi32>
          %gather3A_220 = vector.shape_cast %reshape3A_219 : vector<16x1xi32> to vector<16xi32>
          %gather3A_221 = tpu.dynamic_gather %add3A_215[%gather3A_220] in [0] : vector<16xi32>, vector<16xi32> -> vector<16xi32>
          %add3A_222 = arith.addi %add3A_215, %gather3A_221 : vector<16xi32>
          %le3A = arith.constant 1023 : i32
          %le3A_223 = vector.broadcast %le3A : i32 to vector<16xi32>
          %le3A_224 = arith.cmpi sle, %add3A_222, %le3A_223 : vector<16xi32>
          %select_n3A_225 = arith.select %le3A_224, %or3A_191, %scan3A_188 : vector<16xi1>, vector<16xi32>
          scf.yield %select_n3A_225 : vector<16xi32>
        }
        %scan3A_132 = arith.constant 32 : i32
        %xor3A = vector.broadcast %scan3A_18 : i32 to vector<16xi32>
        %xor3A_133 = arith.xori %scan3A_131, %xor3A : vector<16xi32>
        %broadcast_in_dim3A_134 = arith.constant 0 : i32
        %broadcast_in_dim3A_135 = vector.broadcast %broadcast_in_dim3A_134 : i32 to vector<16xi32>
        %broadcast_in_dim3A_136 = vector.broadcast %scan3A_19 : i32 to vector<16xi32>
        %scan3A_137 = arith.constant 0 : i32
        %scan3A_138 = arith.constant 16 : i32
        %scan3A_139 = arith.addi %scan3A_137, %scan3A_138 : i32
        %scan3A_140 = arith.constant 1 : i32
        %scan3A_141:2 = scf.for %scan3A_187 = %scan3A_137 to %scan3A_139 step %scan3A_140 iter_args(%scan3A_188 = %broadcast_in_dim3A_135, %scan3A_189 = %broadcast_in_dim3A_136) -> (vector<16xi32>, vector<16xi32>)  : i32 {
          %mul3A_190 = arith.constant 256 : i32
          %mul3A_191 = arith.muli %scan3A_187, %mul3A_190 : i32
          %add3A_192 = arith.constant 0 : i32
          %add3A_193 = arith.addi %mul3A_191, %add3A_192 : i32
          %get3A = arith.index_cast %scan3A_122 : i32 to index
          %get3A_194 = arith.index_cast %add3A_193 : i32 to index
          %get3A_195 = tpu.vector_load %arg6[%get3A, %get3A_194] {strides = array<i32>} : memref<8x4096xi32, #tpu.memory_space<vmem>>, vector<1x16xi32>,
          %get3A_196 = vector.shape_cast %get3A_195 : vector<1x16xi32> to vector<16xi32>
          %le3A = arith.cmpi sle, %get3A_196, %xor3A_133 : vector<16xi32>
          %jit3A = arith.constant 1 : i32
          %jit3A_197 = arith.constant 0 : i32
          %broadcast_in_dim3A_198 = vector.broadcast %jit3A : i32 to vector<16xi32>
          %broadcast_in_dim3A_199 = vector.broadcast %jit3A_197 : i32 to vector<16xi32>
          %select_n3A_200 = arith.select %le3A, %broadcast_in_dim3A_198, %broadcast_in_dim3A_199 : vector<16xi1>, vector<16xi32>
          %add3A_201 = arith.addi %scan3A_188, %select_n3A_200 : vector<16xi32>
          %broadcast_in_dim3A_202 = vector.broadcast %scan3A_19 : i32 to vector<16xi32>
          %select_n3A_203 = arith.select %le3A, %broadcast_in_dim3A_202, %get3A_196 : vector<16xi1>, vector<16xi32>
          %min3A_204 = arith.minsi %scan3A_189, %select_n3A_203 : vector<16xi32>
          %mul3A_205 = arith.constant 256 : i32
          %mul3A_206 = arith.muli %scan3A_187, %mul3A_205 : i32
          %add3A_207 = arith.constant 16 : i32
          %add3A_208 = arith.addi %mul3A_206, %add3A_207 : i32
          %get3A_209 = arith.index_cast %scan3A_122 : i32 to index
          %get3A_210 = arith.index_cast %add3A_208 : i32 to index
          %get3A_211 = tpu.vector_load %arg6[%get3A_209, %get3A_210] {strides = array<i32>} : memref<8x4096xi32, #tpu.memory_space<vmem>>, vector<1x16xi32>,
          %get3A_212 = vector.shape_cast %get3A_211 : vector<1x16xi32> to vector<16xi32>
          %le3A_213 = arith.cmpi sle, %get3A_212, %xor3A_133 : vector<16xi32>
          %jit3A_214 = arith.constant 1 : i32
          %jit3A_215 = arith.constant 0 : i32
          %broadcast_in_dim3A_216 = vector.broadcast %jit3A_214 : i32 to vector<16xi32>
          %broadcast_in_dim3A_217 = vector.broadcast %jit3A_215 : i32 to vector<16xi32>
          %select_n3A_218 = arith.select %le3A_213, %broadcast_in_dim3A_216, %broadcast_in_dim3A_217 : vector<16xi1>, vector<16xi32>
          %add3A_219 = arith.addi %add3A_201, %select_n3A_218 : vector<16xi32>
          %broadcast_in_dim3A_220 = vector.broadcast %scan3A_19 : i32 to vector<16xi32>
          %select_n3A_221 = arith.select %le3A_213, %broadcast_in_dim3A_220, %get3A_212 : vector<16xi1>, vector<16xi32>
          %min3A_222 = arith.minsi %min3A_204, %select_n3A_221 : vector<16xi32>
          %mul3A_223 = arith.constant 256 : i32
          %mul3A_224 = arith.muli %scan3A_187, %mul3A_223 : i32
          %add3A_225 = arith.constant 32 : i32
          %add3A_226 = arith.addi %mul3A_224, %add3A_225 : i32
          %get3A_227 = arith.index_cast %scan3A_122 : i32 to index
          %get3A_228 = arith.index_cast %add3A_226 : i32 to index
          %get3A_229 = tpu.vector_load %arg6[%get3A_227, %get3A_228] {strides = array<i32>} : memref<8x4096xi32, #tpu.memory_space<vmem>>, vector<1x16xi32>,
          %get3A_230 = vector.shape_cast %get3A_229 : vector<1x16xi32> to vector<16xi32>
          %le3A_231 = arith.cmpi sle, %get3A_230, %xor3A_133 : vector<16xi32>
          %jit3A_232 = arith.constant 1 : i32
          %jit3A_233 = arith.constant 0 : i32
          %broadcast_in_dim3A_234 = vector.broadcast %jit3A_232 : i32 to vector<16xi32>
          %broadcast_in_dim3A_235 = vector.broadcast %jit3A_233 : i32 to vector<16xi32>
          %select_n3A_236 = arith.select %le3A_231, %broadcast_in_dim3A_234, %broadcast_in_dim3A_235 : vector<16xi1>, vector<16xi32>
          %add3A_237 = arith.addi %add3A_219, %select_n3A_236 : vector<16xi32>
          %broadcast_in_dim3A_238 = vector.broadcast %scan3A_19 : i32 to vector<16xi32>
          %select_n3A_239 = arith.select %le3A_231, %broadcast_in_dim3A_238, %get3A_230 : vector<16xi1>, vector<16xi32>
          %min3A_240 = arith.minsi %min3A_222, %select_n3A_239 : vector<16xi32>
          %mul3A_241 = arith.constant 256 : i32
          %mul3A_242 = arith.muli %scan3A_187, %mul3A_241 : i32
          %add3A_243 = arith.constant 48 : i32
          %add3A_244 = arith.addi %mul3A_242, %add3A_243 : i32
          %get3A_245 = arith.index_cast %scan3A_122 : i32 to index
          %get3A_246 = arith.index_cast %add3A_244 : i32 to index
          %get3A_247 = tpu.vector_load %arg6[%get3A_245, %get3A_246] {strides = array<i32>} : memref<8x4096xi32, #tpu.memory_space<vmem>>, vector<1x16xi32>,
          %get3A_248 = vector.shape_cast %get3A_247 : vector<1x16xi32> to vector<16xi32>
          %le3A_249 = arith.cmpi sle, %get3A_248, %xor3A_133 : vector<16xi32>
          %jit3A_250 = arith.constant 1 : i32
          %jit3A_251 = arith.constant 0 : i32
          %broadcast_in_dim3A_252 = vector.broadcast %jit3A_250 : i32 to vector<16xi32>
          %broadcast_in_dim3A_253 = vector.broadcast %jit3A_251 : i32 to vector<16xi32>
          %select_n3A_254 = arith.select %le3A_249, %broadcast_in_dim3A_252, %broadcast_in_dim3A_253 : vector<16xi1>, vector<16xi32>
          %add3A_255 = arith.addi %add3A_237, %select_n3A_254 : vector<16xi32>
          %broadcast_in_dim3A_256 = vector.broadcast %scan3A_19 : i32 to vector<16xi32>
          %select_n3A_257 = arith.select %le3A_249, %broadcast_in_dim3A_256, %get3A_248 : vector<16xi1>, vector<16xi32>
          %min3A_258 = arith.minsi %min3A_240, %select_n3A_257 : vector<16xi32>
          %mul3A_259 = arith.constant 256 : i32
          %mul3A_260 = arith.muli %scan3A_187, %mul3A_259 : i32
          %add3A_261 = arith.constant 64 : i32
          %add3A_262 = arith.addi %mul3A_260, %add3A_261 : i32
          %get3A_263 = arith.index_cast %scan3A_122 : i32 to index
          %get3A_264 = arith.index_cast %add3A_262 : i32 to index
          %get3A_265 = tpu.vector_load %arg6[%get3A_263, %get3A_264] {strides = array<i32>} : memref<8x4096xi32, #tpu.memory_space<vmem>>, vector<1x16xi32>,
          %get3A_266 = vector.shape_cast %get3A_265 : vector<1x16xi32> to vector<16xi32>
          %le3A_267 = arith.cmpi sle, %get3A_266, %xor3A_133 : vector<16xi32>
          %jit3A_268 = arith.constant 1 : i32
          %jit3A_269 = arith.constant 0 : i32
          %broadcast_in_dim3A_270 = vector.broadcast %jit3A_268 : i32 to vector<16xi32>
          %broadcast_in_dim3A_271 = vector.broadcast %jit3A_269 : i32 to vector<16xi32>
          %select_n3A_272 = arith.select %le3A_267, %broadcast_in_dim3A_270, %broadcast_in_dim3A_271 : vector<16xi1>, vector<16xi32>
          %add3A_273 = arith.addi %add3A_255, %select_n3A_272 : vector<16xi32>
          %broadcast_in_dim3A_274 = vector.broadcast %scan3A_19 : i32 to vector<16xi32>
          %select_n3A_275 = arith.select %le3A_267, %broadcast_in_dim3A_274, %get3A_266 : vector<16xi1>, vector<16xi32>
          %min3A_276 = arith.minsi %min3A_258, %select_n3A_275 : vector<16xi32>
          %mul3A_277 = arith.constant 256 : i32
          %mul3A_278 = arith.muli %scan3A_187, %mul3A_277 : i32
          %add3A_279 = arith.constant 80 : i32
          %add3A_280 = arith.addi %mul3A_278, %add3A_279 : i32
          %get3A_281 = arith.index_cast %scan3A_122 : i32 to index
          %get3A_282 = arith.index_cast %add3A_280 : i32 to index
          %get3A_283 = tpu.vector_load %arg6[%get3A_281, %get3A_282] {strides = array<i32>} : memref<8x4096xi32, #tpu.memory_space<vmem>>, vector<1x16xi32>,
          %get3A_284 = vector.shape_cast %get3A_283 : vector<1x16xi32> to vector<16xi32>
          %le3A_285 = arith.cmpi sle, %get3A_284, %xor3A_133 : vector<16xi32>
          %jit3A_286 = arith.constant 1 : i32
          %jit3A_287 = arith.constant 0 : i32
          %broadcast_in_dim3A_288 = vector.broadcast %jit3A_286 : i32 to vector<16xi32>
          %broadcast_in_dim3A_289 = vector.broadcast %jit3A_287 : i32 to vector<16xi32>
          %select_n3A_290 = arith.select %le3A_285, %broadcast_in_dim3A_288, %broadcast_in_dim3A_289 : vector<16xi1>, vector<16xi32>
          %add3A_291 = arith.addi %add3A_273, %select_n3A_290 : vector<16xi32>
          %broadcast_in_dim3A_292 = vector.broadcast %scan3A_19 : i32 to vector<16xi32>
          %select_n3A_293 = arith.select %le3A_285, %broadcast_in_dim3A_292, %get3A_284 : vector<16xi1>, vector<16xi32>
          %min3A_294 = arith.minsi %min3A_276, %select_n3A_293 : vector<16xi32>
          %mul3A_295 = arith.constant 256 : i32
          %mul3A_296 = arith.muli %scan3A_187, %mul3A_295 : i32
          %add3A_297 = arith.constant 96 : i32
          %add3A_298 = arith.addi %mul3A_296, %add3A_297 : i32
          %get3A_299 = arith.index_cast %scan3A_122 : i32 to index
          %get3A_300 = arith.index_cast %add3A_298 : i32 to index
          %get3A_301 = tpu.vector_load %arg6[%get3A_299, %get3A_300] {strides = array<i32>} : memref<8x4096xi32, #tpu.memory_space<vmem>>, vector<1x16xi32>,
          %get3A_302 = vector.shape_cast %get3A_301 : vector<1x16xi32> to vector<16xi32>
          %le3A_303 = arith.cmpi sle, %get3A_302, %xor3A_133 : vector<16xi32>
          %jit3A_304 = arith.constant 1 : i32
          %jit3A_305 = arith.constant 0 : i32
          %broadcast_in_dim3A_306 = vector.broadcast %jit3A_304 : i32 to vector<16xi32>
          %broadcast_in_dim3A_307 = vector.broadcast %jit3A_305 : i32 to vector<16xi32>
          %select_n3A_308 = arith.select %le3A_303, %broadcast_in_dim3A_306, %broadcast_in_dim3A_307 : vector<16xi1>, vector<16xi32>
          %add3A_309 = arith.addi %add3A_291, %select_n3A_308 : vector<16xi32>
          %broadcast_in_dim3A_310 = vector.broadcast %scan3A_19 : i32 to vector<16xi32>
          %select_n3A_311 = arith.select %le3A_303, %broadcast_in_dim3A_310, %get3A_302 : vector<16xi1>, vector<16xi32>
          %min3A_312 = arith.minsi %min3A_294, %select_n3A_311 : vector<16xi32>
          %mul3A_313 = arith.constant 256 : i32
          %mul3A_314 = arith.muli %scan3A_187, %mul3A_313 : i32
          %add3A_315 = arith.constant 112 : i32
          %add3A_316 = arith.addi %mul3A_314, %add3A_315 : i32
          %get3A_317 = arith.index_cast %scan3A_122 : i32 to index
          %get3A_318 = arith.index_cast %add3A_316 : i32 to index
          %get3A_319 = tpu.vector_load %arg6[%get3A_317, %get3A_318] {strides = array<i32>} : memref<8x4096xi32, #tpu.memory_space<vmem>>, vector<1x16xi32>,
          %get3A_320 = vector.shape_cast %get3A_319 : vector<1x16xi32> to vector<16xi32>
          %le3A_321 = arith.cmpi sle, %get3A_320, %xor3A_133 : vector<16xi32>
          %jit3A_322 = arith.constant 1 : i32
          %jit3A_323 = arith.constant 0 : i32
          %broadcast_in_dim3A_324 = vector.broadcast %jit3A_322 : i32 to vector<16xi32>
          %broadcast_in_dim3A_325 = vector.broadcast %jit3A_323 : i32 to vector<16xi32>
          %select_n3A_326 = arith.select %le3A_321, %broadcast_in_dim3A_324, %broadcast_in_dim3A_325 : vector<16xi1>, vector<16xi32>
          %add3A_327 = arith.addi %add3A_309, %select_n3A_326 : vector<16xi32>
          %broadcast_in_dim3A_328 = vector.broadcast %scan3A_19 : i32 to vector<16xi32>
          %select_n3A_329 = arith.select %le3A_321, %broadcast_in_dim3A_328, %get3A_320 : vector<16xi1>, vector<16xi32>
          %min3A_330 = arith.minsi %min3A_312, %select_n3A_329 : vector<16xi32>
          %mul3A_331 = arith.constant 256 : i32
          %mul3A_332 = arith.muli %scan3A_187, %mul3A_331 : i32
          %add3A_333 = arith.constant 128 : i32
          %add3A_334 = arith.addi %mul3A_332, %add3A_333 : i32
          %get3A_335 = arith.index_cast %scan3A_122 : i32 to index
          %get3A_336 = arith.index_cast %add3A_334 : i32 to index
          %get3A_337 = tpu.vector_load %arg6[%get3A_335, %get3A_336] {strides = array<i32>} : memref<8x4096xi32, #tpu.memory_space<vmem>>, vector<1x16xi32>,
          %get3A_338 = vector.shape_cast %get3A_337 : vector<1x16xi32> to vector<16xi32>
          %le3A_339 = arith.cmpi sle, %get3A_338, %xor3A_133 : vector<16xi32>
          %jit3A_340 = arith.constant 1 : i32
          %jit3A_341 = arith.constant 0 : i32
          %broadcast_in_dim3A_342 = vector.broadcast %jit3A_340 : i32 to vector<16xi32>
          %broadcast_in_dim3A_343 = vector.broadcast %jit3A_341 : i32 to vector<16xi32>
          %select_n3A_344 = arith.select %le3A_339, %broadcast_in_dim3A_342, %broadcast_in_dim3A_343 : vector<16xi1>, vector<16xi32>
          %add3A_345 = arith.addi %add3A_327, %select_n3A_344 : vector<16xi32>
          %broadcast_in_dim3A_346 = vector.broadcast %scan3A_19 : i32 to vector<16xi32>
          %select_n3A_347 = arith.select %le3A_339, %broadcast_in_dim3A_346, %get3A_338 : vector<16xi1>, vector<16xi32>
          %min3A_348 = arith.minsi %min3A_330, %select_n3A_347 : vector<16xi32>
          %mul3A_349 = arith.constant 256 : i32
          %mul3A_350 = arith.muli %scan3A_187, %mul3A_349 : i32
          %add3A_351 = arith.constant 144 : i32
          %add3A_352 = arith.addi %mul3A_350, %add3A_351 : i32
          %get3A_353 = arith.index_cast %scan3A_122 : i32 to index
          %get3A_354 = arith.index_cast %add3A_352 : i32 to index
          %get3A_355 = tpu.vector_load %arg6[%get3A_353, %get3A_354] {strides = array<i32>} : memref<8x4096xi32, #tpu.memory_space<vmem>>, vector<1x16xi32>,
          %get3A_356 = vector.shape_cast %get3A_355 : vector<1x16xi32> to vector<16xi32>
          %le3A_357 = arith.cmpi sle, %get3A_356, %xor3A_133 : vector<16xi32>
          %jit3A_358 = arith.constant 1 : i32
          %jit3A_359 = arith.constant 0 : i32
          %broadcast_in_dim3A_360 = vector.broadcast %jit3A_358 : i32 to vector<16xi32>
          %broadcast_in_dim3A_361 = vector.broadcast %jit3A_359 : i32 to vector<16xi32>
          %select_n3A_362 = arith.select %le3A_357, %broadcast_in_dim3A_360, %broadcast_in_dim3A_361 : vector<16xi1>, vector<16xi32>
          %add3A_363 = arith.addi %add3A_345, %select_n3A_362 : vector<16xi32>
          %broadcast_in_dim3A_364 = vector.broadcast %scan3A_19 : i32 to vector<16xi32>
          %select_n3A_365 = arith.select %le3A_357, %broadcast_in_dim3A_364, %get3A_356 : vector<16xi1>, vector<16xi32>
          %min3A_366 = arith.minsi %min3A_348, %select_n3A_365 : vector<16xi32>
          %mul3A_367 = arith.constant 256 : i32
          %mul3A_368 = arith.muli %scan3A_187, %mul3A_367 : i32
          %add3A_369 = arith.constant 160 : i32
          %add3A_370 = arith.addi %mul3A_368, %add3A_369 : i32
          %get3A_371 = arith.index_cast %scan3A_122 : i32 to index
          %get3A_372 = arith.index_cast %add3A_370 : i32 to index
          %get3A_373 = tpu.vector_load %arg6[%get3A_371, %get3A_372] {strides = array<i32>} : memref<8x4096xi32, #tpu.memory_space<vmem>>, vector<1x16xi32>,
          %get3A_374 = vector.shape_cast %get3A_373 : vector<1x16xi32> to vector<16xi32>
          %le3A_375 = arith.cmpi sle, %get3A_374, %xor3A_133 : vector<16xi32>
          %jit3A_376 = arith.constant 1 : i32
          %jit3A_377 = arith.constant 0 : i32
          %broadcast_in_dim3A_378 = vector.broadcast %jit3A_376 : i32 to vector<16xi32>
          %broadcast_in_dim3A_379 = vector.broadcast %jit3A_377 : i32 to vector<16xi32>
          %select_n3A_380 = arith.select %le3A_375, %broadcast_in_dim3A_378, %broadcast_in_dim3A_379 : vector<16xi1>, vector<16xi32>
          %add3A_381 = arith.addi %add3A_363, %select_n3A_380 : vector<16xi32>
          %broadcast_in_dim3A_382 = vector.broadcast %scan3A_19 : i32 to vector<16xi32>
          %select_n3A_383 = arith.select %le3A_375, %broadcast_in_dim3A_382, %get3A_374 : vector<16xi1>, vector<16xi32>
          %min3A_384 = arith.minsi %min3A_366, %select_n3A_383 : vector<16xi32>
          %mul3A_385 = arith.constant 256 : i32
          %mul3A_386 = arith.muli %scan3A_187, %mul3A_385 : i32
          %add3A_387 = arith.constant 176 : i32
          %add3A_388 = arith.addi %mul3A_386, %add3A_387 : i32
          %get3A_389 = arith.index_cast %scan3A_122 : i32 to index
          %get3A_390 = arith.index_cast %add3A_388 : i32 to index
          %get3A_391 = tpu.vector_load %arg6[%get3A_389, %get3A_390] {strides = array<i32>} : memref<8x4096xi32, #tpu.memory_space<vmem>>, vector<1x16xi32>,
          %get3A_392 = vector.shape_cast %get3A_391 : vector<1x16xi32> to vector<16xi32>
          %le3A_393 = arith.cmpi sle, %get3A_392, %xor3A_133 : vector<16xi32>
          %jit3A_394 = arith.constant 1 : i32
          %jit3A_395 = arith.constant 0 : i32
          %broadcast_in_dim3A_396 = vector.broadcast %jit3A_394 : i32 to vector<16xi32>
          %broadcast_in_dim3A_397 = vector.broadcast %jit3A_395 : i32 to vector<16xi32>
          %select_n3A_398 = arith.select %le3A_393, %broadcast_in_dim3A_396, %broadcast_in_dim3A_397 : vector<16xi1>, vector<16xi32>
          %add3A_399 = arith.addi %add3A_381, %select_n3A_398 : vector<16xi32>
          %broadcast_in_dim3A_400 = vector.broadcast %scan3A_19 : i32 to vector<16xi32>
          %select_n3A_401 = arith.select %le3A_393, %broadcast_in_dim3A_400, %get3A_392 : vector<16xi1>, vector<16xi32>
          %min3A_402 = arith.minsi %min3A_384, %select_n3A_401 : vector<16xi32>
          %mul3A_403 = arith.constant 256 : i32
          %mul3A_404 = arith.muli %scan3A_187, %mul3A_403 : i32
          %add3A_405 = arith.constant 192 : i32
          %add3A_406 = arith.addi %mul3A_404, %add3A_405 : i32
          %get3A_407 = arith.index_cast %scan3A_122 : i32 to index
          %get3A_408 = arith.index_cast %add3A_406 : i32 to index
          %get3A_409 = tpu.vector_load %arg6[%get3A_407, %get3A_408] {strides = array<i32>} : memref<8x4096xi32, #tpu.memory_space<vmem>>, vector<1x16xi32>,
          %get3A_410 = vector.shape_cast %get3A_409 : vector<1x16xi32> to vector<16xi32>
          %le3A_411 = arith.cmpi sle, %get3A_410, %xor3A_133 : vector<16xi32>
          %jit3A_412 = arith.constant 1 : i32
          %jit3A_413 = arith.constant 0 : i32
          %broadcast_in_dim3A_414 = vector.broadcast %jit3A_412 : i32 to vector<16xi32>
          %broadcast_in_dim3A_415 = vector.broadcast %jit3A_413 : i32 to vector<16xi32>
          %select_n3A_416 = arith.select %le3A_411, %broadcast_in_dim3A_414, %broadcast_in_dim3A_415 : vector<16xi1>, vector<16xi32>
          %add3A_417 = arith.addi %add3A_399, %select_n3A_416 : vector<16xi32>
          %broadcast_in_dim3A_418 = vector.broadcast %scan3A_19 : i32 to vector<16xi32>
          %select_n3A_419 = arith.select %le3A_411, %broadcast_in_dim3A_418, %get3A_410 : vector<16xi1>, vector<16xi32>
          %min3A_420 = arith.minsi %min3A_402, %select_n3A_419 : vector<16xi32>
          %mul3A_421 = arith.constant 256 : i32
          %mul3A_422 = arith.muli %scan3A_187, %mul3A_421 : i32
          %add3A_423 = arith.constant 208 : i32
          %add3A_424 = arith.addi %mul3A_422, %add3A_423 : i32
          %get3A_425 = arith.index_cast %scan3A_122 : i32 to index
          %get3A_426 = arith.index_cast %add3A_424 : i32 to index
          %get3A_427 = tpu.vector_load %arg6[%get3A_425, %get3A_426] {strides = array<i32>} : memref<8x4096xi32, #tpu.memory_space<vmem>>, vector<1x16xi32>,
          %get3A_428 = vector.shape_cast %get3A_427 : vector<1x16xi32> to vector<16xi32>
          %le3A_429 = arith.cmpi sle, %get3A_428, %xor3A_133 : vector<16xi32>
          %jit3A_430 = arith.constant 1 : i32
          %jit3A_431 = arith.constant 0 : i32
          %broadcast_in_dim3A_432 = vector.broadcast %jit3A_430 : i32 to vector<16xi32>
          %broadcast_in_dim3A_433 = vector.broadcast %jit3A_431 : i32 to vector<16xi32>
          %select_n3A_434 = arith.select %le3A_429, %broadcast_in_dim3A_432, %broadcast_in_dim3A_433 : vector<16xi1>, vector<16xi32>
          %add3A_435 = arith.addi %add3A_417, %select_n3A_434 : vector<16xi32>
          %broadcast_in_dim3A_436 = vector.broadcast %scan3A_19 : i32 to vector<16xi32>
          %select_n3A_437 = arith.select %le3A_429, %broadcast_in_dim3A_436, %get3A_428 : vector<16xi1>, vector<16xi32>
          %min3A_438 = arith.minsi %min3A_420, %select_n3A_437 : vector<16xi32>
          %mul3A_439 = arith.constant 256 : i32
          %mul3A_440 = arith.muli %scan3A_187, %mul3A_439 : i32
          %add3A_441 = arith.constant 224 : i32
          %add3A_442 = arith.addi %mul3A_440, %add3A_441 : i32
          %get3A_443 = arith.index_cast %scan3A_122 : i32 to index
          %get3A_444 = arith.index_cast %add3A_442 : i32 to index
          %get3A_445 = tpu.vector_load %arg6[%get3A_443, %get3A_444] {strides = array<i32>} : memref<8x4096xi32, #tpu.memory_space<vmem>>, vector<1x16xi32>,
          %get3A_446 = vector.shape_cast %get3A_445 : vector<1x16xi32> to vector<16xi32>
          %le3A_447 = arith.cmpi sle, %get3A_446, %xor3A_133 : vector<16xi32>
          %jit3A_448 = arith.constant 1 : i32
          %jit3A_449 = arith.constant 0 : i32
          %broadcast_in_dim3A_450 = vector.broadcast %jit3A_448 : i32 to vector<16xi32>
          %broadcast_in_dim3A_451 = vector.broadcast %jit3A_449 : i32 to vector<16xi32>
          %select_n3A_452 = arith.select %le3A_447, %broadcast_in_dim3A_450, %broadcast_in_dim3A_451 : vector<16xi1>, vector<16xi32>
          %add3A_453 = arith.addi %add3A_435, %select_n3A_452 : vector<16xi32>
          %broadcast_in_dim3A_454 = vector.broadcast %scan3A_19 : i32 to vector<16xi32>
          %select_n3A_455 = arith.select %le3A_447, %broadcast_in_dim3A_454, %get3A_446 : vector<16xi1>, vector<16xi32>
          %min3A_456 = arith.minsi %min3A_438, %select_n3A_455 : vector<16xi32>
          %mul3A_457 = arith.constant 256 : i32
          %mul3A_458 = arith.muli %scan3A_187, %mul3A_457 : i32
          %add3A_459 = arith.constant 240 : i32
          %add3A_460 = arith.addi %mul3A_458, %add3A_459 : i32
          %get3A_461 = arith.index_cast %scan3A_122 : i32 to index
          %get3A_462 = arith.index_cast %add3A_460 : i32 to index
          %get3A_463 = tpu.vector_load %arg6[%get3A_461, %get3A_462] {strides = array<i32>} : memref<8x4096xi32, #tpu.memory_space<vmem>>, vector<1x16xi32>,
          %get3A_464 = vector.shape_cast %get3A_463 : vector<1x16xi32> to vector<16xi32>
          %le3A_465 = arith.cmpi sle, %get3A_464, %xor3A_133 : vector<16xi32>
          %jit3A_466 = arith.constant 1 : i32
          %jit3A_467 = arith.constant 0 : i32
          %broadcast_in_dim3A_468 = vector.broadcast %jit3A_466 : i32 to vector<16xi32>
          %broadcast_in_dim3A_469 = vector.broadcast %jit3A_467 : i32 to vector<16xi32>
          %select_n3A_470 = arith.select %le3A_465, %broadcast_in_dim3A_468, %broadcast_in_dim3A_469 : vector<16xi1>, vector<16xi32>
          %add3A_471 = arith.addi %add3A_453, %select_n3A_470 : vector<16xi32>
          %broadcast_in_dim3A_472 = vector.broadcast %scan3A_19 : i32 to vector<16xi32>
          %select_n3A_473 = arith.select %le3A_465, %broadcast_in_dim3A_472, %get3A_464 : vector<16xi1>, vector<16xi32>
          %min3A_474 = arith.minsi %min3A_456, %select_n3A_473 : vector<16xi32>
          scf.yield %add3A_471, %min3A_474 : vector<16xi32>, vector<16xi32>
        }
        %scan3A_142 = arith.constant 16 : i32
        %xor3A_143 = arith.constant 2 : i32
        %xor3A_144 = vector.broadcast %xor3A_143 : i32 to vector<16xi32>
        %xor3A_145 = arith.xori %iota3A, %xor3A_144 : vector<16xi32>
        %reshape3A = vector.shape_cast %xor3A_145 : vector<16xi32> to vector<16x1xi32>
        %gather3A = vector.shape_cast %reshape3A : vector<16x1xi32> to vector<16xi32>
        %gather3A_146 = tpu.dynamic_gather %scan3A_141#0[%gather3A] in [0] : vector<16xi32>, vector<16xi32> -> vector<16xi32>
        %add3A_147 = arith.addi %scan3A_141#0, %gather3A_146 : vector<16xi32>
        %xor3A_148 = arith.constant 4 : i32
        %xor3A_149 = vector.broadcast %xor3A_148 : i32 to vector<16xi32>
        %xor3A_150 = arith.xori %iota3A, %xor3A_149 : vector<16xi32>
        %reshape3A_151 = vector.shape_cast %xor3A_150 : vector<16xi32> to vector<16x1xi32>
        %gather3A_152 = vector.shape_cast %reshape3A_151 : vector<16x1xi32> to vector<16xi32>
        %gather3A_153 = tpu.dynamic_gather %add3A_147[%gather3A_152] in [0] : vector<16xi32>, vector<16xi32> -> vector<16xi32>
        %add3A_154 = arith.addi %add3A_147, %gather3A_153 : vector<16xi32>
        %xor3A_155 = arith.constant 8 : i32
        %xor3A_156 = vector.broadcast %xor3A_155 : i32 to vector<16xi32>
        %xor3A_157 = arith.xori %iota3A, %xor3A_156 : vector<16xi32>
        %reshape3A_158 = vector.shape_cast %xor3A_157 : vector<16xi32> to vector<16x1xi32>
        %gather3A_159 = vector.shape_cast %reshape3A_158 : vector<16x1xi32> to vector<16xi32>
        %gather3A_160 = tpu.dynamic_gather %add3A_154[%gather3A_159] in [0] : vector<16xi32>, vector<16xi32> -> vector<16xi32>
        %add3A_161 = arith.addi %add3A_154, %gather3A_160 : vector<16xi32>
        %xor3A_162 = arith.constant 2 : i32
        %xor3A_163 = vector.broadcast %xor3A_162 : i32 to vector<16xi32>
        %xor3A_164 = arith.xori %iota3A, %xor3A_163 : vector<16xi32>
        %reshape3A_165 = vector.shape_cast %xor3A_164 : vector<16xi32> to vector<16x1xi32>
        %gather3A_166 = vector.shape_cast %reshape3A_165 : vector<16x1xi32> to vector<16xi32>
        %gather3A_167 = tpu.dynamic_gather %scan3A_141#1[%gather3A_166] in [0] : vector<16xi32>, vector<16xi32> -> vector<16xi32>
        %min3A = arith.minsi %scan3A_141#1, %gather3A_167 : vector<16xi32>
        %xor3A_168 = arith.constant 4 : i32
        %xor3A_169 = vector.broadcast %xor3A_168 : i32 to vector<16xi32>
        %xor3A_170 = arith.xori %iota3A, %xor3A_169 : vector<16xi32>
        %reshape3A_171 = vector.shape_cast %xor3A_170 : vector<16xi32> to vector<16x1xi32>
        %gather3A_172 = vector.shape_cast %reshape3A_171 : vector<16x1xi32> to vector<16xi32>
        %gather3A_173 = tpu.dynamic_gather %min3A[%gather3A_172] in [0] : vector<16xi32>, vector<16xi32> -> vector<16xi32>
        %min3A_174 = arith.minsi %min3A, %gather3A_173 : vector<16xi32>
        %xor3A_175 = arith.constant 8 : i32
        %xor3A_176 = vector.broadcast %xor3A_175 : i32 to vector<16xi32>
        %xor3A_177 = arith.xori %iota3A, %xor3A_176 : vector<16xi32>
        %reshape3A_178 = vector.shape_cast %xor3A_177 : vector<16xi32> to vector<16x1xi32>
        %gather3A_179 = vector.shape_cast %reshape3A_178 : vector<16x1xi32> to vector<16xi32>
        %gather3A_180 = tpu.dynamic_gather %min3A_174[%gather3A_179] in [0] : vector<16xi32>, vector<16xi32> -> vector<16xi32>
        %min3A_181 = arith.minsi %min3A_174, %gather3A_180 : vector<16xi32>
        %ge3A = arith.constant 1025 : i32
        %ge3A_182 = vector.broadcast %ge3A : i32 to vector<16xi32>
        %ge3A_183 = arith.cmpi sge, %add3A_161, %ge3A_182 : vector<16xi32>
        %select_n3A = arith.select %ge3A_183, %xor3A_133, %min3A_181 : vector<16xi1>, vector<16xi32>
        %eq3A = vector.broadcast %scan3A_122 : i32 to vector<16xi32>
        %eq3A_184 = arith.cmpi eq, %shift_right_logical3A_6, %eq3A : vector<16xi32>
        %select_n3A_185 = arith.select %eq3A_184, %xor3A_133, %scan3A_123 : vector<16xi1>, vector<16xi32>
        %select_n3A_186 = arith.select %eq3A_184, %select_n3A, %scan3A_124 : vector<16xi1>, vector<16xi32>
        scf.yield %select_n3A_185, %select_n3A_186 : vector<16xi32>, vector<16xi32>
      }
      %scan3A_58 = arith.constant 8 : i32
      %mul3A_59 = arith.constant 32 : i32
      %mul3A_60 = arith.muli %add3A_32, %mul3A_59 : i32
      %swap3A = arith.index_cast %mul3A_60 : i32 to index
      %swap3A_61 = tpu.vector_load %arg7[%swap3A] {strides = array<i32>} : memref<192xi32, #tpu.memory_space<vmem>>, vector<16xi32>,
      %swap3A_62 = vector.shape_cast %swap3A_61 : vector<16xi32> to vector<16xi32>
      %swap3A_63 = vector.shape_cast %scan3A_57#0 : vector<16xi32> to vector<16xi32>
      tpu.vector_store %arg7[%swap3A], %swap3A_63 {strides = array<i32>} : memref<192xi32, #tpu.memory_space<vmem>>, vector<16xi32>,
      %mul3A_64 = arith.constant 32 : i32
      %mul3A_65 = arith.muli %add3A_32, %mul3A_64 : i32
      %add3A_66 = arith.constant 16 : i32
      %add3A_67 = arith.addi %mul3A_65, %add3A_66 : i32
      %swap3A_68 = arith.index_cast %add3A_67 : i32 to index
      %swap3A_69 = tpu.vector_load %arg7[%swap3A_68] {strides = array<i32>} : memref<192xi32, #tpu.memory_space<vmem>>, vector<16xi32>,
      %swap3A_70 = vector.shape_cast %swap3A_69 : vector<16xi32> to vector<16xi32>
      %swap3A_71 = vector.shape_cast %scan3A_57#1 : vector<16xi32> to vector<16xi32>
      tpu.vector_store %arg7[%swap3A_68], %swap3A_71 {strides = array<i32>} : memref<192xi32, #tpu.memory_space<vmem>>, vector<16xi32>,
      %mul3A_72 = arith.constant 2 : i32
      %mul3A_73 = arith.muli %mul3A_72, %scan3A_27 : i32
      %add3A_74 = arith.constant 1 : i32
      %add3A_75 = arith.addi %mul3A_73, %add3A_74 : i32
      %mul3A_76 = arith.constant 8 : i32
      %mul3A_77 = arith.muli %add3A_75, %mul3A_76 : i32
      %add3A_78 = arith.addi %add3A_4, %mul3A_77 : i32
      %dma_wait3A_79 = arith.constant 0 : i32
      %dma_wait3A_80 = tpu.memref_slice %arg2[%add3A_78, %dma_wait3A_79] : memref<4096x4096xi32, #tpu.memory_space<hbm>> -> memref<8x4096xi32, #tpu.memory_space<hbm>>
      %dma_wait3A_81 = arith.constant 0 : i32
      %dma_wait3A_82 = tpu.memref_slice %arg2[%add3A_78, %dma_wait3A_81] : memref<4096x4096xi32, #tpu.memory_space<hbm>> -> memref<8x4096xi32, #tpu.memory_space<hbm>>
      tpu.wait_dma2 semaphore(%arg9 : memref<!tpu.dma_semaphore, #tpu.memory_space<semaphore_mem>>) src(%dma_wait3A_82 : memref<8x4096xi32, #tpu.memory_space<hbm>>) dst(%arg5 : memref<8x4096xi32, #tpu.memory_space<vmem>>)
      %scan3A_83 = arith.constant 0 : i32
      %scan3A_84 = arith.constant 0 : i32
      %scan3A_85 = arith.constant 8 : i32
      %scan3A_86 = arith.addi %scan3A_84, %scan3A_85 : i32
      %scan3A_87 = arith.constant 1 : i32
      %scan3A_88 = scf.for %scan3A_122 = %scan3A_84 to %scan3A_86 step %scan3A_87 iter_args(%scan3A_123 = %scan3A_83) -> (i32)  : i32 {
        %scan3A_124 = arith.constant 0 : i32
        %scan3A_125 = arith.constant 0 : i32
        %scan3A_126 = arith.constant 16 : i32
        %scan3A_127 = arith.addi %scan3A_125, %scan3A_126 : i32
        %scan3A_128 = arith.constant 1 : i32
        %scan3A_129 = scf.for %scan3A_131 = %scan3A_125 to %scan3A_127 step %scan3A_128 iter_args(%scan3A_132 = %scan3A_124) -> (i32)  : i32 {
          %mul3A_133 = arith.constant 256 : i32
          %mul3A_134 = arith.muli %scan3A_131, %mul3A_133 : i32
          %add3A_135 = arith.constant 0 : i32
          %add3A_136 = arith.addi %mul3A_134, %add3A_135 : i32
          %get3A = arith.index_cast %scan3A_122 : i32 to index
          %get3A_137 = arith.index_cast %add3A_136 : i32 to index
          %get3A_138 = tpu.vector_load %arg5[%get3A, %get3A_137] {strides = array<i32>} : memref<8x4096xi32, #tpu.memory_space<vmem>>, vector<1x16xi32>,
          %get3A_139 = vector.shape_cast %get3A_138 : vector<1x16xi32> to vector<16xi32>
          %lt3A_140 = arith.constant 0 : i32
          %lt3A_141 = vector.broadcast %lt3A_140 : i32 to vector<16xi32>
          %lt3A_142 = arith.cmpi slt, %get3A_139, %lt3A_141 : vector<16xi32>
          %xor3A = vector.broadcast %scan3A : i32 to vector<16xi32>
          %xor3A_143 = arith.xori %get3A_139, %xor3A : vector<16xi32>
          %select_n3A = arith.select %lt3A_142, %xor3A_143, %get3A_139 : vector<16xi1>, vector<16xi32>
          %swap3A_144 = arith.index_cast %scan3A_122 : i32 to index
          %swap3A_145 = arith.index_cast %add3A_136 : i32 to index
          %swap3A_146 = tpu.vector_load %arg6[%swap3A_144, %swap3A_145] {strides = array<i32>} : memref<8x4096xi32, #tpu.memory_space<vmem>>, vector<1x16xi32>,
          %swap3A_147 = vector.shape_cast %swap3A_146 : vector<1x16xi32> to vector<16xi32>
          %swap3A_148 = vector.shape_cast %select_n3A : vector<16xi32> to vector<1x16xi32>
          tpu.vector_store %arg6[%swap3A_144, %swap3A_145], %swap3A_148 {strides = array<i32>} : memref<8x4096xi32, #tpu.memory_space<vmem>>, vector<1x16xi32>,
          %mul3A_149 = arith.constant 256 : i32
          %mul3A_150 = arith.muli %scan3A_131, %mul3A_149 : i32
          %add3A_151 = arith.constant 16 : i32
          %add3A_152 = arith.addi %mul3A_150, %add3A_151 : i32
          %get3A_153 = arith.index_cast %scan3A_122 : i32 to index
          %get3A_154 = arith.index_cast %add3A_152 : i32 to index
          %get3A_155 = tpu.vector_load %arg5[%get3A_153, %get3A_154] {strides = array<i32>} : memref<8x4096xi32, #tpu.memory_space<vmem>>, vector<1x16xi32>,
          %get3A_156 = vector.shape_cast %get3A_155 : vector<1x16xi32> to vector<16xi32>
          %lt3A_157 = arith.constant 0 : i32
          %lt3A_158 = vector.broadcast %lt3A_157 : i32 to vector<16xi32>
          %lt3A_159 = arith.cmpi slt, %get3A_156, %lt3A_158 : vector<16xi32>
          %xor3A_160 = vector.broadcast %scan3A : i32 to vector<16xi32>
          %xor3A_161 = arith.xori %get3A_156, %xor3A_160 : vector<16xi32>
          %select_n3A_162 = arith.select %lt3A_159, %xor3A_161, %get3A_156 : vector<16xi1>, vector<16xi32>
          %swap3A_163 = arith.index_cast %scan3A_122 : i32 to index
          %swap3A_164 = arith.index_cast %add3A_152 : i32 to index
          %swap3A_165 = tpu.vector_load %arg6[%swap3A_163, %swap3A_164] {strides = array<i32>} : memref<8x4096xi32, #tpu.memory_space<vmem>>, vector<1x16xi32>,
          %swap3A_166 = vector.shape_cast %swap3A_165 : vector<1x16xi32> to vector<16xi32>
          %swap3A_167 = vector.shape_cast %select_n3A_162 : vector<16xi32> to vector<1x16xi32>
          tpu.vector_store %arg6[%swap3A_163, %swap3A_164], %swap3A_167 {strides = array<i32>} : memref<8x4096xi32, #tpu.memory_space<vmem>>, vector<1x16xi32>,
          %mul3A_168 = arith.constant 256 : i32
          %mul3A_169 = arith.muli %scan3A_131, %mul3A_168 : i32
          %add3A_170 = arith.constant 32 : i32
          %add3A_171 = arith.addi %mul3A_169, %add3A_170 : i32
          %get3A_172 = arith.index_cast %scan3A_122 : i32 to index
          %get3A_173 = arith.index_cast %add3A_171 : i32 to index
          %get3A_174 = tpu.vector_load %arg5[%get3A_172, %get3A_173] {strides = array<i32>} : memref<8x4096xi32, #tpu.memory_space<vmem>>, vector<1x16xi32>,
          %get3A_175 = vector.shape_cast %get3A_174 : vector<1x16xi32> to vector<16xi32>
          %lt3A_176 = arith.constant 0 : i32
          %lt3A_177 = vector.broadcast %lt3A_176 : i32 to vector<16xi32>
          %lt3A_178 = arith.cmpi slt, %get3A_175, %lt3A_177 : vector<16xi32>
          %xor3A_179 = vector.broadcast %scan3A : i32 to vector<16xi32>
          %xor3A_180 = arith.xori %get3A_175, %xor3A_179 : vector<16xi32>
          %select_n3A_181 = arith.select %lt3A_178, %xor3A_180, %get3A_175 : vector<16xi1>, vector<16xi32>
          %swap3A_182 = arith.index_cast %scan3A_122 : i32 to index
          %swap3A_183 = arith.index_cast %add3A_171 : i32 to index
          %swap3A_184 = tpu.vector_load %arg6[%swap3A_182, %swap3A_183] {strides = array<i32>} : memref<8x4096xi32, #tpu.memory_space<vmem>>, vector<1x16xi32>,
          %swap3A_185 = vector.shape_cast %swap3A_184 : vector<1x16xi32> to vector<16xi32>
          %swap3A_186 = vector.shape_cast %select_n3A_181 : vector<16xi32> to vector<1x16xi32>
          tpu.vector_store %arg6[%swap3A_182, %swap3A_183], %swap3A_186 {strides = array<i32>} : memref<8x4096xi32, #tpu.memory_space<vmem>>, vector<1x16xi32>,
          %mul3A_187 = arith.constant 256 : i32
          %mul3A_188 = arith.muli %scan3A_131, %mul3A_187 : i32
          %add3A_189 = arith.constant 48 : i32
          %add3A_190 = arith.addi %mul3A_188, %add3A_189 : i32
          %get3A_191 = arith.index_cast %scan3A_122 : i32 to index
          %get3A_192 = arith.index_cast %add3A_190 : i32 to index
          %get3A_193 = tpu.vector_load %arg5[%get3A_191, %get3A_192] {strides = array<i32>} : memref<8x4096xi32, #tpu.memory_space<vmem>>, vector<1x16xi32>,
          %get3A_194 = vector.shape_cast %get3A_193 : vector<1x16xi32> to vector<16xi32>
          %lt3A_195 = arith.constant 0 : i32
          %lt3A_196 = vector.broadcast %lt3A_195 : i32 to vector<16xi32>
          %lt3A_197 = arith.cmpi slt, %get3A_194, %lt3A_196 : vector<16xi32>
          %xor3A_198 = vector.broadcast %scan3A : i32 to vector<16xi32>
          %xor3A_199 = arith.xori %get3A_194, %xor3A_198 : vector<16xi32>
          %select_n3A_200 = arith.select %lt3A_197, %xor3A_199, %get3A_194 : vector<16xi1>, vector<16xi32>
          %swap3A_201 = arith.index_cast %scan3A_122 : i32 to index
          %swap3A_202 = arith.index_cast %add3A_190 : i32 to index
          %swap3A_203 = tpu.vector_load %arg6[%swap3A_201, %swap3A_202] {strides = array<i32>} : memref<8x4096xi32, #tpu.memory_space<vmem>>, vector<1x16xi32>,
          %swap3A_204 = vector.shape_cast %swap3A_203 : vector<1x16xi32> to vector<16xi32>
          %swap3A_205 = vector.shape_cast %select_n3A_200 : vector<16xi32> to vector<1x16xi32>
          tpu.vector_store %arg6[%swap3A_201, %swap3A_202], %swap3A_205 {strides = array<i32>} : memref<8x4096xi32, #tpu.memory_space<vmem>>, vector<1x16xi32>,
          %mul3A_206 = arith.constant 256 : i32
          %mul3A_207 = arith.muli %scan3A_131, %mul3A_206 : i32
          %add3A_208 = arith.constant 64 : i32
          %add3A_209 = arith.addi %mul3A_207, %add3A_208 : i32
          %get3A_210 = arith.index_cast %scan3A_122 : i32 to index
          %get3A_211 = arith.index_cast %add3A_209 : i32 to index
          %get3A_212 = tpu.vector_load %arg5[%get3A_210, %get3A_211] {strides = array<i32>} : memref<8x4096xi32, #tpu.memory_space<vmem>>, vector<1x16xi32>,
          %get3A_213 = vector.shape_cast %get3A_212 : vector<1x16xi32> to vector<16xi32>
          %lt3A_214 = arith.constant 0 : i32
          %lt3A_215 = vector.broadcast %lt3A_214 : i32 to vector<16xi32>
          %lt3A_216 = arith.cmpi slt, %get3A_213, %lt3A_215 : vector<16xi32>
          %xor3A_217 = vector.broadcast %scan3A : i32 to vector<16xi32>
          %xor3A_218 = arith.xori %get3A_213, %xor3A_217 : vector<16xi32>
          %select_n3A_219 = arith.select %lt3A_216, %xor3A_218, %get3A_213 : vector<16xi1>, vector<16xi32>
          %swap3A_220 = arith.index_cast %scan3A_122 : i32 to index
          %swap3A_221 = arith.index_cast %add3A_209 : i32 to index
          %swap3A_222 = tpu.vector_load %arg6[%swap3A_220, %swap3A_221] {strides = array<i32>} : memref<8x4096xi32, #tpu.memory_space<vmem>>, vector<1x16xi32>,
          %swap3A_223 = vector.shape_cast %swap3A_222 : vector<1x16xi32> to vector<16xi32>
          %swap3A_224 = vector.shape_cast %select_n3A_219 : vector<16xi32> to vector<1x16xi32>
          tpu.vector_store %arg6[%swap3A_220, %swap3A_221], %swap3A_224 {strides = array<i32>} : memref<8x4096xi32, #tpu.memory_space<vmem>>, vector<1x16xi32>,
          %mul3A_225 = arith.constant 256 : i32
          %mul3A_226 = arith.muli %scan3A_131, %mul3A_225 : i32
          %add3A_227 = arith.constant 80 : i32
          %add3A_228 = arith.addi %mul3A_226, %add3A_227 : i32
          %get3A_229 = arith.index_cast %scan3A_122 : i32 to index
          %get3A_230 = arith.index_cast %add3A_228 : i32 to index
          %get3A_231 = tpu.vector_load %arg5[%get3A_229, %get3A_230] {strides = array<i32>} : memref<8x4096xi32, #tpu.memory_space<vmem>>, vector<1x16xi32>,
          %get3A_232 = vector.shape_cast %get3A_231 : vector<1x16xi32> to vector<16xi32>
          %lt3A_233 = arith.constant 0 : i32
          %lt3A_234 = vector.broadcast %lt3A_233 : i32 to vector<16xi32>
          %lt3A_235 = arith.cmpi slt, %get3A_232, %lt3A_234 : vector<16xi32>
          %xor3A_236 = vector.broadcast %scan3A : i32 to vector<16xi32>
          %xor3A_237 = arith.xori %get3A_232, %xor3A_236 : vector<16xi32>
          %select_n3A_238 = arith.select %lt3A_235, %xor3A_237, %get3A_232 : vector<16xi1>, vector<16xi32>
          %swap3A_239 = arith.index_cast %scan3A_122 : i32 to index
          %swap3A_240 = arith.index_cast %add3A_228 : i32 to index
          %swap3A_241 = tpu.vector_load %arg6[%swap3A_239, %swap3A_240] {strides = array<i32>} : memref<8x4096xi32, #tpu.memory_space<vmem>>, vector<1x16xi32>,
          %swap3A_242 = vector.shape_cast %swap3A_241 : vector<1x16xi32> to vector<16xi32>
          %swap3A_243 = vector.shape_cast %select_n3A_238 : vector<16xi32> to vector<1x16xi32>
          tpu.vector_store %arg6[%swap3A_239, %swap3A_240], %swap3A_243 {strides = array<i32>} : memref<8x4096xi32, #tpu.memory_space<vmem>>, vector<1x16xi32>,
          %mul3A_244 = arith.constant 256 : i32
          %mul3A_245 = arith.muli %scan3A_131, %mul3A_244 : i32
          %add3A_246 = arith.constant 96 : i32
          %add3A_247 = arith.addi %mul3A_245, %add3A_246 : i32
          %get3A_248 = arith.index_cast %scan3A_122 : i32 to index
          %get3A_249 = arith.index_cast %add3A_247 : i32 to index
          %get3A_250 = tpu.vector_load %arg5[%get3A_248, %get3A_249] {strides = array<i32>} : memref<8x4096xi32, #tpu.memory_space<vmem>>, vector<1x16xi32>,
          %get3A_251 = vector.shape_cast %get3A_250 : vector<1x16xi32> to vector<16xi32>
          %lt3A_252 = arith.constant 0 : i32
          %lt3A_253 = vector.broadcast %lt3A_252 : i32 to vector<16xi32>
          %lt3A_254 = arith.cmpi slt, %get3A_251, %lt3A_253 : vector<16xi32>
          %xor3A_255 = vector.broadcast %scan3A : i32 to vector<16xi32>
          %xor3A_256 = arith.xori %get3A_251, %xor3A_255 : vector<16xi32>
          %select_n3A_257 = arith.select %lt3A_254, %xor3A_256, %get3A_251 : vector<16xi1>, vector<16xi32>
          %swap3A_258 = arith.index_cast %scan3A_122 : i32 to index
          %swap3A_259 = arith.index_cast %add3A_247 : i32 to index
          %swap3A_260 = tpu.vector_load %arg6[%swap3A_258, %swap3A_259] {strides = array<i32>} : memref<8x4096xi32, #tpu.memory_space<vmem>>, vector<1x16xi32>,
          %swap3A_261 = vector.shape_cast %swap3A_260 : vector<1x16xi32> to vector<16xi32>
          %swap3A_262 = vector.shape_cast %select_n3A_257 : vector<16xi32> to vector<1x16xi32>
          tpu.vector_store %arg6[%swap3A_258, %swap3A_259], %swap3A_262 {strides = array<i32>} : memref<8x4096xi32, #tpu.memory_space<vmem>>, vector<1x16xi32>,
          %mul3A_263 = arith.constant 256 : i32
          %mul3A_264 = arith.muli %scan3A_131, %mul3A_263 : i32
          %add3A_265 = arith.constant 112 : i32
          %add3A_266 = arith.addi %mul3A_264, %add3A_265 : i32
          %get3A_267 = arith.index_cast %scan3A_122 : i32 to index
          %get3A_268 = arith.index_cast %add3A_266 : i32 to index
          %get3A_269 = tpu.vector_load %arg5[%get3A_267, %get3A_268] {strides = array<i32>} : memref<8x4096xi32, #tpu.memory_space<vmem>>, vector<1x16xi32>,
          %get3A_270 = vector.shape_cast %get3A_269 : vector<1x16xi32> to vector<16xi32>
          %lt3A_271 = arith.constant 0 : i32
          %lt3A_272 = vector.broadcast %lt3A_271 : i32 to vector<16xi32>
          %lt3A_273 = arith.cmpi slt, %get3A_270, %lt3A_272 : vector<16xi32>
          %xor3A_274 = vector.broadcast %scan3A : i32 to vector<16xi32>
          %xor3A_275 = arith.xori %get3A_270, %xor3A_274 : vector<16xi32>
          %select_n3A_276 = arith.select %lt3A_273, %xor3A_275, %get3A_270 : vector<16xi1>, vector<16xi32>
          %swap3A_277 = arith.index_cast %scan3A_122 : i32 to index
          %swap3A_278 = arith.index_cast %add3A_266 : i32 to index
          %swap3A_279 = tpu.vector_load %arg6[%swap3A_277, %swap3A_278] {strides = array<i32>} : memref<8x4096xi32, #tpu.memory_space<vmem>>, vector<1x16xi32>,
          %swap3A_280 = vector.shape_cast %swap3A_279 : vector<1x16xi32> to vector<16xi32>
          %swap3A_281 = vector.shape_cast %select_n3A_276 : vector<16xi32> to vector<1x16xi32>
          tpu.vector_store %arg6[%swap3A_277, %swap3A_278], %swap3A_281 {strides = array<i32>} : memref<8x4096xi32, #tpu.memory_space<vmem>>, vector<1x16xi32>,
          %mul3A_282 = arith.constant 256 : i32
          %mul3A_283 = arith.muli %scan3A_131, %mul3A_282 : i32
          %add3A_284 = arith.constant 128 : i32
          %add3A_285 = arith.addi %mul3A_283, %add3A_284 : i32
          %get3A_286 = arith.index_cast %scan3A_122 : i32 to index
          %get3A_287 = arith.index_cast %add3A_285 : i32 to index
          %get3A_288 = tpu.vector_load %arg5[%get3A_286, %get3A_287] {strides = array<i32>} : memref<8x4096xi32, #tpu.memory_space<vmem>>, vector<1x16xi32>,
          %get3A_289 = vector.shape_cast %get3A_288 : vector<1x16xi32> to vector<16xi32>
          %lt3A_290 = arith.constant 0 : i32
          %lt3A_291 = vector.broadcast %lt3A_290 : i32 to vector<16xi32>
          %lt3A_292 = arith.cmpi slt, %get3A_289, %lt3A_291 : vector<16xi32>
          %xor3A_293 = vector.broadcast %scan3A : i32 to vector<16xi32>
          %xor3A_294 = arith.xori %get3A_289, %xor3A_293 : vector<16xi32>
          %select_n3A_295 = arith.select %lt3A_292, %xor3A_294, %get3A_289 : vector<16xi1>, vector<16xi32>
          %swap3A_296 = arith.index_cast %scan3A_122 : i32 to index
          %swap3A_297 = arith.index_cast %add3A_285 : i32 to index
          %swap3A_298 = tpu.vector_load %arg6[%swap3A_296, %swap3A_297] {strides = array<i32>} : memref<8x4096xi32, #tpu.memory_space<vmem>>, vector<1x16xi32>,
          %swap3A_299 = vector.shape_cast %swap3A_298 : vector<1x16xi32> to vector<16xi32>
          %swap3A_300 = vector.shape_cast %select_n3A_295 : vector<16xi32> to vector<1x16xi32>
          tpu.vector_store %arg6[%swap3A_296, %swap3A_297], %swap3A_300 {strides = array<i32>} : memref<8x4096xi32, #tpu.memory_space<vmem>>, vector<1x16xi32>,
          %mul3A_301 = arith.constant 256 : i32
          %mul3A_302 = arith.muli %scan3A_131, %mul3A_301 : i32
          %add3A_303 = arith.constant 144 : i32
          %add3A_304 = arith.addi %mul3A_302, %add3A_303 : i32
          %get3A_305 = arith.index_cast %scan3A_122 : i32 to index
          %get3A_306 = arith.index_cast %add3A_304 : i32 to index
          %get3A_307 = tpu.vector_load %arg5[%get3A_305, %get3A_306] {strides = array<i32>} : memref<8x4096xi32, #tpu.memory_space<vmem>>, vector<1x16xi32>,
          %get3A_308 = vector.shape_cast %get3A_307 : vector<1x16xi32> to vector<16xi32>
          %lt3A_309 = arith.constant 0 : i32
          %lt3A_310 = vector.broadcast %lt3A_309 : i32 to vector<16xi32>
          %lt3A_311 = arith.cmpi slt, %get3A_308, %lt3A_310 : vector<16xi32>
          %xor3A_312 = vector.broadcast %scan3A : i32 to vector<16xi32>
          %xor3A_313 = arith.xori %get3A_308, %xor3A_312 : vector<16xi32>
          %select_n3A_314 = arith.select %lt3A_311, %xor3A_313, %get3A_308 : vector<16xi1>, vector<16xi32>
          %swap3A_315 = arith.index_cast %scan3A_122 : i32 to index
          %swap3A_316 = arith.index_cast %add3A_304 : i32 to index
          %swap3A_317 = tpu.vector_load %arg6[%swap3A_315, %swap3A_316] {strides = array<i32>} : memref<8x4096xi32, #tpu.memory_space<vmem>>, vector<1x16xi32>,
          %swap3A_318 = vector.shape_cast %swap3A_317 : vector<1x16xi32> to vector<16xi32>
          %swap3A_319 = vector.shape_cast %select_n3A_314 : vector<16xi32> to vector<1x16xi32>
          tpu.vector_store %arg6[%swap3A_315, %swap3A_316], %swap3A_319 {strides = array<i32>} : memref<8x4096xi32, #tpu.memory_space<vmem>>, vector<1x16xi32>,
          %mul3A_320 = arith.constant 256 : i32
          %mul3A_321 = arith.muli %scan3A_131, %mul3A_320 : i32
          %add3A_322 = arith.constant 160 : i32
          %add3A_323 = arith.addi %mul3A_321, %add3A_322 : i32
          %get3A_324 = arith.index_cast %scan3A_122 : i32 to index
          %get3A_325 = arith.index_cast %add3A_323 : i32 to index
          %get3A_326 = tpu.vector_load %arg5[%get3A_324, %get3A_325] {strides = array<i32>} : memref<8x4096xi32, #tpu.memory_space<vmem>>, vector<1x16xi32>,
          %get3A_327 = vector.shape_cast %get3A_326 : vector<1x16xi32> to vector<16xi32>
          %lt3A_328 = arith.constant 0 : i32
          %lt3A_329 = vector.broadcast %lt3A_328 : i32 to vector<16xi32>
          %lt3A_330 = arith.cmpi slt, %get3A_327, %lt3A_329 : vector<16xi32>
          %xor3A_331 = vector.broadcast %scan3A : i32 to vector<16xi32>
          %xor3A_332 = arith.xori %get3A_327, %xor3A_331 : vector<16xi32>
          %select_n3A_333 = arith.select %lt3A_330, %xor3A_332, %get3A_327 : vector<16xi1>, vector<16xi32>
          %swap3A_334 = arith.index_cast %scan3A_122 : i32 to index
          %swap3A_335 = arith.index_cast %add3A_323 : i32 to index
          %swap3A_336 = tpu.vector_load %arg6[%swap3A_334, %swap3A_335] {strides = array<i32>} : memref<8x4096xi32, #tpu.memory_space<vmem>>, vector<1x16xi32>,
          %swap3A_337 = vector.shape_cast %swap3A_336 : vector<1x16xi32> to vector<16xi32>
          %swap3A_338 = vector.shape_cast %select_n3A_333 : vector<16xi32> to vector<1x16xi32>
          tpu.vector_store %arg6[%swap3A_334, %swap3A_335], %swap3A_338 {strides = array<i32>} : memref<8x4096xi32, #tpu.memory_space<vmem>>, vector<1x16xi32>,
          %mul3A_339 = arith.constant 256 : i32
          %mul3A_340 = arith.muli %scan3A_131, %mul3A_339 : i32
          %add3A_341 = arith.constant 176 : i32
          %add3A_342 = arith.addi %mul3A_340, %add3A_341 : i32
          %get3A_343 = arith.index_cast %scan3A_122 : i32 to index
          %get3A_344 = arith.index_cast %add3A_342 : i32 to index
          %get3A_345 = tpu.vector_load %arg5[%get3A_343, %get3A_344] {strides = array<i32>} : memref<8x4096xi32, #tpu.memory_space<vmem>>, vector<1x16xi32>,
          %get3A_346 = vector.shape_cast %get3A_345 : vector<1x16xi32> to vector<16xi32>
          %lt3A_347 = arith.constant 0 : i32
          %lt3A_348 = vector.broadcast %lt3A_347 : i32 to vector<16xi32>
          %lt3A_349 = arith.cmpi slt, %get3A_346, %lt3A_348 : vector<16xi32>
          %xor3A_350 = vector.broadcast %scan3A : i32 to vector<16xi32>
          %xor3A_351 = arith.xori %get3A_346, %xor3A_350 : vector<16xi32>
          %select_n3A_352 = arith.select %lt3A_349, %xor3A_351, %get3A_346 : vector<16xi1>, vector<16xi32>
          %swap3A_353 = arith.index_cast %scan3A_122 : i32 to index
          %swap3A_354 = arith.index_cast %add3A_342 : i32 to index
          %swap3A_355 = tpu.vector_load %arg6[%swap3A_353, %swap3A_354] {strides = array<i32>} : memref<8x4096xi32, #tpu.memory_space<vmem>>, vector<1x16xi32>,
          %swap3A_356 = vector.shape_cast %swap3A_355 : vector<1x16xi32> to vector<16xi32>
          %swap3A_357 = vector.shape_cast %select_n3A_352 : vector<16xi32> to vector<1x16xi32>
          tpu.vector_store %arg6[%swap3A_353, %swap3A_354], %swap3A_357 {strides = array<i32>} : memref<8x4096xi32, #tpu.memory_space<vmem>>, vector<1x16xi32>,
          %mul3A_358 = arith.constant 256 : i32
          %mul3A_359 = arith.muli %scan3A_131, %mul3A_358 : i32
          %add3A_360 = arith.constant 192 : i32
          %add3A_361 = arith.addi %mul3A_359, %add3A_360 : i32
          %get3A_362 = arith.index_cast %scan3A_122 : i32 to index
          %get3A_363 = arith.index_cast %add3A_361 : i32 to index
          %get3A_364 = tpu.vector_load %arg5[%get3A_362, %get3A_363] {strides = array<i32>} : memref<8x4096xi32, #tpu.memory_space<vmem>>, vector<1x16xi32>,
          %get3A_365 = vector.shape_cast %get3A_364 : vector<1x16xi32> to vector<16xi32>
          %lt3A_366 = arith.constant 0 : i32
          %lt3A_367 = vector.broadcast %lt3A_366 : i32 to vector<16xi32>
          %lt3A_368 = arith.cmpi slt, %get3A_365, %lt3A_367 : vector<16xi32>
          %xor3A_369 = vector.broadcast %scan3A : i32 to vector<16xi32>
          %xor3A_370 = arith.xori %get3A_365, %xor3A_369 : vector<16xi32>
          %select_n3A_371 = arith.select %lt3A_368, %xor3A_370, %get3A_365 : vector<16xi1>, vector<16xi32>
          %swap3A_372 = arith.index_cast %scan3A_122 : i32 to index
          %swap3A_373 = arith.index_cast %add3A_361 : i32 to index
          %swap3A_374 = tpu.vector_load %arg6[%swap3A_372, %swap3A_373] {strides = array<i32>} : memref<8x4096xi32, #tpu.memory_space<vmem>>, vector<1x16xi32>,
          %swap3A_375 = vector.shape_cast %swap3A_374 : vector<1x16xi32> to vector<16xi32>
          %swap3A_376 = vector.shape_cast %select_n3A_371 : vector<16xi32> to vector<1x16xi32>
          tpu.vector_store %arg6[%swap3A_372, %swap3A_373], %swap3A_376 {strides = array<i32>} : memref<8x4096xi32, #tpu.memory_space<vmem>>, vector<1x16xi32>,
          %mul3A_377 = arith.constant 256 : i32
          %mul3A_378 = arith.muli %scan3A_131, %mul3A_377 : i32
          %add3A_379 = arith.constant 208 : i32
          %add3A_380 = arith.addi %mul3A_378, %add3A_379 : i32
          %get3A_381 = arith.index_cast %scan3A_122 : i32 to index
          %get3A_382 = arith.index_cast %add3A_380 : i32 to index
          %get3A_383 = tpu.vector_load %arg5[%get3A_381, %get3A_382] {strides = array<i32>} : memref<8x4096xi32, #tpu.memory_space<vmem>>, vector<1x16xi32>,
          %get3A_384 = vector.shape_cast %get3A_383 : vector<1x16xi32> to vector<16xi32>
          %lt3A_385 = arith.constant 0 : i32
          %lt3A_386 = vector.broadcast %lt3A_385 : i32 to vector<16xi32>
          %lt3A_387 = arith.cmpi slt, %get3A_384, %lt3A_386 : vector<16xi32>
          %xor3A_388 = vector.broadcast %scan3A : i32 to vector<16xi32>
          %xor3A_389 = arith.xori %get3A_384, %xor3A_388 : vector<16xi32>
          %select_n3A_390 = arith.select %lt3A_387, %xor3A_389, %get3A_384 : vector<16xi1>, vector<16xi32>
          %swap3A_391 = arith.index_cast %scan3A_122 : i32 to index
          %swap3A_392 = arith.index_cast %add3A_380 : i32 to index
          %swap3A_393 = tpu.vector_load %arg6[%swap3A_391, %swap3A_392] {strides = array<i32>} : memref<8x4096xi32, #tpu.memory_space<vmem>>, vector<1x16xi32>,
          %swap3A_394 = vector.shape_cast %swap3A_393 : vector<1x16xi32> to vector<16xi32>
          %swap3A_395 = vector.shape_cast %select_n3A_390 : vector<16xi32> to vector<1x16xi32>
          tpu.vector_store %arg6[%swap3A_391, %swap3A_392], %swap3A_395 {strides = array<i32>} : memref<8x4096xi32, #tpu.memory_space<vmem>>, vector<1x16xi32>,
          %mul3A_396 = arith.constant 256 : i32
          %mul3A_397 = arith.muli %scan3A_131, %mul3A_396 : i32
          %add3A_398 = arith.constant 224 : i32
          %add3A_399 = arith.addi %mul3A_397, %add3A_398 : i32
          %get3A_400 = arith.index_cast %scan3A_122 : i32 to index
          %get3A_401 = arith.index_cast %add3A_399 : i32 to index
          %get3A_402 = tpu.vector_load %arg5[%get3A_400, %get3A_401] {strides = array<i32>} : memref<8x4096xi32, #tpu.memory_space<vmem>>, vector<1x16xi32>,
          %get3A_403 = vector.shape_cast %get3A_402 : vector<1x16xi32> to vector<16xi32>
          %lt3A_404 = arith.constant 0 : i32
          %lt3A_405 = vector.broadcast %lt3A_404 : i32 to vector<16xi32>
          %lt3A_406 = arith.cmpi slt, %get3A_403, %lt3A_405 : vector<16xi32>
          %xor3A_407 = vector.broadcast %scan3A : i32 to vector<16xi32>
          %xor3A_408 = arith.xori %get3A_403, %xor3A_407 : vector<16xi32>
          %select_n3A_409 = arith.select %lt3A_406, %xor3A_408, %get3A_403 : vector<16xi1>, vector<16xi32>
          %swap3A_410 = arith.index_cast %scan3A_122 : i32 to index
          %swap3A_411 = arith.index_cast %add3A_399 : i32 to index
          %swap3A_412 = tpu.vector_load %arg6[%swap3A_410, %swap3A_411] {strides = array<i32>} : memref<8x4096xi32, #tpu.memory_space<vmem>>, vector<1x16xi32>,
          %swap3A_413 = vector.shape_cast %swap3A_412 : vector<1x16xi32> to vector<16xi32>
          %swap3A_414 = vector.shape_cast %select_n3A_409 : vector<16xi32> to vector<1x16xi32>
          tpu.vector_store %arg6[%swap3A_410, %swap3A_411], %swap3A_414 {strides = array<i32>} : memref<8x4096xi32, #tpu.memory_space<vmem>>, vector<1x16xi32>,
          %mul3A_415 = arith.constant 256 : i32
          %mul3A_416 = arith.muli %scan3A_131, %mul3A_415 : i32
          %add3A_417 = arith.constant 240 : i32
          %add3A_418 = arith.addi %mul3A_416, %add3A_417 : i32
          %get3A_419 = arith.index_cast %scan3A_122 : i32 to index
          %get3A_420 = arith.index_cast %add3A_418 : i32 to index
          %get3A_421 = tpu.vector_load %arg5[%get3A_419, %get3A_420] {strides = array<i32>} : memref<8x4096xi32, #tpu.memory_space<vmem>>, vector<1x16xi32>,
          %get3A_422 = vector.shape_cast %get3A_421 : vector<1x16xi32> to vector<16xi32>
          %lt3A_423 = arith.constant 0 : i32
          %lt3A_424 = vector.broadcast %lt3A_423 : i32 to vector<16xi32>
          %lt3A_425 = arith.cmpi slt, %get3A_422, %lt3A_424 : vector<16xi32>
          %xor3A_426 = vector.broadcast %scan3A : i32 to vector<16xi32>
          %xor3A_427 = arith.xori %get3A_422, %xor3A_426 : vector<16xi32>
          %select_n3A_428 = arith.select %lt3A_425, %xor3A_427, %get3A_422 : vector<16xi1>, vector<16xi32>
          %swap3A_429 = arith.index_cast %scan3A_122 : i32 to index
          %swap3A_430 = arith.index_cast %add3A_418 : i32 to index
          %swap3A_431 = tpu.vector_load %arg6[%swap3A_429, %swap3A_430] {strides = array<i32>} : memref<8x4096xi32, #tpu.memory_space<vmem>>, vector<1x16xi32>,
          %swap3A_432 = vector.shape_cast %swap3A_431 : vector<1x16xi32> to vector<16xi32>
          %swap3A_433 = vector.shape_cast %select_n3A_428 : vector<16xi32> to vector<1x16xi32>
          tpu.vector_store %arg6[%swap3A_429, %swap3A_430], %swap3A_433 {strides = array<i32>} : memref<8x4096xi32, #tpu.memory_space<vmem>>, vector<1x16xi32>,
          %scan3A_434 = arith.constant 0 : i32
          scf.yield %scan3A_434 : i32
        }
        %scan3A_130 = arith.constant 16 : i32
        scf.yield %scan3A_129 : i32
      }
      %scan3A_89 = arith.constant 8 : i32
      %add3A_90 = arith.constant 2 : i32
      %add3A_91 = arith.addi %add3A_75, %add3A_90 : i32
      %lt3A_92 = arith.constant 6 : i32
      %lt3A_93 = arith.cmpi slt, %add3A_91, %lt3A_92 : i32
      %convert_element_type3A_94 = arith.extui %lt3A_93 : i1 to i32
      %cond3A_95 = arith.constant 0 : i32
      %cond3A_96 = arith.cmpi ne, %convert_element_type3A_94, %cond3A_95 : i32
      scf.if %cond3A_96 {
        %add3A_122 = arith.constant 2 : i32
        %add3A_123 = arith.addi %add3A_75, %add3A_122 : i32
        %mul3A_124 = arith.constant 8 : i32
        %mul3A_125 = arith.muli %add3A_123, %mul3A_124 : i32
        %add3A_126 = arith.addi %add3A_4, %mul3A_125 : i32
        %dma_start3A_127 = arith.constant 0 : i32
        %dma_start3A_128 = tpu.memref_slice %arg2[%add3A_126, %dma_start3A_127] : memref<4096x4096xi32, #tpu.memory_space<hbm>> -> memref<8x4096xi32, #tpu.memory_space<hbm>>
        %dma_start3A_129 = arith.constant 0 : i32
        %dma_start3A_130 = tpu.memref_slice %arg2[%add3A_126, %dma_start3A_129] : memref<4096x4096xi32, #tpu.memory_space<hbm>> -> memref<8x4096xi32, #tpu.memory_space<hbm>>
        tpu.enqueue_dma source(%dma_start3A_130 : memref<8x4096xi32, #tpu.memory_space<hbm>>) target(%arg5 : memref<8x4096xi32, #tpu.memory_space<vmem>>) target_semaphore(%arg9 : memref<!tpu.dma_semaphore, #tpu.memory_space<semaphore_mem>>)
      } else {
      }
      %broadcast_in_dim3A_97 = arith.constant 0 : i32
      %broadcast_in_dim3A_98 = vector.broadcast %broadcast_in_dim3A_97 : i32 to vector<16xi32>
      %broadcast_in_dim3A_99 = arith.constant 0 : i32
      %broadcast_in_dim3A_100 = vector.broadcast %broadcast_in_dim3A_99 : i32 to vector<16xi32>
      %scan3A_101 = arith.constant 0 : i32
      %scan3A_102 = arith.constant 8 : i32
      %scan3A_103 = arith.addi %scan3A_101, %scan3A_102 : i32
      %scan3A_104 = arith.constant 1 : i32
      %scan3A_105:2 = scf.for %scan3A_122 = %scan3A_101 to %scan3A_103 step %scan3A_104 iter_args(%scan3A_123 = %broadcast_in_dim3A_98, %scan3A_124 = %broadcast_in_dim3A_100) -> (vector<16xi32>, vector<16xi32>)  : i32 {
        %broadcast_in_dim3A_125 = arith.constant 0 : i32
        %broadcast_in_dim3A_126 = vector.broadcast %broadcast_in_dim3A_125 : i32 to vector<16xi32>
        %scan3A_127 = arith.constant 0 : i32
        %scan3A_128 = arith.constant 32 : i32
        %scan3A_129 = arith.addi %scan3A_127, %scan3A_128 : i32
        %scan3A_130 = arith.constant 1 : i32
        %scan3A_131 = scf.for %scan3A_187 = %scan3A_127 to %scan3A_129 step %scan3A_130 iter_args(%scan3A_188 = %broadcast_in_dim3A_126) -> (vector<16xi32>)  : i32 {
          %sub3A = arith.constant 31 : i32
          %sub3A_189 = arith.subi %sub3A, %scan3A_187 : i32
          %shift_left3A = arith.constant 1 : i32
          %shift_left3A_190 = arith.shli %shift_left3A, %sub3A_189 : i32
          %or3A = vector.broadcast %shift_left3A_190 : i32 to vector<16xi32>
          %or3A_191 = arith.ori %scan3A_188, %or3A : vector<16xi32>
          %xor3A_192 = vector.broadcast %scan3A_18 : i32 to vector<16xi32>
          %xor3A_193 = arith.xori %or3A_191, %xor3A_192 : vector<16xi32>
          %broadcast_in_dim3A_194 = arith.constant 0 : i32
          %broadcast_in_dim3A_195 = vector.broadcast %broadcast_in_dim3A_194 : i32 to vector<16xi32>
          %scan3A_196 = arith.constant 0 : i32
          %scan3A_197 = arith.constant 16 : i32
          %scan3A_198 = arith.addi %scan3A_196, %scan3A_197 : i32
          %scan3A_199 = arith.constant 1 : i32
          %scan3A_200 = scf.for %scan3A_226 = %scan3A_196 to %scan3A_198 step %scan3A_199 iter_args(%scan3A_227 = %broadcast_in_dim3A_195) -> (vector<16xi32>)  : i32 {
            %mul3A_228 = arith.constant 256 : i32
            %mul3A_229 = arith.muli %scan3A_226, %mul3A_228 : i32
            %add3A_230 = arith.constant 0 : i32
            %add3A_231 = arith.addi %mul3A_229, %add3A_230 : i32
            %get3A = arith.index_cast %scan3A_122 : i32 to index
            %get3A_232 = arith.index_cast %add3A_231 : i32 to index
            %get3A_233 = tpu.vector_load %arg6[%get3A, %get3A_232] {strides = array<i32>} : memref<8x4096xi32, #tpu.memory_space<vmem>>, vector<1x16xi32>,
            %get3A_234 = vector.shape_cast %get3A_233 : vector<1x16xi32> to vector<16xi32>
            %lt3A_235 = arith.cmpi slt, %get3A_234, %xor3A_193 : vector<16xi32>
            %jit3A = arith.constant 1 : i32
            %jit3A_236 = arith.constant 0 : i32
            %broadcast_in_dim3A_237 = vector.broadcast %jit3A : i32 to vector<16xi32>
            %broadcast_in_dim3A_238 = vector.broadcast %jit3A_236 : i32 to vector<16xi32>
            %select_n3A_239 = arith.select %lt3A_235, %broadcast_in_dim3A_237, %broadcast_in_dim3A_238 : vector<16xi1>, vector<16xi32>
            %add3A_240 = arith.addi %scan3A_227, %select_n3A_239 : vector<16xi32>
            %mul3A_241 = arith.constant 256 : i32
            %mul3A_242 = arith.muli %scan3A_226, %mul3A_241 : i32
            %add3A_243 = arith.constant 16 : i32
            %add3A_244 = arith.addi %mul3A_242, %add3A_243 : i32
            %get3A_245 = arith.index_cast %scan3A_122 : i32 to index
            %get3A_246 = arith.index_cast %add3A_244 : i32 to index
            %get3A_247 = tpu.vector_load %arg6[%get3A_245, %get3A_246] {strides = array<i32>} : memref<8x4096xi32, #tpu.memory_space<vmem>>, vector<1x16xi32>,
            %get3A_248 = vector.shape_cast %get3A_247 : vector<1x16xi32> to vector<16xi32>
            %lt3A_249 = arith.cmpi slt, %get3A_248, %xor3A_193 : vector<16xi32>
            %jit3A_250 = arith.constant 1 : i32
            %jit3A_251 = arith.constant 0 : i32
            %broadcast_in_dim3A_252 = vector.broadcast %jit3A_250 : i32 to vector<16xi32>
            %broadcast_in_dim3A_253 = vector.broadcast %jit3A_251 : i32 to vector<16xi32>
            %select_n3A_254 = arith.select %lt3A_249, %broadcast_in_dim3A_252, %broadcast_in_dim3A_253 : vector<16xi1>, vector<16xi32>
            %add3A_255 = arith.addi %add3A_240, %select_n3A_254 : vector<16xi32>
            %mul3A_256 = arith.constant 256 : i32
            %mul3A_257 = arith.muli %scan3A_226, %mul3A_256 : i32
            %add3A_258 = arith.constant 32 : i32
            %add3A_259 = arith.addi %mul3A_257, %add3A_258 : i32
            %get3A_260 = arith.index_cast %scan3A_122 : i32 to index
            %get3A_261 = arith.index_cast %add3A_259 : i32 to index
            %get3A_262 = tpu.vector_load %arg6[%get3A_260, %get3A_261] {strides = array<i32>} : memref<8x4096xi32, #tpu.memory_space<vmem>>, vector<1x16xi32>,
            %get3A_263 = vector.shape_cast %get3A_262 : vector<1x16xi32> to vector<16xi32>
            %lt3A_264 = arith.cmpi slt, %get3A_263, %xor3A_193 : vector<16xi32>
            %jit3A_265 = arith.constant 1 : i32
            %jit3A_266 = arith.constant 0 : i32
            %broadcast_in_dim3A_267 = vector.broadcast %jit3A_265 : i32 to vector<16xi32>
            %broadcast_in_dim3A_268 = vector.broadcast %jit3A_266 : i32 to vector<16xi32>
            %select_n3A_269 = arith.select %lt3A_264, %broadcast_in_dim3A_267, %broadcast_in_dim3A_268 : vector<16xi1>, vector<16xi32>
            %add3A_270 = arith.addi %add3A_255, %select_n3A_269 : vector<16xi32>
            %mul3A_271 = arith.constant 256 : i32
            %mul3A_272 = arith.muli %scan3A_226, %mul3A_271 : i32
            %add3A_273 = arith.constant 48 : i32
            %add3A_274 = arith.addi %mul3A_272, %add3A_273 : i32
            %get3A_275 = arith.index_cast %scan3A_122 : i32 to index
            %get3A_276 = arith.index_cast %add3A_274 : i32 to index
            %get3A_277 = tpu.vector_load %arg6[%get3A_275, %get3A_276] {strides = array<i32>} : memref<8x4096xi32, #tpu.memory_space<vmem>>, vector<1x16xi32>,
            %get3A_278 = vector.shape_cast %get3A_277 : vector<1x16xi32> to vector<16xi32>
            %lt3A_279 = arith.cmpi slt, %get3A_278, %xor3A_193 : vector<16xi32>
            %jit3A_280 = arith.constant 1 : i32
            %jit3A_281 = arith.constant 0 : i32
            %broadcast_in_dim3A_282 = vector.broadcast %jit3A_280 : i32 to vector<16xi32>
            %broadcast_in_dim3A_283 = vector.broadcast %jit3A_281 : i32 to vector<16xi32>
            %select_n3A_284 = arith.select %lt3A_279, %broadcast_in_dim3A_282, %broadcast_in_dim3A_283 : vector<16xi1>, vector<16xi32>
            %add3A_285 = arith.addi %add3A_270, %select_n3A_284 : vector<16xi32>
            %mul3A_286 = arith.constant 256 : i32
            %mul3A_287 = arith.muli %scan3A_226, %mul3A_286 : i32
            %add3A_288 = arith.constant 64 : i32
            %add3A_289 = arith.addi %mul3A_287, %add3A_288 : i32
            %get3A_290 = arith.index_cast %scan3A_122 : i32 to index
            %get3A_291 = arith.index_cast %add3A_289 : i32 to index
            %get3A_292 = tpu.vector_load %arg6[%get3A_290, %get3A_291] {strides = array<i32>} : memref<8x4096xi32, #tpu.memory_space<vmem>>, vector<1x16xi32>,
            %get3A_293 = vector.shape_cast %get3A_292 : vector<1x16xi32> to vector<16xi32>
            %lt3A_294 = arith.cmpi slt, %get3A_293, %xor3A_193 : vector<16xi32>
            %jit3A_295 = arith.constant 1 : i32
            %jit3A_296 = arith.constant 0 : i32
            %broadcast_in_dim3A_297 = vector.broadcast %jit3A_295 : i32 to vector<16xi32>
            %broadcast_in_dim3A_298 = vector.broadcast %jit3A_296 : i32 to vector<16xi32>
            %select_n3A_299 = arith.select %lt3A_294, %broadcast_in_dim3A_297, %broadcast_in_dim3A_298 : vector<16xi1>, vector<16xi32>
            %add3A_300 = arith.addi %add3A_285, %select_n3A_299 : vector<16xi32>
            %mul3A_301 = arith.constant 256 : i32
            %mul3A_302 = arith.muli %scan3A_226, %mul3A_301 : i32
            %add3A_303 = arith.constant 80 : i32
            %add3A_304 = arith.addi %mul3A_302, %add3A_303 : i32
            %get3A_305 = arith.index_cast %scan3A_122 : i32 to index
            %get3A_306 = arith.index_cast %add3A_304 : i32 to index
            %get3A_307 = tpu.vector_load %arg6[%get3A_305, %get3A_306] {strides = array<i32>} : memref<8x4096xi32, #tpu.memory_space<vmem>>, vector<1x16xi32>,
            %get3A_308 = vector.shape_cast %get3A_307 : vector<1x16xi32> to vector<16xi32>
            %lt3A_309 = arith.cmpi slt, %get3A_308, %xor3A_193 : vector<16xi32>
            %jit3A_310 = arith.constant 1 : i32
            %jit3A_311 = arith.constant 0 : i32
            %broadcast_in_dim3A_312 = vector.broadcast %jit3A_310 : i32 to vector<16xi32>
            %broadcast_in_dim3A_313 = vector.broadcast %jit3A_311 : i32 to vector<16xi32>
            %select_n3A_314 = arith.select %lt3A_309, %broadcast_in_dim3A_312, %broadcast_in_dim3A_313 : vector<16xi1>, vector<16xi32>
            %add3A_315 = arith.addi %add3A_300, %select_n3A_314 : vector<16xi32>
            %mul3A_316 = arith.constant 256 : i32
            %mul3A_317 = arith.muli %scan3A_226, %mul3A_316 : i32
            %add3A_318 = arith.constant 96 : i32
            %add3A_319 = arith.addi %mul3A_317, %add3A_318 : i32
            %get3A_320 = arith.index_cast %scan3A_122 : i32 to index
            %get3A_321 = arith.index_cast %add3A_319 : i32 to index
            %get3A_322 = tpu.vector_load %arg6[%get3A_320, %get3A_321] {strides = array<i32>} : memref<8x4096xi32, #tpu.memory_space<vmem>>, vector<1x16xi32>,
            %get3A_323 = vector.shape_cast %get3A_322 : vector<1x16xi32> to vector<16xi32>
            %lt3A_324 = arith.cmpi slt, %get3A_323, %xor3A_193 : vector<16xi32>
            %jit3A_325 = arith.constant 1 : i32
            %jit3A_326 = arith.constant 0 : i32
            %broadcast_in_dim3A_327 = vector.broadcast %jit3A_325 : i32 to vector<16xi32>
            %broadcast_in_dim3A_328 = vector.broadcast %jit3A_326 : i32 to vector<16xi32>
            %select_n3A_329 = arith.select %lt3A_324, %broadcast_in_dim3A_327, %broadcast_in_dim3A_328 : vector<16xi1>, vector<16xi32>
            %add3A_330 = arith.addi %add3A_315, %select_n3A_329 : vector<16xi32>
            %mul3A_331 = arith.constant 256 : i32
            %mul3A_332 = arith.muli %scan3A_226, %mul3A_331 : i32
            %add3A_333 = arith.constant 112 : i32
            %add3A_334 = arith.addi %mul3A_332, %add3A_333 : i32
            %get3A_335 = arith.index_cast %scan3A_122 : i32 to index
            %get3A_336 = arith.index_cast %add3A_334 : i32 to index
            %get3A_337 = tpu.vector_load %arg6[%get3A_335, %get3A_336] {strides = array<i32>} : memref<8x4096xi32, #tpu.memory_space<vmem>>, vector<1x16xi32>,
            %get3A_338 = vector.shape_cast %get3A_337 : vector<1x16xi32> to vector<16xi32>
            %lt3A_339 = arith.cmpi slt, %get3A_338, %xor3A_193 : vector<16xi32>
            %jit3A_340 = arith.constant 1 : i32
            %jit3A_341 = arith.constant 0 : i32
            %broadcast_in_dim3A_342 = vector.broadcast %jit3A_340 : i32 to vector<16xi32>
            %broadcast_in_dim3A_343 = vector.broadcast %jit3A_341 : i32 to vector<16xi32>
            %select_n3A_344 = arith.select %lt3A_339, %broadcast_in_dim3A_342, %broadcast_in_dim3A_343 : vector<16xi1>, vector<16xi32>
            %add3A_345 = arith.addi %add3A_330, %select_n3A_344 : vector<16xi32>
            %mul3A_346 = arith.constant 256 : i32
            %mul3A_347 = arith.muli %scan3A_226, %mul3A_346 : i32
            %add3A_348 = arith.constant 128 : i32
            %add3A_349 = arith.addi %mul3A_347, %add3A_348 : i32
            %get3A_350 = arith.index_cast %scan3A_122 : i32 to index
            %get3A_351 = arith.index_cast %add3A_349 : i32 to index
            %get3A_352 = tpu.vector_load %arg6[%get3A_350, %get3A_351] {strides = array<i32>} : memref<8x4096xi32, #tpu.memory_space<vmem>>, vector<1x16xi32>,
            %get3A_353 = vector.shape_cast %get3A_352 : vector<1x16xi32> to vector<16xi32>
            %lt3A_354 = arith.cmpi slt, %get3A_353, %xor3A_193 : vector<16xi32>
            %jit3A_355 = arith.constant 1 : i32
            %jit3A_356 = arith.constant 0 : i32
            %broadcast_in_dim3A_357 = vector.broadcast %jit3A_355 : i32 to vector<16xi32>
            %broadcast_in_dim3A_358 = vector.broadcast %jit3A_356 : i32 to vector<16xi32>
            %select_n3A_359 = arith.select %lt3A_354, %broadcast_in_dim3A_357, %broadcast_in_dim3A_358 : vector<16xi1>, vector<16xi32>
            %add3A_360 = arith.addi %add3A_345, %select_n3A_359 : vector<16xi32>
            %mul3A_361 = arith.constant 256 : i32
            %mul3A_362 = arith.muli %scan3A_226, %mul3A_361 : i32
            %add3A_363 = arith.constant 144 : i32
            %add3A_364 = arith.addi %mul3A_362, %add3A_363 : i32
            %get3A_365 = arith.index_cast %scan3A_122 : i32 to index
            %get3A_366 = arith.index_cast %add3A_364 : i32 to index
            %get3A_367 = tpu.vector_load %arg6[%get3A_365, %get3A_366] {strides = array<i32>} : memref<8x4096xi32, #tpu.memory_space<vmem>>, vector<1x16xi32>,
            %get3A_368 = vector.shape_cast %get3A_367 : vector<1x16xi32> to vector<16xi32>
            %lt3A_369 = arith.cmpi slt, %get3A_368, %xor3A_193 : vector<16xi32>
            %jit3A_370 = arith.constant 1 : i32
            %jit3A_371 = arith.constant 0 : i32
            %broadcast_in_dim3A_372 = vector.broadcast %jit3A_370 : i32 to vector<16xi32>
            %broadcast_in_dim3A_373 = vector.broadcast %jit3A_371 : i32 to vector<16xi32>
            %select_n3A_374 = arith.select %lt3A_369, %broadcast_in_dim3A_372, %broadcast_in_dim3A_373 : vector<16xi1>, vector<16xi32>
            %add3A_375 = arith.addi %add3A_360, %select_n3A_374 : vector<16xi32>
            %mul3A_376 = arith.constant 256 : i32
            %mul3A_377 = arith.muli %scan3A_226, %mul3A_376 : i32
            %add3A_378 = arith.constant 160 : i32
            %add3A_379 = arith.addi %mul3A_377, %add3A_378 : i32
            %get3A_380 = arith.index_cast %scan3A_122 : i32 to index
            %get3A_381 = arith.index_cast %add3A_379 : i32 to index
            %get3A_382 = tpu.vector_load %arg6[%get3A_380, %get3A_381] {strides = array<i32>} : memref<8x4096xi32, #tpu.memory_space<vmem>>, vector<1x16xi32>,
            %get3A_383 = vector.shape_cast %get3A_382 : vector<1x16xi32> to vector<16xi32>
            %lt3A_384 = arith.cmpi slt, %get3A_383, %xor3A_193 : vector<16xi32>
            %jit3A_385 = arith.constant 1 : i32
            %jit3A_386 = arith.constant 0 : i32
            %broadcast_in_dim3A_387 = vector.broadcast %jit3A_385 : i32 to vector<16xi32>
            %broadcast_in_dim3A_388 = vector.broadcast %jit3A_386 : i32 to vector<16xi32>
            %select_n3A_389 = arith.select %lt3A_384, %broadcast_in_dim3A_387, %broadcast_in_dim3A_388 : vector<16xi1>, vector<16xi32>
            %add3A_390 = arith.addi %add3A_375, %select_n3A_389 : vector<16xi32>
            %mul3A_391 = arith.constant 256 : i32
            %mul3A_392 = arith.muli %scan3A_226, %mul3A_391 : i32
            %add3A_393 = arith.constant 176 : i32
            %add3A_394 = arith.addi %mul3A_392, %add3A_393 : i32
            %get3A_395 = arith.index_cast %scan3A_122 : i32 to index
            %get3A_396 = arith.index_cast %add3A_394 : i32 to index
            %get3A_397 = tpu.vector_load %arg6[%get3A_395, %get3A_396] {strides = array<i32>} : memref<8x4096xi32, #tpu.memory_space<vmem>>, vector<1x16xi32>,
            %get3A_398 = vector.shape_cast %get3A_397 : vector<1x16xi32> to vector<16xi32>
            %lt3A_399 = arith.cmpi slt, %get3A_398, %xor3A_193 : vector<16xi32>
            %jit3A_400 = arith.constant 1 : i32
            %jit3A_401 = arith.constant 0 : i32
            %broadcast_in_dim3A_402 = vector.broadcast %jit3A_400 : i32 to vector<16xi32>
            %broadcast_in_dim3A_403 = vector.broadcast %jit3A_401 : i32 to vector<16xi32>
            %select_n3A_404 = arith.select %lt3A_399, %broadcast_in_dim3A_402, %broadcast_in_dim3A_403 : vector<16xi1>, vector<16xi32>
            %add3A_405 = arith.addi %add3A_390, %select_n3A_404 : vector<16xi32>
            %mul3A_406 = arith.constant 256 : i32
            %mul3A_407 = arith.muli %scan3A_226, %mul3A_406 : i32
            %add3A_408 = arith.constant 192 : i32
            %add3A_409 = arith.addi %mul3A_407, %add3A_408 : i32
            %get3A_410 = arith.index_cast %scan3A_122 : i32 to index
            %get3A_411 = arith.index_cast %add3A_409 : i32 to index
            %get3A_412 = tpu.vector_load %arg6[%get3A_410, %get3A_411] {strides = array<i32>} : memref<8x4096xi32, #tpu.memory_space<vmem>>, vector<1x16xi32>,
            %get3A_413 = vector.shape_cast %get3A_412 : vector<1x16xi32> to vector<16xi32>
            %lt3A_414 = arith.cmpi slt, %get3A_413, %xor3A_193 : vector<16xi32>
            %jit3A_415 = arith.constant 1 : i32
            %jit3A_416 = arith.constant 0 : i32
            %broadcast_in_dim3A_417 = vector.broadcast %jit3A_415 : i32 to vector<16xi32>
            %broadcast_in_dim3A_418 = vector.broadcast %jit3A_416 : i32 to vector<16xi32>
            %select_n3A_419 = arith.select %lt3A_414, %broadcast_in_dim3A_417, %broadcast_in_dim3A_418 : vector<16xi1>, vector<16xi32>
            %add3A_420 = arith.addi %add3A_405, %select_n3A_419 : vector<16xi32>
            %mul3A_421 = arith.constant 256 : i32
            %mul3A_422 = arith.muli %scan3A_226, %mul3A_421 : i32
            %add3A_423 = arith.constant 208 : i32
            %add3A_424 = arith.addi %mul3A_422, %add3A_423 : i32
            %get3A_425 = arith.index_cast %scan3A_122 : i32 to index
            %get3A_426 = arith.index_cast %add3A_424 : i32 to index
            %get3A_427 = tpu.vector_load %arg6[%get3A_425, %get3A_426] {strides = array<i32>} : memref<8x4096xi32, #tpu.memory_space<vmem>>, vector<1x16xi32>,
            %get3A_428 = vector.shape_cast %get3A_427 : vector<1x16xi32> to vector<16xi32>
            %lt3A_429 = arith.cmpi slt, %get3A_428, %xor3A_193 : vector<16xi32>
            %jit3A_430 = arith.constant 1 : i32
            %jit3A_431 = arith.constant 0 : i32
            %broadcast_in_dim3A_432 = vector.broadcast %jit3A_430 : i32 to vector<16xi32>
            %broadcast_in_dim3A_433 = vector.broadcast %jit3A_431 : i32 to vector<16xi32>
            %select_n3A_434 = arith.select %lt3A_429, %broadcast_in_dim3A_432, %broadcast_in_dim3A_433 : vector<16xi1>, vector<16xi32>
            %add3A_435 = arith.addi %add3A_420, %select_n3A_434 : vector<16xi32>
            %mul3A_436 = arith.constant 256 : i32
            %mul3A_437 = arith.muli %scan3A_226, %mul3A_436 : i32
            %add3A_438 = arith.constant 224 : i32
            %add3A_439 = arith.addi %mul3A_437, %add3A_438 : i32
            %get3A_440 = arith.index_cast %scan3A_122 : i32 to index
            %get3A_441 = arith.index_cast %add3A_439 : i32 to index
            %get3A_442 = tpu.vector_load %arg6[%get3A_440, %get3A_441] {strides = array<i32>} : memref<8x4096xi32, #tpu.memory_space<vmem>>, vector<1x16xi32>,
            %get3A_443 = vector.shape_cast %get3A_442 : vector<1x16xi32> to vector<16xi32>
            %lt3A_444 = arith.cmpi slt, %get3A_443, %xor3A_193 : vector<16xi32>
            %jit3A_445 = arith.constant 1 : i32
            %jit3A_446 = arith.constant 0 : i32
            %broadcast_in_dim3A_447 = vector.broadcast %jit3A_445 : i32 to vector<16xi32>
            %broadcast_in_dim3A_448 = vector.broadcast %jit3A_446 : i32 to vector<16xi32>
            %select_n3A_449 = arith.select %lt3A_444, %broadcast_in_dim3A_447, %broadcast_in_dim3A_448 : vector<16xi1>, vector<16xi32>
            %add3A_450 = arith.addi %add3A_435, %select_n3A_449 : vector<16xi32>
            %mul3A_451 = arith.constant 256 : i32
            %mul3A_452 = arith.muli %scan3A_226, %mul3A_451 : i32
            %add3A_453 = arith.constant 240 : i32
            %add3A_454 = arith.addi %mul3A_452, %add3A_453 : i32
            %get3A_455 = arith.index_cast %scan3A_122 : i32 to index
            %get3A_456 = arith.index_cast %add3A_454 : i32 to index
            %get3A_457 = tpu.vector_load %arg6[%get3A_455, %get3A_456] {strides = array<i32>} : memref<8x4096xi32, #tpu.memory_space<vmem>>, vector<1x16xi32>,
            %get3A_458 = vector.shape_cast %get3A_457 : vector<1x16xi32> to vector<16xi32>
            %lt3A_459 = arith.cmpi slt, %get3A_458, %xor3A_193 : vector<16xi32>
            %jit3A_460 = arith.constant 1 : i32
            %jit3A_461 = arith.constant 0 : i32
            %broadcast_in_dim3A_462 = vector.broadcast %jit3A_460 : i32 to vector<16xi32>
            %broadcast_in_dim3A_463 = vector.broadcast %jit3A_461 : i32 to vector<16xi32>
            %select_n3A_464 = arith.select %lt3A_459, %broadcast_in_dim3A_462, %broadcast_in_dim3A_463 : vector<16xi1>, vector<16xi32>
            %add3A_465 = arith.addi %add3A_450, %select_n3A_464 : vector<16xi32>
            scf.yield %add3A_465 : vector<16xi32>
          }
          %scan3A_201 = arith.constant 16 : i32
          %xor3A_202 = arith.constant 2 : i32
          %xor3A_203 = vector.broadcast %xor3A_202 : i32 to vector<16xi32>
          %xor3A_204 = arith.xori %iota3A, %xor3A_203 : vector<16xi32>
          %reshape3A_205 = vector.shape_cast %xor3A_204 : vector<16xi32> to vector<16x1xi32>
          %gather3A_206 = vector.shape_cast %reshape3A_205 : vector<16x1xi32> to vector<16xi32>
          %gather3A_207 = tpu.dynamic_gather %scan3A_200[%gather3A_206] in [0] : vector<16xi32>, vector<16xi32> -> vector<16xi32>
          %add3A_208 = arith.addi %scan3A_200, %gather3A_207 : vector<16xi32>
          %xor3A_209 = arith.constant 4 : i32
          %xor3A_210 = vector.broadcast %xor3A_209 : i32 to vector<16xi32>
          %xor3A_211 = arith.xori %iota3A, %xor3A_210 : vector<16xi32>
          %reshape3A_212 = vector.shape_cast %xor3A_211 : vector<16xi32> to vector<16x1xi32>
          %gather3A_213 = vector.shape_cast %reshape3A_212 : vector<16x1xi32> to vector<16xi32>
          %gather3A_214 = tpu.dynamic_gather %add3A_208[%gather3A_213] in [0] : vector<16xi32>, vector<16xi32> -> vector<16xi32>
          %add3A_215 = arith.addi %add3A_208, %gather3A_214 : vector<16xi32>
          %xor3A_216 = arith.constant 8 : i32
          %xor3A_217 = vector.broadcast %xor3A_216 : i32 to vector<16xi32>
          %xor3A_218 = arith.xori %iota3A, %xor3A_217 : vector<16xi32>
          %reshape3A_219 = vector.shape_cast %xor3A_218 : vector<16xi32> to vector<16x1xi32>
          %gather3A_220 = vector.shape_cast %reshape3A_219 : vector<16x1xi32> to vector<16xi32>
          %gather3A_221 = tpu.dynamic_gather %add3A_215[%gather3A_220] in [0] : vector<16xi32>, vector<16xi32> -> vector<16xi32>
          %add3A_222 = arith.addi %add3A_215, %gather3A_221 : vector<16xi32>
          %le3A = arith.constant 1023 : i32
          %le3A_223 = vector.broadcast %le3A : i32 to vector<16xi32>
          %le3A_224 = arith.cmpi sle, %add3A_222, %le3A_223 : vector<16xi32>
          %select_n3A_225 = arith.select %le3A_224, %or3A_191, %scan3A_188 : vector<16xi1>, vector<16xi32>
          scf.yield %select_n3A_225 : vector<16xi32>
        }
        %scan3A_132 = arith.constant 32 : i32
        %xor3A = vector.broadcast %scan3A_18 : i32 to vector<16xi32>
        %xor3A_133 = arith.xori %scan3A_131, %xor3A : vector<16xi32>
        %broadcast_in_dim3A_134 = arith.constant 0 : i32
        %broadcast_in_dim3A_135 = vector.broadcast %broadcast_in_dim3A_134 : i32 to vector<16xi32>
        %broadcast_in_dim3A_136 = vector.broadcast %scan3A_19 : i32 to vector<16xi32>
        %scan3A_137 = arith.constant 0 : i32
        %scan3A_138 = arith.constant 16 : i32
        %scan3A_139 = arith.addi %scan3A_137, %scan3A_138 : i32
        %scan3A_140 = arith.constant 1 : i32
        %scan3A_141:2 = scf.for %scan3A_187 = %scan3A_137 to %scan3A_139 step %scan3A_140 iter_args(%scan3A_188 = %broadcast_in_dim3A_135, %scan3A_189 = %broadcast_in_dim3A_136) -> (vector<16xi32>, vector<16xi32>)  : i32 {
          %mul3A_190 = arith.constant 256 : i32
          %mul3A_191 = arith.muli %scan3A_187, %mul3A_190 : i32
          %add3A_192 = arith.constant 0 : i32
          %add3A_193 = arith.addi %mul3A_191, %add3A_192 : i32
          %get3A = arith.index_cast %scan3A_122 : i32 to index
          %get3A_194 = arith.index_cast %add3A_193 : i32 to index
          %get3A_195 = tpu.vector_load %arg6[%get3A, %get3A_194] {strides = array<i32>} : memref<8x4096xi32, #tpu.memory_space<vmem>>, vector<1x16xi32>,
          %get3A_196 = vector.shape_cast %get3A_195 : vector<1x16xi32> to vector<16xi32>
          %le3A = arith.cmpi sle, %get3A_196, %xor3A_133 : vector<16xi32>
          %jit3A = arith.constant 1 : i32
          %jit3A_197 = arith.constant 0 : i32
          %broadcast_in_dim3A_198 = vector.broadcast %jit3A : i32 to vector<16xi32>
          %broadcast_in_dim3A_199 = vector.broadcast %jit3A_197 : i32 to vector<16xi32>
          %select_n3A_200 = arith.select %le3A, %broadcast_in_dim3A_198, %broadcast_in_dim3A_199 : vector<16xi1>, vector<16xi32>
          %add3A_201 = arith.addi %scan3A_188, %select_n3A_200 : vector<16xi32>
          %broadcast_in_dim3A_202 = vector.broadcast %scan3A_19 : i32 to vector<16xi32>
          %select_n3A_203 = arith.select %le3A, %broadcast_in_dim3A_202, %get3A_196 : vector<16xi1>, vector<16xi32>
          %min3A_204 = arith.minsi %scan3A_189, %select_n3A_203 : vector<16xi32>
          %mul3A_205 = arith.constant 256 : i32
          %mul3A_206 = arith.muli %scan3A_187, %mul3A_205 : i32
          %add3A_207 = arith.constant 16 : i32
          %add3A_208 = arith.addi %mul3A_206, %add3A_207 : i32
          %get3A_209 = arith.index_cast %scan3A_122 : i32 to index
          %get3A_210 = arith.index_cast %add3A_208 : i32 to index
          %get3A_211 = tpu.vector_load %arg6[%get3A_209, %get3A_210] {strides = array<i32>} : memref<8x4096xi32, #tpu.memory_space<vmem>>, vector<1x16xi32>,
          %get3A_212 = vector.shape_cast %get3A_211 : vector<1x16xi32> to vector<16xi32>
          %le3A_213 = arith.cmpi sle, %get3A_212, %xor3A_133 : vector<16xi32>
          %jit3A_214 = arith.constant 1 : i32
          %jit3A_215 = arith.constant 0 : i32
          %broadcast_in_dim3A_216 = vector.broadcast %jit3A_214 : i32 to vector<16xi32>
          %broadcast_in_dim3A_217 = vector.broadcast %jit3A_215 : i32 to vector<16xi32>
          %select_n3A_218 = arith.select %le3A_213, %broadcast_in_dim3A_216, %broadcast_in_dim3A_217 : vector<16xi1>, vector<16xi32>
          %add3A_219 = arith.addi %add3A_201, %select_n3A_218 : vector<16xi32>
          %broadcast_in_dim3A_220 = vector.broadcast %scan3A_19 : i32 to vector<16xi32>
          %select_n3A_221 = arith.select %le3A_213, %broadcast_in_dim3A_220, %get3A_212 : vector<16xi1>, vector<16xi32>
          %min3A_222 = arith.minsi %min3A_204, %select_n3A_221 : vector<16xi32>
          %mul3A_223 = arith.constant 256 : i32
          %mul3A_224 = arith.muli %scan3A_187, %mul3A_223 : i32
          %add3A_225 = arith.constant 32 : i32
          %add3A_226 = arith.addi %mul3A_224, %add3A_225 : i32
          %get3A_227 = arith.index_cast %scan3A_122 : i32 to index
          %get3A_228 = arith.index_cast %add3A_226 : i32 to index
          %get3A_229 = tpu.vector_load %arg6[%get3A_227, %get3A_228] {strides = array<i32>} : memref<8x4096xi32, #tpu.memory_space<vmem>>, vector<1x16xi32>,
          %get3A_230 = vector.shape_cast %get3A_229 : vector<1x16xi32> to vector<16xi32>
          %le3A_231 = arith.cmpi sle, %get3A_230, %xor3A_133 : vector<16xi32>
          %jit3A_232 = arith.constant 1 : i32
          %jit3A_233 = arith.constant 0 : i32
          %broadcast_in_dim3A_234 = vector.broadcast %jit3A_232 : i32 to vector<16xi32>
          %broadcast_in_dim3A_235 = vector.broadcast %jit3A_233 : i32 to vector<16xi32>
          %select_n3A_236 = arith.select %le3A_231, %broadcast_in_dim3A_234, %broadcast_in_dim3A_235 : vector<16xi1>, vector<16xi32>
          %add3A_237 = arith.addi %add3A_219, %select_n3A_236 : vector<16xi32>
          %broadcast_in_dim3A_238 = vector.broadcast %scan3A_19 : i32 to vector<16xi32>
          %select_n3A_239 = arith.select %le3A_231, %broadcast_in_dim3A_238, %get3A_230 : vector<16xi1>, vector<16xi32>
          %min3A_240 = arith.minsi %min3A_222, %select_n3A_239 : vector<16xi32>
          %mul3A_241 = arith.constant 256 : i32
          %mul3A_242 = arith.muli %scan3A_187, %mul3A_241 : i32
          %add3A_243 = arith.constant 48 : i32
          %add3A_244 = arith.addi %mul3A_242, %add3A_243 : i32
          %get3A_245 = arith.index_cast %scan3A_122 : i32 to index
          %get3A_246 = arith.index_cast %add3A_244 : i32 to index
          %get3A_247 = tpu.vector_load %arg6[%get3A_245, %get3A_246] {strides = array<i32>} : memref<8x4096xi32, #tpu.memory_space<vmem>>, vector<1x16xi32>,
          %get3A_248 = vector.shape_cast %get3A_247 : vector<1x16xi32> to vector<16xi32>
          %le3A_249 = arith.cmpi sle, %get3A_248, %xor3A_133 : vector<16xi32>
          %jit3A_250 = arith.constant 1 : i32
          %jit3A_251 = arith.constant 0 : i32
          %broadcast_in_dim3A_252 = vector.broadcast %jit3A_250 : i32 to vector<16xi32>
          %broadcast_in_dim3A_253 = vector.broadcast %jit3A_251 : i32 to vector<16xi32>
          %select_n3A_254 = arith.select %le3A_249, %broadcast_in_dim3A_252, %broadcast_in_dim3A_253 : vector<16xi1>, vector<16xi32>
          %add3A_255 = arith.addi %add3A_237, %select_n3A_254 : vector<16xi32>
          %broadcast_in_dim3A_256 = vector.broadcast %scan3A_19 : i32 to vector<16xi32>
          %select_n3A_257 = arith.select %le3A_249, %broadcast_in_dim3A_256, %get3A_248 : vector<16xi1>, vector<16xi32>
          %min3A_258 = arith.minsi %min3A_240, %select_n3A_257 : vector<16xi32>
          %mul3A_259 = arith.constant 256 : i32
          %mul3A_260 = arith.muli %scan3A_187, %mul3A_259 : i32
          %add3A_261 = arith.constant 64 : i32
          %add3A_262 = arith.addi %mul3A_260, %add3A_261 : i32
          %get3A_263 = arith.index_cast %scan3A_122 : i32 to index
          %get3A_264 = arith.index_cast %add3A_262 : i32 to index
          %get3A_265 = tpu.vector_load %arg6[%get3A_263, %get3A_264] {strides = array<i32>} : memref<8x4096xi32, #tpu.memory_space<vmem>>, vector<1x16xi32>,
          %get3A_266 = vector.shape_cast %get3A_265 : vector<1x16xi32> to vector<16xi32>
          %le3A_267 = arith.cmpi sle, %get3A_266, %xor3A_133 : vector<16xi32>
          %jit3A_268 = arith.constant 1 : i32
          %jit3A_269 = arith.constant 0 : i32
          %broadcast_in_dim3A_270 = vector.broadcast %jit3A_268 : i32 to vector<16xi32>
          %broadcast_in_dim3A_271 = vector.broadcast %jit3A_269 : i32 to vector<16xi32>
          %select_n3A_272 = arith.select %le3A_267, %broadcast_in_dim3A_270, %broadcast_in_dim3A_271 : vector<16xi1>, vector<16xi32>
          %add3A_273 = arith.addi %add3A_255, %select_n3A_272 : vector<16xi32>
          %broadcast_in_dim3A_274 = vector.broadcast %scan3A_19 : i32 to vector<16xi32>
          %select_n3A_275 = arith.select %le3A_267, %broadcast_in_dim3A_274, %get3A_266 : vector<16xi1>, vector<16xi32>
          %min3A_276 = arith.minsi %min3A_258, %select_n3A_275 : vector<16xi32>
          %mul3A_277 = arith.constant 256 : i32
          %mul3A_278 = arith.muli %scan3A_187, %mul3A_277 : i32
          %add3A_279 = arith.constant 80 : i32
          %add3A_280 = arith.addi %mul3A_278, %add3A_279 : i32
          %get3A_281 = arith.index_cast %scan3A_122 : i32 to index
          %get3A_282 = arith.index_cast %add3A_280 : i32 to index
          %get3A_283 = tpu.vector_load %arg6[%get3A_281, %get3A_282] {strides = array<i32>} : memref<8x4096xi32, #tpu.memory_space<vmem>>, vector<1x16xi32>,
          %get3A_284 = vector.shape_cast %get3A_283 : vector<1x16xi32> to vector<16xi32>
          %le3A_285 = arith.cmpi sle, %get3A_284, %xor3A_133 : vector<16xi32>
          %jit3A_286 = arith.constant 1 : i32
          %jit3A_287 = arith.constant 0 : i32
          %broadcast_in_dim3A_288 = vector.broadcast %jit3A_286 : i32 to vector<16xi32>
          %broadcast_in_dim3A_289 = vector.broadcast %jit3A_287 : i32 to vector<16xi32>
          %select_n3A_290 = arith.select %le3A_285, %broadcast_in_dim3A_288, %broadcast_in_dim3A_289 : vector<16xi1>, vector<16xi32>
          %add3A_291 = arith.addi %add3A_273, %select_n3A_290 : vector<16xi32>
          %broadcast_in_dim3A_292 = vector.broadcast %scan3A_19 : i32 to vector<16xi32>
          %select_n3A_293 = arith.select %le3A_285, %broadcast_in_dim3A_292, %get3A_284 : vector<16xi1>, vector<16xi32>
          %min3A_294 = arith.minsi %min3A_276, %select_n3A_293 : vector<16xi32>
          %mul3A_295 = arith.constant 256 : i32
          %mul3A_296 = arith.muli %scan3A_187, %mul3A_295 : i32
          %add3A_297 = arith.constant 96 : i32
          %add3A_298 = arith.addi %mul3A_296, %add3A_297 : i32
          %get3A_299 = arith.index_cast %scan3A_122 : i32 to index
          %get3A_300 = arith.index_cast %add3A_298 : i32 to index
          %get3A_301 = tpu.vector_load %arg6[%get3A_299, %get3A_300] {strides = array<i32>} : memref<8x4096xi32, #tpu.memory_space<vmem>>, vector<1x16xi32>,
          %get3A_302 = vector.shape_cast %get3A_301 : vector<1x16xi32> to vector<16xi32>
          %le3A_303 = arith.cmpi sle, %get3A_302, %xor3A_133 : vector<16xi32>
          %jit3A_304 = arith.constant 1 : i32
          %jit3A_305 = arith.constant 0 : i32
          %broadcast_in_dim3A_306 = vector.broadcast %jit3A_304 : i32 to vector<16xi32>
          %broadcast_in_dim3A_307 = vector.broadcast %jit3A_305 : i32 to vector<16xi32>
          %select_n3A_308 = arith.select %le3A_303, %broadcast_in_dim3A_306, %broadcast_in_dim3A_307 : vector<16xi1>, vector<16xi32>
          %add3A_309 = arith.addi %add3A_291, %select_n3A_308 : vector<16xi32>
          %broadcast_in_dim3A_310 = vector.broadcast %scan3A_19 : i32 to vector<16xi32>
          %select_n3A_311 = arith.select %le3A_303, %broadcast_in_dim3A_310, %get3A_302 : vector<16xi1>, vector<16xi32>
          %min3A_312 = arith.minsi %min3A_294, %select_n3A_311 : vector<16xi32>
          %mul3A_313 = arith.constant 256 : i32
          %mul3A_314 = arith.muli %scan3A_187, %mul3A_313 : i32
          %add3A_315 = arith.constant 112 : i32
          %add3A_316 = arith.addi %mul3A_314, %add3A_315 : i32
          %get3A_317 = arith.index_cast %scan3A_122 : i32 to index
          %get3A_318 = arith.index_cast %add3A_316 : i32 to index
          %get3A_319 = tpu.vector_load %arg6[%get3A_317, %get3A_318] {strides = array<i32>} : memref<8x4096xi32, #tpu.memory_space<vmem>>, vector<1x16xi32>,
          %get3A_320 = vector.shape_cast %get3A_319 : vector<1x16xi32> to vector<16xi32>
          %le3A_321 = arith.cmpi sle, %get3A_320, %xor3A_133 : vector<16xi32>
          %jit3A_322 = arith.constant 1 : i32
          %jit3A_323 = arith.constant 0 : i32
          %broadcast_in_dim3A_324 = vector.broadcast %jit3A_322 : i32 to vector<16xi32>
          %broadcast_in_dim3A_325 = vector.broadcast %jit3A_323 : i32 to vector<16xi32>
          %select_n3A_326 = arith.select %le3A_321, %broadcast_in_dim3A_324, %broadcast_in_dim3A_325 : vector<16xi1>, vector<16xi32>
          %add3A_327 = arith.addi %add3A_309, %select_n3A_326 : vector<16xi32>
          %broadcast_in_dim3A_328 = vector.broadcast %scan3A_19 : i32 to vector<16xi32>
          %select_n3A_329 = arith.select %le3A_321, %broadcast_in_dim3A_328, %get3A_320 : vector<16xi1>, vector<16xi32>
          %min3A_330 = arith.minsi %min3A_312, %select_n3A_329 : vector<16xi32>
          %mul3A_331 = arith.constant 256 : i32
          %mul3A_332 = arith.muli %scan3A_187, %mul3A_331 : i32
          %add3A_333 = arith.constant 128 : i32
          %add3A_334 = arith.addi %mul3A_332, %add3A_333 : i32
          %get3A_335 = arith.index_cast %scan3A_122 : i32 to index
          %get3A_336 = arith.index_cast %add3A_334 : i32 to index
          %get3A_337 = tpu.vector_load %arg6[%get3A_335, %get3A_336] {strides = array<i32>} : memref<8x4096xi32, #tpu.memory_space<vmem>>, vector<1x16xi32>,
          %get3A_338 = vector.shape_cast %get3A_337 : vector<1x16xi32> to vector<16xi32>
          %le3A_339 = arith.cmpi sle, %get3A_338, %xor3A_133 : vector<16xi32>
          %jit3A_340 = arith.constant 1 : i32
          %jit3A_341 = arith.constant 0 : i32
          %broadcast_in_dim3A_342 = vector.broadcast %jit3A_340 : i32 to vector<16xi32>
          %broadcast_in_dim3A_343 = vector.broadcast %jit3A_341 : i32 to vector<16xi32>
          %select_n3A_344 = arith.select %le3A_339, %broadcast_in_dim3A_342, %broadcast_in_dim3A_343 : vector<16xi1>, vector<16xi32>
          %add3A_345 = arith.addi %add3A_327, %select_n3A_344 : vector<16xi32>
          %broadcast_in_dim3A_346 = vector.broadcast %scan3A_19 : i32 to vector<16xi32>
          %select_n3A_347 = arith.select %le3A_339, %broadcast_in_dim3A_346, %get3A_338 : vector<16xi1>, vector<16xi32>
          %min3A_348 = arith.minsi %min3A_330, %select_n3A_347 : vector<16xi32>
          %mul3A_349 = arith.constant 256 : i32
          %mul3A_350 = arith.muli %scan3A_187, %mul3A_349 : i32
          %add3A_351 = arith.constant 144 : i32
          %add3A_352 = arith.addi %mul3A_350, %add3A_351 : i32
          %get3A_353 = arith.index_cast %scan3A_122 : i32 to index
          %get3A_354 = arith.index_cast %add3A_352 : i32 to index
          %get3A_355 = tpu.vector_load %arg6[%get3A_353, %get3A_354] {strides = array<i32>} : memref<8x4096xi32, #tpu.memory_space<vmem>>, vector<1x16xi32>,
          %get3A_356 = vector.shape_cast %get3A_355 : vector<1x16xi32> to vector<16xi32>
          %le3A_357 = arith.cmpi sle, %get3A_356, %xor3A_133 : vector<16xi32>
          %jit3A_358 = arith.constant 1 : i32
          %jit3A_359 = arith.constant 0 : i32
          %broadcast_in_dim3A_360 = vector.broadcast %jit3A_358 : i32 to vector<16xi32>
          %broadcast_in_dim3A_361 = vector.broadcast %jit3A_359 : i32 to vector<16xi32>
          %select_n3A_362 = arith.select %le3A_357, %broadcast_in_dim3A_360, %broadcast_in_dim3A_361 : vector<16xi1>, vector<16xi32>
          %add3A_363 = arith.addi %add3A_345, %select_n3A_362 : vector<16xi32>
          %broadcast_in_dim3A_364 = vector.broadcast %scan3A_19 : i32 to vector<16xi32>
          %select_n3A_365 = arith.select %le3A_357, %broadcast_in_dim3A_364, %get3A_356 : vector<16xi1>, vector<16xi32>
          %min3A_366 = arith.minsi %min3A_348, %select_n3A_365 : vector<16xi32>
          %mul3A_367 = arith.constant 256 : i32
          %mul3A_368 = arith.muli %scan3A_187, %mul3A_367 : i32
          %add3A_369 = arith.constant 160 : i32
          %add3A_370 = arith.addi %mul3A_368, %add3A_369 : i32
          %get3A_371 = arith.index_cast %scan3A_122 : i32 to index
          %get3A_372 = arith.index_cast %add3A_370 : i32 to index
          %get3A_373 = tpu.vector_load %arg6[%get3A_371, %get3A_372] {strides = array<i32>} : memref<8x4096xi32, #tpu.memory_space<vmem>>, vector<1x16xi32>,
          %get3A_374 = vector.shape_cast %get3A_373 : vector<1x16xi32> to vector<16xi32>
          %le3A_375 = arith.cmpi sle, %get3A_374, %xor3A_133 : vector<16xi32>
          %jit3A_376 = arith.constant 1 : i32
          %jit3A_377 = arith.constant 0 : i32
          %broadcast_in_dim3A_378 = vector.broadcast %jit3A_376 : i32 to vector<16xi32>
          %broadcast_in_dim3A_379 = vector.broadcast %jit3A_377 : i32 to vector<16xi32>
          %select_n3A_380 = arith.select %le3A_375, %broadcast_in_dim3A_378, %broadcast_in_dim3A_379 : vector<16xi1>, vector<16xi32>
          %add3A_381 = arith.addi %add3A_363, %select_n3A_380 : vector<16xi32>
          %broadcast_in_dim3A_382 = vector.broadcast %scan3A_19 : i32 to vector<16xi32>
          %select_n3A_383 = arith.select %le3A_375, %broadcast_in_dim3A_382, %get3A_374 : vector<16xi1>, vector<16xi32>
          %min3A_384 = arith.minsi %min3A_366, %select_n3A_383 : vector<16xi32>
          %mul3A_385 = arith.constant 256 : i32
          %mul3A_386 = arith.muli %scan3A_187, %mul3A_385 : i32
          %add3A_387 = arith.constant 176 : i32
          %add3A_388 = arith.addi %mul3A_386, %add3A_387 : i32
          %get3A_389 = arith.index_cast %scan3A_122 : i32 to index
          %get3A_390 = arith.index_cast %add3A_388 : i32 to index
          %get3A_391 = tpu.vector_load %arg6[%get3A_389, %get3A_390] {strides = array<i32>} : memref<8x4096xi32, #tpu.memory_space<vmem>>, vector<1x16xi32>,
          %get3A_392 = vector.shape_cast %get3A_391 : vector<1x16xi32> to vector<16xi32>
          %le3A_393 = arith.cmpi sle, %get3A_392, %xor3A_133 : vector<16xi32>
          %jit3A_394 = arith.constant 1 : i32
          %jit3A_395 = arith.constant 0 : i32
          %broadcast_in_dim3A_396 = vector.broadcast %jit3A_394 : i32 to vector<16xi32>
          %broadcast_in_dim3A_397 = vector.broadcast %jit3A_395 : i32 to vector<16xi32>
          %select_n3A_398 = arith.select %le3A_393, %broadcast_in_dim3A_396, %broadcast_in_dim3A_397 : vector<16xi1>, vector<16xi32>
          %add3A_399 = arith.addi %add3A_381, %select_n3A_398 : vector<16xi32>
          %broadcast_in_dim3A_400 = vector.broadcast %scan3A_19 : i32 to vector<16xi32>
          %select_n3A_401 = arith.select %le3A_393, %broadcast_in_dim3A_400, %get3A_392 : vector<16xi1>, vector<16xi32>
          %min3A_402 = arith.minsi %min3A_384, %select_n3A_401 : vector<16xi32>
          %mul3A_403 = arith.constant 256 : i32
          %mul3A_404 = arith.muli %scan3A_187, %mul3A_403 : i32
          %add3A_405 = arith.constant 192 : i32
          %add3A_406 = arith.addi %mul3A_404, %add3A_405 : i32
          %get3A_407 = arith.index_cast %scan3A_122 : i32 to index
          %get3A_408 = arith.index_cast %add3A_406 : i32 to index
          %get3A_409 = tpu.vector_load %arg6[%get3A_407, %get3A_408] {strides = array<i32>} : memref<8x4096xi32, #tpu.memory_space<vmem>>, vector<1x16xi32>,
          %get3A_410 = vector.shape_cast %get3A_409 : vector<1x16xi32> to vector<16xi32>
          %le3A_411 = arith.cmpi sle, %get3A_410, %xor3A_133 : vector<16xi32>
          %jit3A_412 = arith.constant 1 : i32
          %jit3A_413 = arith.constant 0 : i32
          %broadcast_in_dim3A_414 = vector.broadcast %jit3A_412 : i32 to vector<16xi32>
          %broadcast_in_dim3A_415 = vector.broadcast %jit3A_413 : i32 to vector<16xi32>
          %select_n3A_416 = arith.select %le3A_411, %broadcast_in_dim3A_414, %broadcast_in_dim3A_415 : vector<16xi1>, vector<16xi32>
          %add3A_417 = arith.addi %add3A_399, %select_n3A_416 : vector<16xi32>
          %broadcast_in_dim3A_418 = vector.broadcast %scan3A_19 : i32 to vector<16xi32>
          %select_n3A_419 = arith.select %le3A_411, %broadcast_in_dim3A_418, %get3A_410 : vector<16xi1>, vector<16xi32>
          %min3A_420 = arith.minsi %min3A_402, %select_n3A_419 : vector<16xi32>
          %mul3A_421 = arith.constant 256 : i32
          %mul3A_422 = arith.muli %scan3A_187, %mul3A_421 : i32
          %add3A_423 = arith.constant 208 : i32
          %add3A_424 = arith.addi %mul3A_422, %add3A_423 : i32
          %get3A_425 = arith.index_cast %scan3A_122 : i32 to index
          %get3A_426 = arith.index_cast %add3A_424 : i32 to index
          %get3A_427 = tpu.vector_load %arg6[%get3A_425, %get3A_426] {strides = array<i32>} : memref<8x4096xi32, #tpu.memory_space<vmem>>, vector<1x16xi32>,
          %get3A_428 = vector.shape_cast %get3A_427 : vector<1x16xi32> to vector<16xi32>
          %le3A_429 = arith.cmpi sle, %get3A_428, %xor3A_133 : vector<16xi32>
          %jit3A_430 = arith.constant 1 : i32
          %jit3A_431 = arith.constant 0 : i32
          %broadcast_in_dim3A_432 = vector.broadcast %jit3A_430 : i32 to vector<16xi32>
          %broadcast_in_dim3A_433 = vector.broadcast %jit3A_431 : i32 to vector<16xi32>
          %select_n3A_434 = arith.select %le3A_429, %broadcast_in_dim3A_432, %broadcast_in_dim3A_433 : vector<16xi1>, vector<16xi32>
          %add3A_435 = arith.addi %add3A_417, %select_n3A_434 : vector<16xi32>
          %broadcast_in_dim3A_436 = vector.broadcast %scan3A_19 : i32 to vector<16xi32>
          %select_n3A_437 = arith.select %le3A_429, %broadcast_in_dim3A_436, %get3A_428 : vector<16xi1>, vector<16xi32>
          %min3A_438 = arith.minsi %min3A_420, %select_n3A_437 : vector<16xi32>
          %mul3A_439 = arith.constant 256 : i32
          %mul3A_440 = arith.muli %scan3A_187, %mul3A_439 : i32
          %add3A_441 = arith.constant 224 : i32
          %add3A_442 = arith.addi %mul3A_440, %add3A_441 : i32
          %get3A_443 = arith.index_cast %scan3A_122 : i32 to index
          %get3A_444 = arith.index_cast %add3A_442 : i32 to index
          %get3A_445 = tpu.vector_load %arg6[%get3A_443, %get3A_444] {strides = array<i32>} : memref<8x4096xi32, #tpu.memory_space<vmem>>, vector<1x16xi32>,
          %get3A_446 = vector.shape_cast %get3A_445 : vector<1x16xi32> to vector<16xi32>
          %le3A_447 = arith.cmpi sle, %get3A_446, %xor3A_133 : vector<16xi32>
          %jit3A_448 = arith.constant 1 : i32
          %jit3A_449 = arith.constant 0 : i32
          %broadcast_in_dim3A_450 = vector.broadcast %jit3A_448 : i32 to vector<16xi32>
          %broadcast_in_dim3A_451 = vector.broadcast %jit3A_449 : i32 to vector<16xi32>
          %select_n3A_452 = arith.select %le3A_447, %broadcast_in_dim3A_450, %broadcast_in_dim3A_451 : vector<16xi1>, vector<16xi32>
          %add3A_453 = arith.addi %add3A_435, %select_n3A_452 : vector<16xi32>
          %broadcast_in_dim3A_454 = vector.broadcast %scan3A_19 : i32 to vector<16xi32>
          %select_n3A_455 = arith.select %le3A_447, %broadcast_in_dim3A_454, %get3A_446 : vector<16xi1>, vector<16xi32>
          %min3A_456 = arith.minsi %min3A_438, %select_n3A_455 : vector<16xi32>
          %mul3A_457 = arith.constant 256 : i32
          %mul3A_458 = arith.muli %scan3A_187, %mul3A_457 : i32
          %add3A_459 = arith.constant 240 : i32
          %add3A_460 = arith.addi %mul3A_458, %add3A_459 : i32
          %get3A_461 = arith.index_cast %scan3A_122 : i32 to index
          %get3A_462 = arith.index_cast %add3A_460 : i32 to index
          %get3A_463 = tpu.vector_load %arg6[%get3A_461, %get3A_462] {strides = array<i32>} : memref<8x4096xi32, #tpu.memory_space<vmem>>, vector<1x16xi32>,
          %get3A_464 = vector.shape_cast %get3A_463 : vector<1x16xi32> to vector<16xi32>
          %le3A_465 = arith.cmpi sle, %get3A_464, %xor3A_133 : vector<16xi32>
          %jit3A_466 = arith.constant 1 : i32
          %jit3A_467 = arith.constant 0 : i32
          %broadcast_in_dim3A_468 = vector.broadcast %jit3A_466 : i32 to vector<16xi32>
          %broadcast_in_dim3A_469 = vector.broadcast %jit3A_467 : i32 to vector<16xi32>
          %select_n3A_470 = arith.select %le3A_465, %broadcast_in_dim3A_468, %broadcast_in_dim3A_469 : vector<16xi1>, vector<16xi32>
          %add3A_471 = arith.addi %add3A_453, %select_n3A_470 : vector<16xi32>
          %broadcast_in_dim3A_472 = vector.broadcast %scan3A_19 : i32 to vector<16xi32>
          %select_n3A_473 = arith.select %le3A_465, %broadcast_in_dim3A_472, %get3A_464 : vector<16xi1>, vector<16xi32>
          %min3A_474 = arith.minsi %min3A_456, %select_n3A_473 : vector<16xi32>
          scf.yield %add3A_471, %min3A_474 : vector<16xi32>, vector<16xi32>
        }
        %scan3A_142 = arith.constant 16 : i32
        %xor3A_143 = arith.constant 2 : i32
        %xor3A_144 = vector.broadcast %xor3A_143 : i32 to vector<16xi32>
        %xor3A_145 = arith.xori %iota3A, %xor3A_144 : vector<16xi32>
        %reshape3A = vector.shape_cast %xor3A_145 : vector<16xi32> to vector<16x1xi32>
        %gather3A = vector.shape_cast %reshape3A : vector<16x1xi32> to vector<16xi32>
        %gather3A_146 = tpu.dynamic_gather %scan3A_141#0[%gather3A] in [0] : vector<16xi32>, vector<16xi32> -> vector<16xi32>
        %add3A_147 = arith.addi %scan3A_141#0, %gather3A_146 : vector<16xi32>
        %xor3A_148 = arith.constant 4 : i32
        %xor3A_149 = vector.broadcast %xor3A_148 : i32 to vector<16xi32>
        %xor3A_150 = arith.xori %iota3A, %xor3A_149 : vector<16xi32>
        %reshape3A_151 = vector.shape_cast %xor3A_150 : vector<16xi32> to vector<16x1xi32>
        %gather3A_152 = vector.shape_cast %reshape3A_151 : vector<16x1xi32> to vector<16xi32>
        %gather3A_153 = tpu.dynamic_gather %add3A_147[%gather3A_152] in [0] : vector<16xi32>, vector<16xi32> -> vector<16xi32>
        %add3A_154 = arith.addi %add3A_147, %gather3A_153 : vector<16xi32>
        %xor3A_155 = arith.constant 8 : i32
        %xor3A_156 = vector.broadcast %xor3A_155 : i32 to vector<16xi32>
        %xor3A_157 = arith.xori %iota3A, %xor3A_156 : vector<16xi32>
        %reshape3A_158 = vector.shape_cast %xor3A_157 : vector<16xi32> to vector<16x1xi32>
        %gather3A_159 = vector.shape_cast %reshape3A_158 : vector<16x1xi32> to vector<16xi32>
        %gather3A_160 = tpu.dynamic_gather %add3A_154[%gather3A_159] in [0] : vector<16xi32>, vector<16xi32> -> vector<16xi32>
        %add3A_161 = arith.addi %add3A_154, %gather3A_160 : vector<16xi32>
        %xor3A_162 = arith.constant 2 : i32
        %xor3A_163 = vector.broadcast %xor3A_162 : i32 to vector<16xi32>
        %xor3A_164 = arith.xori %iota3A, %xor3A_163 : vector<16xi32>
        %reshape3A_165 = vector.shape_cast %xor3A_164 : vector<16xi32> to vector<16x1xi32>
        %gather3A_166 = vector.shape_cast %reshape3A_165 : vector<16x1xi32> to vector<16xi32>
        %gather3A_167 = tpu.dynamic_gather %scan3A_141#1[%gather3A_166] in [0] : vector<16xi32>, vector<16xi32> -> vector<16xi32>
        %min3A = arith.minsi %scan3A_141#1, %gather3A_167 : vector<16xi32>
        %xor3A_168 = arith.constant 4 : i32
        %xor3A_169 = vector.broadcast %xor3A_168 : i32 to vector<16xi32>
        %xor3A_170 = arith.xori %iota3A, %xor3A_169 : vector<16xi32>
        %reshape3A_171 = vector.shape_cast %xor3A_170 : vector<16xi32> to vector<16x1xi32>
        %gather3A_172 = vector.shape_cast %reshape3A_171 : vector<16x1xi32> to vector<16xi32>
        %gather3A_173 = tpu.dynamic_gather %min3A[%gather3A_172] in [0] : vector<16xi32>, vector<16xi32> -> vector<16xi32>
        %min3A_174 = arith.minsi %min3A, %gather3A_173 : vector<16xi32>
        %xor3A_175 = arith.constant 8 : i32
        %xor3A_176 = vector.broadcast %xor3A_175 : i32 to vector<16xi32>
        %xor3A_177 = arith.xori %iota3A, %xor3A_176 : vector<16xi32>
        %reshape3A_178 = vector.shape_cast %xor3A_177 : vector<16xi32> to vector<16x1xi32>
        %gather3A_179 = vector.shape_cast %reshape3A_178 : vector<16x1xi32> to vector<16xi32>
        %gather3A_180 = tpu.dynamic_gather %min3A_174[%gather3A_179] in [0] : vector<16xi32>, vector<16xi32> -> vector<16xi32>
        %min3A_181 = arith.minsi %min3A_174, %gather3A_180 : vector<16xi32>
        %ge3A = arith.constant 1025 : i32
        %ge3A_182 = vector.broadcast %ge3A : i32 to vector<16xi32>
        %ge3A_183 = arith.cmpi sge, %add3A_161, %ge3A_182 : vector<16xi32>
        %select_n3A = arith.select %ge3A_183, %xor3A_133, %min3A_181 : vector<16xi1>, vector<16xi32>
        %eq3A = vector.broadcast %scan3A_122 : i32 to vector<16xi32>
        %eq3A_184 = arith.cmpi eq, %shift_right_logical3A_6, %eq3A : vector<16xi32>
        %select_n3A_185 = arith.select %eq3A_184, %xor3A_133, %scan3A_123 : vector<16xi1>, vector<16xi32>
        %select_n3A_186 = arith.select %eq3A_184, %select_n3A, %scan3A_124 : vector<16xi1>, vector<16xi32>
        scf.yield %select_n3A_185, %select_n3A_186 : vector<16xi32>, vector<16xi32>
      }
      %scan3A_106 = arith.constant 8 : i32
      %mul3A_107 = arith.constant 32 : i32
      %mul3A_108 = arith.muli %add3A_75, %mul3A_107 : i32
      %swap3A_109 = arith.index_cast %mul3A_108 : i32 to index
      %swap3A_110 = tpu.vector_load %arg7[%swap3A_109] {strides = array<i32>} : memref<192xi32, #tpu.memory_space<vmem>>, vector<16xi32>,
      %swap3A_111 = vector.shape_cast %swap3A_110 : vector<16xi32> to vector<16xi32>
      %swap3A_112 = vector.shape_cast %scan3A_105#0 : vector<16xi32> to vector<16xi32>
      tpu.vector_store %arg7[%swap3A_109], %swap3A_112 {strides = array<i32>} : memref<192xi32, #tpu.memory_space<vmem>>, vector<16xi32>,
      %mul3A_113 = arith.constant 32 : i32
      %mul3A_114 = arith.muli %add3A_75, %mul3A_113 : i32
      %add3A_115 = arith.constant 16 : i32
      %add3A_116 = arith.addi %mul3A_114, %add3A_115 : i32
      %swap3A_117 = arith.index_cast %add3A_116 : i32 to index
      %swap3A_118 = tpu.vector_load %arg7[%swap3A_117] {strides = array<i32>} : memref<192xi32, #tpu.memory_space<vmem>>, vector<16xi32>,
      %swap3A_119 = vector.shape_cast %swap3A_118 : vector<16xi32> to vector<16xi32>
      %swap3A_120 = vector.shape_cast %scan3A_105#1 : vector<16xi32> to vector<16xi32>
      tpu.vector_store %arg7[%swap3A_117], %swap3A_120 {strides = array<i32>} : memref<192xi32, #tpu.memory_space<vmem>>, vector<16xi32>,
      %scan3A_121 = arith.constant 0 : i32
      scf.yield %scan3A_121 : i32
    }
    %scan3A_26 = arith.constant 3 : i32
    "tpu.region"() ({
      %run_scoped3A = tpu.sem_alloc : memref<!tpu.dma_semaphore, #tpu.memory_space<semaphore_mem>>
      %dma_start3A_27 = arith.constant 0 : i32
      %dma_start3A_28 = tpu.memref_slice %arg3[%add3A, %dma_start3A_27] : memref<32x192xi32, #tpu.memory_space<hbm>> -> memref<1x192xi32, #tpu.memory_space<hbm>>
      %dma_start3A_29 = tpu.memref_squeeze %dma_start3A_28 : memref<1x192xi32, #tpu.memory_space<hbm>> -> memref<192xi32, #tpu.memory_space<hbm>>
      %dma_start3A_30 = arith.constant 0 : i32
      %dma_start3A_31 = tpu.memref_slice %arg3[%add3A, %dma_start3A_30] : memref<32x192xi32, #tpu.memory_space<hbm>> -> memref<1x192xi32, #tpu.memory_space<hbm>>
      %dma_start3A_32 = tpu.memref_squeeze %dma_start3A_31 : memref<1x192xi32, #tpu.memory_space<hbm>> -> memref<192xi32, #tpu.memory_space<hbm>>
      tpu.enqueue_dma source(%arg7 : memref<192xi32, #tpu.memory_space<vmem>>) target(%dma_start3A_32 : memref<192xi32, #tpu.memory_space<hbm>>) target_semaphore(%run_scoped3A : memref<!tpu.dma_semaphore, #tpu.memory_space<semaphore_mem>>)
      %dma_wait3A = arith.constant 0 : i32
      %dma_wait3A_33 = tpu.memref_slice %arg3[%add3A, %dma_wait3A] : memref<32x192xi32, #tpu.memory_space<hbm>> -> memref<1x192xi32, #tpu.memory_space<hbm>>
      %dma_wait3A_34 = tpu.memref_squeeze %dma_wait3A_33 : memref<1x192xi32, #tpu.memory_space<hbm>> -> memref<192xi32, #tpu.memory_space<hbm>>
      %dma_wait3A_35 = arith.constant 0 : i32
      %dma_wait3A_36 = tpu.memref_slice %arg3[%add3A, %dma_wait3A_35] : memref<32x192xi32, #tpu.memory_space<hbm>> -> memref<1x192xi32, #tpu.memory_space<hbm>>
      %dma_wait3A_37 = tpu.memref_squeeze %dma_wait3A_36 : memref<1x192xi32, #tpu.memory_space<hbm>> -> memref<192xi32, #tpu.memory_space<hbm>>
      tpu.wait_dma2 semaphore(%run_scoped3A : memref<!tpu.dma_semaphore, #tpu.memory_space<semaphore_mem>>) src(%arg7 : memref<192xi32, #tpu.memory_space<vmem>>) dst(%dma_wait3A_37 : memref<192xi32, #tpu.memory_space<hbm>>)
      tpu.yield
    }) : () -> ()
    return
  }
}

module attributes {stable_mosaic.version = 14 : i64} {
  func.func @_median_body(%arg0: i32, %arg1: memref<128x4096xf32, #tpu.memory_space<vmem>>, %arg2: memref<128x2xf32, #tpu.memory_space<vmem>>) attributes {dimension_semantics = [#tpu.dimension_semantics<arbitrary>], iteration_bounds = array<i64: 20>, scalar_prefetch = 0 : i64, scratch_operands = 0 : i64, tpu.core_type = #tpu.core_type<tc>, window_params = [{transform_indices = @transform_0, window_bounds = array<i64: 128, 4096>}, {transform_indices = @transform_1, window_bounds = array<i64: 128, 2>}]} {
    %get3A = arith.constant 0 : index
    %get3A_0 = arith.constant 0 : index
    %get3A_1 = vector.load %arg1[%get3A, %get3A_0] : memref<128x4096xf32, #tpu.memory_space<vmem>>, vector<128x4096xf32>
    %bitcast_convert_type3A = tpu.bitcast %get3A_1 : vector<128x4096xf32> -> vector<128x4096xi32>
    %lt3A = arith.constant 0 : i32
    %lt3A_2 = vector.broadcast %lt3A : i32 to vector<128x4096xi32>
    %lt3A_3 = arith.cmpi slt, %bitcast_convert_type3A, %lt3A_2 : vector<128x4096xi32>
    %xor3A = arith.constant 2147483647 : i32
    %xor3A_4 = vector.broadcast %xor3A : i32 to vector<128x4096xi32>
    %xor3A_5 = arith.xori %bitcast_convert_type3A, %xor3A_4 : vector<128x4096xi32>
    %select_n3A = arith.select %lt3A_3, %xor3A_5, %bitcast_convert_type3A : vector<128x4096xi1>, vector<128x4096xi32>
    %iota3A = tpu.iota {dimensions = array<i32: 1>} : vector<128x4096xi32>
    %jit3A = arith.constant 2 : i32
    %eq3A = arith.constant 0 : i32
    %eq3A_6 = arith.cmpi eq, %jit3A, %eq3A : i32
    %jit3A_7 = arith.constant 1 : i32
    %select_n3A_8 = arith.select %eq3A_6, %jit3A_7, %jit3A : i32
    %rem3A = vector.broadcast %select_n3A_8 : i32 to vector<128x4096xi32>
    %rem3A_9 = arith.remsi %iota3A, %rem3A : vector<128x4096xi32>
    %ne3A = arith.constant 0 : i32
    %ne3A_10 = vector.broadcast %ne3A : i32 to vector<128x4096xi32>
    %ne3A_11 = arith.cmpi ne, %rem3A_9, %ne3A_10 : vector<128x4096xi32>
    %lt3A_12 = arith.constant 0 : i32
    %lt3A_13 = vector.broadcast %lt3A_12 : i32 to vector<128x4096xi32>
    %lt3A_14 = arith.cmpi slt, %rem3A_9, %lt3A_13 : vector<128x4096xi32>
    %lt3A_15 = arith.constant 0 : i32
    %lt3A_16 = arith.cmpi slt, %select_n3A_8, %lt3A_15 : i32
    %ne3A_17 = vector.broadcast %lt3A_16 : i1 to vector<128x4096xi1>
    %ne3A_18 = vector.broadcast %ne3A_17 : vector<128x4096xi1> to vector<128x4096xi1>
    %ne3A_19 = arith.xori %lt3A_14, %ne3A_18 : vector<128x4096xi1>
    %and3A = arith.andi %ne3A_19, %ne3A_11 : vector<128x4096xi1>
    %add3A = vector.broadcast %select_n3A_8 : i32 to vector<128x4096xi32>
    %add3A_20 = arith.addi %rem3A_9, %add3A : vector<128x4096xi32>
    %select_n3A_21 = arith.select %and3A, %add3A_20, %rem3A_9 : vector<128x4096xi1>, vector<128x4096xi32>
    %eq3A_22 = arith.constant 0 : i32
    %eq3A_23 = vector.broadcast %eq3A_22 : i32 to vector<128x4096xi32>
    %eq3A_24 = arith.cmpi eq, %select_n3A_21, %eq3A_23 : vector<128x4096xi32>
    %jit3A_25 = arith.constant 1 : i32
    %jit3A_26 = arith.constant 65536 : i32
    %broadcast_in_dim3A = vector.broadcast %jit3A_25 : i32 to vector<128x4096xi32>
    %broadcast_in_dim3A_27 = vector.broadcast %jit3A_26 : i32 to vector<128x4096xi32>
    %select_n3A_28 = arith.select %eq3A_24, %broadcast_in_dim3A, %broadcast_in_dim3A_27 : vector<128x4096xi1>, vector<128x4096xi32>
    %broadcast_in_dim3A_29 = arith.constant 0 : i32
    %broadcast_in_dim3A_30 = vector.broadcast %broadcast_in_dim3A_29 : i32 to vector<128x2xi32>
    %scan3A = arith.constant -2147483648 : i32
    %scan3A_31 = arith.constant 0 : i32
    %scan3A_32 = arith.constant 32 : i32
    %scan3A_33 = arith.addi %scan3A_31, %scan3A_32 : i32
    %scan3A_34 = arith.constant 1 : i32
    %scan3A_35 = scf.for %scan3A_95 = %scan3A_31 to %scan3A_33 step %scan3A_34 iter_args(%scan3A_96 = %broadcast_in_dim3A_30) -> (vector<128x2xi32>)  : i32 {
      %sub3A = arith.constant 31 : i32
      %sub3A_97 = arith.subi %sub3A, %scan3A_95 : i32
      %shift_left3A = arith.constant 1 : i32
      %shift_left3A_98 = arith.shli %shift_left3A, %sub3A_97 : i32
      %or3A = vector.broadcast %shift_left3A_98 : i32 to vector<128x2xi32>
      %or3A_99 = arith.ori %scan3A_96, %or3A : vector<128x2xi32>
      %xor3A_100 = vector.broadcast %scan3A : i32 to vector<128x2xi32>
      %xor3A_101 = arith.xori %or3A_99, %xor3A_100 : vector<128x2xi32>
      %slice3A_102 = vector.extract_strided_slice %xor3A_101 {offsets = [0, 0], sizes = [128, 1], strides = [1, 1]} : vector<128x2xi32> to vector<128x1xi32>
      %broadcast_in_dim3A_103 = vector.shape_cast %slice3A_102 : vector<128x1xi32> to vector<128x1xi32>
      %broadcast_in_dim3A_104 = vector.broadcast %broadcast_in_dim3A_103 : vector<128x1xi32> to vector<128x4096xi32>
      %slice3A_105 = vector.extract_strided_slice %xor3A_101 {offsets = [0, 1], sizes = [128, 1], strides = [1, 1]} : vector<128x2xi32> to vector<128x1xi32>
      %broadcast_in_dim3A_106 = vector.shape_cast %slice3A_105 : vector<128x1xi32> to vector<128x1xi32>
      %broadcast_in_dim3A_107 = vector.broadcast %broadcast_in_dim3A_106 : vector<128x1xi32> to vector<128x4096xi32>
      %select_n3A_108 = arith.select %eq3A_24, %broadcast_in_dim3A_104, %broadcast_in_dim3A_107 : vector<128x4096xi1>, vector<128x4096xi32>
      %lt3A_109 = arith.cmpi slt, %select_n3A, %select_n3A_108 : vector<128x4096xi32>
      %jit3A_110 = arith.constant 0 : i32
      %broadcast_in_dim3A_111 = vector.broadcast %jit3A_110 : i32 to vector<128x4096xi32>
      %select_n3A_112 = arith.select %lt3A_109, %select_n3A_28, %broadcast_in_dim3A_111 : vector<128x4096xi1>, vector<128x4096xi32>
      %reduce_sum3A_113 = arith.constant dense<0> : vector<128xi32>
      %reduce_sum3A_114 = vector.multi_reduction <add>, %select_n3A_112, %reduce_sum3A_113 [1] : vector<128x4096xi32> to vector<128xi32>
      %broadcast_in_dim3A_115 = vector.shape_cast %reduce_sum3A_114 : vector<128xi32> to vector<128x1xi32>
      %and3A_116 = arith.constant 65535 : i32
      %and3A_117 = vector.broadcast %and3A_116 : i32 to vector<128x1xi32>
      %and3A_118 = arith.andi %broadcast_in_dim3A_115, %and3A_117 : vector<128x1xi32>
      %shift_right_logical3A_119 = arith.constant 16 : i32
      %shift_right_logical3A_120 = vector.broadcast %shift_right_logical3A_119 : i32 to vector<128x1xi32>
      %shift_right_logical3A_121 = arith.shrui %broadcast_in_dim3A_115, %shift_right_logical3A_120 : vector<128x1xi32>
      %concatenate3A_122 = tpu.concatenate %and3A_118, %shift_right_logical3A_121 in 1 : vector<128x1xi32>, vector<128x1xi32> -> vector<128x2xi32>
      %le3A_123 = arith.constant 1023 : i32
      %le3A_124 = vector.broadcast %le3A_123 : i32 to vector<128x2xi32>
      %le3A_125 = arith.cmpi sle, %concatenate3A_122, %le3A_124 : vector<128x2xi32>
      %select_n3A_126 = arith.select %le3A_125, %or3A_99, %scan3A_96 : vector<128x2xi1>, vector<128x2xi32>
      scf.yield %select_n3A_126 : vector<128x2xi32>
    }
    %scan3A_36 = arith.constant 32 : i32
    %xor3A_37 = arith.constant -2147483648 : i32
    %xor3A_38 = vector.broadcast %xor3A_37 : i32 to vector<128x2xi32>
    %xor3A_39 = arith.xori %scan3A_35, %xor3A_38 : vector<128x2xi32>
    %slice3A = vector.extract_strided_slice %xor3A_39 {offsets = [0, 0], sizes = [128, 1], strides = [1, 1]} : vector<128x2xi32> to vector<128x1xi32>
    %broadcast_in_dim3A_40 = vector.shape_cast %slice3A : vector<128x1xi32> to vector<128x1xi32>
    %broadcast_in_dim3A_41 = vector.broadcast %broadcast_in_dim3A_40 : vector<128x1xi32> to vector<128x4096xi32>
    %slice3A_42 = vector.extract_strided_slice %xor3A_39 {offsets = [0, 1], sizes = [128, 1], strides = [1, 1]} : vector<128x2xi32> to vector<128x1xi32>
    %broadcast_in_dim3A_43 = vector.shape_cast %slice3A_42 : vector<128x1xi32> to vector<128x1xi32>
    %broadcast_in_dim3A_44 = vector.broadcast %broadcast_in_dim3A_43 : vector<128x1xi32> to vector<128x4096xi32>
    %select_n3A_45 = arith.select %eq3A_24, %broadcast_in_dim3A_41, %broadcast_in_dim3A_44 : vector<128x4096xi1>, vector<128x4096xi32>
    %le3A = arith.cmpi sle, %select_n3A, %select_n3A_45 : vector<128x4096xi32>
    %jit3A_46 = arith.constant 0 : i32
    %broadcast_in_dim3A_47 = vector.broadcast %jit3A_46 : i32 to vector<128x4096xi32>
    %select_n3A_48 = arith.select %le3A, %select_n3A_28, %broadcast_in_dim3A_47 : vector<128x4096xi1>, vector<128x4096xi32>
    %reduce_sum3A = arith.constant dense<0> : vector<128xi32>
    %reduce_sum3A_49 = vector.multi_reduction <add>, %select_n3A_48, %reduce_sum3A [1] : vector<128x4096xi32> to vector<128xi32>
    %broadcast_in_dim3A_50 = vector.shape_cast %reduce_sum3A_49 : vector<128xi32> to vector<128x1xi32>
    %and3A_51 = arith.constant 65535 : i32
    %and3A_52 = vector.broadcast %and3A_51 : i32 to vector<128x1xi32>
    %and3A_53 = arith.andi %broadcast_in_dim3A_50, %and3A_52 : vector<128x1xi32>
    %shift_right_logical3A = arith.constant 16 : i32
    %shift_right_logical3A_54 = vector.broadcast %shift_right_logical3A : i32 to vector<128x1xi32>
    %shift_right_logical3A_55 = arith.shrui %broadcast_in_dim3A_50, %shift_right_logical3A_54 : vector<128x1xi32>
    %concatenate3A = tpu.concatenate %and3A_53, %shift_right_logical3A_55 in 1 : vector<128x1xi32>, vector<128x1xi32> -> vector<128x2xi32>
    %jit3A_56 = arith.constant 2147483647 : i32
    %broadcast_in_dim3A_57 = vector.broadcast %jit3A_56 : i32 to vector<128x4096xi32>
    %select_n3A_58 = arith.select %le3A, %broadcast_in_dim3A_57, %select_n3A : vector<128x4096xi1>, vector<128x4096xi32>
    %jit3A_59 = arith.constant 2147483647 : i32
    %broadcast_in_dim3A_60 = vector.broadcast %jit3A_59 : i32 to vector<128x4096xi32>
    %select_n3A_61 = arith.select %eq3A_24, %select_n3A_58, %broadcast_in_dim3A_60 : vector<128x4096xi1>, vector<128x4096xi32>
    %reduce_min3A = arith.constant dense<2147483647> : vector<128xi32>
    %reduce_min3A_62 = vector.multi_reduction <minsi>, %select_n3A_61, %reduce_min3A [1] : vector<128x4096xi32> to vector<128xi32>
    %broadcast_in_dim3A_63 = vector.shape_cast %reduce_min3A_62 : vector<128xi32> to vector<128x1xi32>
    %jit3A_64 = arith.constant 2147483647 : i32
    %broadcast_in_dim3A_65 = vector.broadcast %jit3A_64 : i32 to vector<128x4096xi32>
    %select_n3A_66 = arith.select %eq3A_24, %broadcast_in_dim3A_65, %select_n3A_58 : vector<128x4096xi1>, vector<128x4096xi32>
    %reduce_min3A_67 = arith.constant dense<2147483647> : vector<128xi32>
    %reduce_min3A_68 = vector.multi_reduction <minsi>, %select_n3A_66, %reduce_min3A_67 [1] : vector<128x4096xi32> to vector<128xi32>
    %broadcast_in_dim3A_69 = vector.shape_cast %reduce_min3A_68 : vector<128xi32> to vector<128x1xi32>
    %concatenate3A_70 = tpu.concatenate %broadcast_in_dim3A_63, %broadcast_in_dim3A_69 in 1 : vector<128x1xi32>, vector<128x1xi32> -> vector<128x2xi32>
    %ge3A = arith.constant 1025 : i32
    %ge3A_71 = vector.broadcast %ge3A : i32 to vector<128x2xi32>
    %ge3A_72 = arith.cmpi sge, %concatenate3A, %ge3A_71 : vector<128x2xi32>
    %select_n3A_73 = arith.select %ge3A_72, %xor3A_39, %concatenate3A_70 : vector<128x2xi1>, vector<128x2xi32>
    %lt3A_74 = arith.constant 0 : i32
    %lt3A_75 = vector.broadcast %lt3A_74 : i32 to vector<128x2xi32>
    %lt3A_76 = arith.cmpi slt, %xor3A_39, %lt3A_75 : vector<128x2xi32>
    %xor3A_77 = arith.constant 2147483647 : i32
    %xor3A_78 = vector.broadcast %xor3A_77 : i32 to vector<128x2xi32>
    %xor3A_79 = arith.xori %xor3A_39, %xor3A_78 : vector<128x2xi32>
    %select_n3A_80 = arith.select %lt3A_76, %xor3A_79, %xor3A_39 : vector<128x2xi1>, vector<128x2xi32>
    %bitcast_convert_type3A_81 = tpu.bitcast %select_n3A_80 : vector<128x2xi32> -> vector<128x2xf32>
    %lt3A_82 = arith.constant 0 : i32
    %lt3A_83 = vector.broadcast %lt3A_82 : i32 to vector<128x2xi32>
    %lt3A_84 = arith.cmpi slt, %select_n3A_73, %lt3A_83 : vector<128x2xi32>
    %xor3A_85 = arith.constant 2147483647 : i32
    %xor3A_86 = vector.broadcast %xor3A_85 : i32 to vector<128x2xi32>
    %xor3A_87 = arith.xori %select_n3A_73, %xor3A_86 : vector<128x2xi32>
    %select_n3A_88 = arith.select %lt3A_84, %xor3A_87, %select_n3A_73 : vector<128x2xi1>, vector<128x2xi32>
    %bitcast_convert_type3A_89 = tpu.bitcast %select_n3A_88 : vector<128x2xi32> -> vector<128x2xf32>
    %add3A_90 = arith.addf %bitcast_convert_type3A_81, %bitcast_convert_type3A_89 : vector<128x2xf32>
    %mul3A = arith.constant 5.000000e-01 : f32
    %mul3A_91 = vector.broadcast %mul3A : f32 to vector<128x2xf32>
    %mul3A_92 = arith.mulf %add3A_90, %mul3A_91 : vector<128x2xf32>
    %swap3A = arith.constant 0 : index
    %swap3A_93 = arith.constant 0 : index
    %swap3A_94 = vector.load %arg2[%swap3A, %swap3A_93] : memref<128x2xf32, #tpu.memory_space<vmem>>, vector<128x2xf32>
    tpu.vector_store %arg2[%swap3A, %swap3A_93], %mul3A_92 {strides = array<i32>} : memref<128x2xf32, #tpu.memory_space<vmem>>, vector<128x2xf32>,
    return
  }
  func.func @transform_0(%arg0: i32) -> (i32, i32) {
    %c0_i32 = arith.constant 0 : i32
    %c0_i32_0 = arith.constant 0 : i32
    return %arg0, %c0_i32 : i32, i32
  }
  func.func @transform_1(%arg0: i32) -> (i32, i32) {
    %c0_i32 = arith.constant 0 : i32
    %c0_i32_0 = arith.constant 0 : i32
    return %arg0, %c0_i32 : i32, i32
  }
}

</mosaic_0001>

<sc_bundles>
// kernel: kernel.4.cloned.1.call-start
scs
__scs_entry_jumppad:
0x0: {  	(pc) =	sbr.rel $0x88, $3  }
0x1: {  	(tag) =	ssettag $0x0;
	lr =	simm.s32 $0x1  }
0x2: {  	[smem:$0x3FA0] =	sst lr;
	_ =	strace $0xD0000000  }
0x3: {  	_ = 	snop  }
0x4: {  	_ = 	snop  }
0x5: {  	_ = 	snop  }
0x6: {  	_ = 	snop  }
0x7: {  	_ = 	snop  }
__scs_overlays_trampoline_lowered:
0x8: {  	[smem:$0x3FAF] =	sst s0  }
0x9: {  	[smem:$0x3FB0] =	sst s1  }
0xa: {  	[smem:$0x3FB1] =	sst s2  }
0xb: {  	[smem:$0x3FB2] =	sst s3  }
0xc: {  	[smem:$0x3FB3] =	sst s4  }
0xd: {  	[smem:$0x3FB4] =	sst s5  }
0xe: {  	[smem:$0x3FB5] =	sst s6  }
0xf: {  	[smem:$0x3FB6] =	sst s7  }
0x10: {  	[smem:$0x3FB7] =	sst s8  }
0x11: {  	[smem:$0x3FB8] =	sst s9;
	s0 =	simm.s32 @!p0 $0x0  }
0x12: {  	s1 =	sld [smem:$0x3F9E];
	s0 =	simm.s32 @p0 $0x1  }
0x13: {  	[smem:$0x3FB9] =	sst s0;
	s0 =	simm.s32 @!p1 $0x0  }
0x14: {  	s2 =	sld [smem:$0x3F9D];
	s0 =	simm.s32 @p1 $0x1  }
0x15: {  	[smem:$0x3FBA] =	sst s0;
	s0 =	simm.s32 @!p2 $0x0  }
0x16: {  	s3 =	sld [smem:$0x3FDB];
	s0 =	simm.s32 @p2 $0x1  }
0x17: {  	s4 =	simm.s32 $0x1BF5;
	[smem:$0x3FBC] =	sst s0  }
0x18: {  	s0 =	sld [smem:$0x3F9F];
	_ =	swait.ge [sflag:s4], $0x0  }
0x19: {  	s7 =	sld [smem:$0x3FA0]  }
0x1a: {  	s8 =	sadd.s32 $0xFFFFE003, lr  }
0x1b: {  	s9 =	sadd.s32 $0xFFFFFEF7, lr;
	s5 =	simm.s32 $0xFFFFFFFF;
	p2 =	slt.u32 s8, $0xFFFFF086  }
0x1c: {  	p1 =	slt.u32 s9, $0xF7A;
	s5 =	simm.s32 @!p2 $0x0  }
0x1d: {  	s5 =	simm.s32 @p1 $0x1;
	p0 =	seq.s32 s7, s2  }
0x1e: {  	s7 =	smul.u32 @!p0 $0xF7A, s2;
	p2 =	seq.s32 @!p0 s5, $0x0  }
0x1f: {  	s9 =	smul.u32 $0xF7A, s1;
	s8 =	simm.s32 @!p0 $0x1BF5;
	p2 =	por !p2, p0  }
0x20: {  	[sflag:s8] =	ssyncset.s32 @!p0 $0xFFFFF086;
	s6 =	sadd.s32 @!p0 s3, s7;
	s7 =	simm.s32 @!p0 $0x108  }
0x21: {  	s3 =	sadd.s32 s3, s9;
	s6 =	sadd.s32 @!p0 $0x88, s6;
	s7 =	simm.s32 @p2 $0x1082  }
0x22: {  	[simem:s7], [sflag:s8] =	dma.local @!p0 [hbm:s6], $0xF7A  }
0x23: {  	s9 =	sor.u32 $0xD0000000, s2;
	s6 =	simm.s32 $0x108;
	_ =	swait.ge @!p0 [sflag:s8], $0x0  }
0x24: {  	s3 =	sadd.s32 $0x88, s3;
	s6 =	simm.s32 @!p1 $0x1082;
	[sflag:s4] =	ssyncset.s32 $0xFFFFF086  }
0x25: {  	[simem:s6], [sflag:s4] =	dma.local [hbm:s3], $0xF7A  }
0x26: {  	[smem:$0x3FA0] =	sst s1;
	(tag) =	ssettag s2;
	_ =	strace s9  }
0x27: {  	s1 =	sld [smem:$0x3FB0]  }
0x28: {  	s2 =	sld [smem:$0x3FB1]  }
0x29: {  	s4 =	sld [smem:$0x3FB3]  }
0x2a: {  	p0 =	seq.s32 s5, $0x0;
	s5 =	sld [smem:$0x3FB4]  }
0x2b: {  	s6 =	sld [smem:$0x3FB5]  }
0x2c: {  	s7 =	sld [smem:$0x3FB6]  }
0x2d: {  	s3 =	simm.s32 $0x108;
	s8 =	sld [smem:$0x3FB7]  }
0x2e: {  	s3 =	simm.s32 @!p0 $0x1082;
	s9 =	sld [smem:$0x3FB8]  }
0x2f: {  	lr =	sadd.s32 s0, s3;
	s0 =	sld [smem:$0x3FAF]  }
0x30: {  	s3 =	sld [smem:$0x3FB2]  }
0x31: {  	[smem:$0x3FBB] =	sst s10  }
0x32: {  	s10 =	sld [smem:$0x3FB9];
	_ =	sdelay $0x3  }
0x33: {  	p0 =	seq.s32 s10, $0x1;
	s10 =	sld [smem:$0x3FBB];
	_ =	sdelay $0x3  }
0x34: {  	[smem:$0x3FBB] =	sst s10  }
0x35: {  	s10 =	sld [smem:$0x3FBA];
	_ =	sdelay $0x3  }
0x36: {  	p1 =	seq.s32 s10, $0x1;
	s10 =	sld [smem:$0x3FBB];
	_ =	sdelay $0x3  }
0x37: {  	[smem:$0x3FBB] =	sst s10  }
0x38: {  	s10 =	sld [smem:$0x3FBC]  }
0x39: {  	_ = 	snop;
	(pc) =	sbr.ind lr, $3  }
0x3a: {  	_ = 	snop  }
0x3b: {  	_ = 	snop  }
0x3c: {  	p2 =	seq.s32 s10, $0x1;
	s10 =	sld [smem:$0x3FBB]  }
0x3d: {  	_ =	shalt  }
0x3e: {  	_ =	shalt  }
0x3f: {  	_ =	shalt  }
0x40: {  	_ =	shalt  }
0x41: {  	_ =	shalt  }
0x42: {  	_ =	shalt  }
0x43: {  	_ =	shalt  }
0x44: {  	_ =	shalt  }
0x45: {  	_ =	shalt  }
0x46: {  	_ =	shalt  }
0x47: {  	_ =	shalt  }
0x48: {  	_ =	shalt  }
0x49: {  	_ =	shalt  }
0x4a: {  	_ =	shalt  }
0x4b: {  	_ =	shalt  }
0x4c: {  	_ =	shalt  }
0x4d: {  	_ =	shalt  }
0x4e: {  	_ =	shalt  }
0x4f: {  	_ =	shalt  }
0x50: {  	_ =	shalt  }
0x51: {  	_ =	shalt  }
0x52: {  	_ =	shalt  }
0x53: {  	_ =	shalt  }
0x54: {  	_ =	shalt  }
0x55: {  	_ =	shalt  }
0x56: {  	_ =	shalt  }
0x57: {  	_ =	shalt  }
0x58: {  	_ =	shalt  }
0x59: {  	_ =	shalt  }
0x5a: {  	_ =	shalt  }
0x5b: {  	_ =	shalt  }
0x5c: {  	_ =	shalt  }
0x5d: {  	_ =	shalt  }
0x5e: {  	_ =	shalt  }
0x5f: {  	_ =	shalt  }
0x60: {  	_ =	shalt  }
0x61: {  	_ =	shalt  }
0x62: {  	_ =	shalt  }
0x63: {  	_ =	shalt  }
0x64: {  	_ =	shalt  }
0x65: {  	_ =	shalt  }
0x66: {  	_ =	shalt  }
0x67: {  	_ =	shalt  }
0x68: {  	_ =	shalt  }
0x69: {  	_ =	shalt  }
0x6a: {  	_ =	shalt  }
0x6b: {  	_ =	shalt  }
0x6c: {  	_ =	shalt  }
0x6d: {  	_ =	shalt  }
0x6e: {  	_ =	shalt  }
0x6f: {  	_ =	shalt  }
0x70: {  	_ =	shalt  }
0x71: {  	_ =	shalt  }
0x72: {  	_ =	shalt  }
0x73: {  	_ =	shalt  }
0x74: {  	_ =	shalt  }
0x75: {  	_ =	shalt  }
0x76: {  	_ =	shalt  }
0x77: {  	_ =	shalt  }
0x78: {  	_ =	shalt  }
0x79: {  	_ =	shalt  }
0x7a: {  	_ =	shalt  }
0x7b: {  	_ =	shalt  }
0x7c: {  	_ =	shalt  }
0x7d: {  	_ =	shalt  }
0x7e: {  	_ =	shalt  }
0x7f: {  	_ =	shalt  }
0x80: {  	_ =	shalt  }
0x81: {  	_ =	shalt  }
0x82: {  	_ =	shalt  }
0x83: {  	_ =	shalt  }
0x84: {  	_ =	shalt  }
0x85: {  	_ =	shalt  }
0x86: {  	_ =	shalt  }
0x87: {  	_ =	shalt  }
.Lfunc_end0:
.L_simem_size_0:
called_computation_lowered:
.L_overlay_start_0:
0x88: {  	s2 =	sld [smem:$0x3FD9]  }
0x89: {  	s3 =	sld [smem:$0x3FFE];
	_ =	sdelay $0x1  }
0x8a: {  	s1 =	srdreg.scid  }
0x8b: {  	s0 =	sand.u32 $0x1, s1  }
0x8c: {  	s17 =	sshll.u32 s0, $0xA;
	s2 =	sadd.s32 s3, s2  }
0x8d: {  	s2 =	sadd.s32 s2, s17  }
0x8e: {  	[smem:$0x3FC7] =	sst s2  }
0x8f: {  	_ = 	snop  }
0x90: {  	s2 =	sld [smem:$0x3FD0];
	(tm) =	ssettm $0x1  }
0x91: {  	s18 =	sld [smem:$0x3FFB];
	_ =	sdelay $0x3  }
0x92: {  	_ =	strace s18  }
0x93: {  	s3 =	sld [smem:$0x3FFC];
	_ =	sdelay $0x3  }
0x94: {  	_ =	strace s3  }
0x95: {  	s3 =	sld [smem:$0x3FFD];
	_ =	sdelay $0x3  }
0x96: {  	_ =	strace s3  }
0x97: {  	_ =	strace $0x8FFFFFFF  }
0x98: {  	s19 =	sld [smem:$0x3FDB];
	_ =	sdelay $0x1  }
0x99: {  	s4 =	simm.s32 $_scs_section_size  }
0x9a: {  	s5 =	simm.s32 $_size__tile_overlayer_lowered;
	s6 =	simm.s32 $_tile_overlayer_lowered  }
0x9b: {  	s22 =	simm.s32 $0x1BFF;
	s21 =	sshll.u32 s6, $0x1;
	s3 =	sadd.s32 s4, s19  }
0x9c: {  	s7 =	simm.s32 $0x0;
	s20 =	sshll.u32 s5, $0x1;
	s5 =	sadd.s32 s21, s3  }
0x9d: {  	[timem:s7], [sflag:s22] =	dma.local [hbm:s5], s20  }
0x9e: {  	_ =	swait.ge [sflag:s22], s20  }
0x9f: {  	s4 =	ssub.s32 $0x0, s20;
	[sflag:s22] =	ssyncset.done $0x0  }
0xa0: {  	[sflag:s22] =	ssyncadd.s32 s4;
	_ =	sdelay $0x1  }
0xa1: {  	s23 =	simm.s32 $0x1B8B  }
0xa2: {  	_ =	swait.ge [sflag:s23], $0x1  }
0xa3: {  	[sflag:s23] =	ssyncset.done $0x0  }
0xa4: {  	s25 =	simm.s32 $0x1B8E;
	s24 =	sld [smem:$0x3FFE];
	[sflag:s23] =	ssyncadd.s32 $0xFFFFFFFF  }
0xa5: {  	s26 =	simm.s32 $execute0_lowered;
	[smem:$0x3FD2] =	sst s25  }
0xa6: {  	s5 =	sshll.u32 s26, $0x1;
	_ =	strace $0x80000046;
	[dreg:$0x1] =	wrdreg $0xFFFFFFFF  }
0xa7: {  	s28 =	simm.s32 $_size_execute0_lowered;
	s3 =	sadd.s32 s3, s5;
	[dreg:$0x0] =	wrdreg $0x0  }
0xa8: {  	s5 =	sshll.u32 s28, $0x1;
	[dreg:$0x2] =	wrdreg s3  }
0xa9: {  	[dreg:$0x3] =	wrdreg s5  }
0xaa: {  	[dreg:$0x4] =	wrdreg $0xC0  }
0xab: {  	_ =	task [dreg:s7], $0x5FFFF  }
0xac: {  	[dreg:$0x1] =	wrdreg $0xFFFFFFFF  }
0xad: {  	[dreg:$0x0] =	wrdreg $0x60  }
0xae: {  	[dreg:$0x2] =	wrdreg s24  }
0xaf: {  	[dreg:$0x3] =	wrdreg s2  }
0xb0: {  	[dreg:$0x4] =	wrdreg $0x9  }
0xb1: {  	_ =	task.clear_ibuf [dreg:s7], $0x5FFFF;
	_ =	strace $0x90000046  }
0xb2: {  	s29 =	simm.s32 $0x9;
	_ =	strace $0x80000048  }
0xb3: {  	_ =	swait.ge [sflag:s29], $0x1  }
0xb4: {  	[sflag:s29] =	ssyncadd.s32 $0xFFFFFFFF  }
0xb5: {  	_ =	strace $0x90000048  }
0xb6: {  	_ =	sfence  }
0xb7: {  	s30 =	sld [smem:$0x0];
	_ =	sdelay $0x2  }
0xb8: {  	s31 =	sshll.u32 s1, $0xD;
	s1 =	sshrl.u32 s1, $0x2  }
0xb9: {  	s3 =	sand.u32 $0x4000, s31;
	s1 =	sadd.s32 s1, s30  }
0xba: {  	s0 =	sor.u32 s3, s0;
	s1 =	sshll.u32 s1, $0x11  }
0xbb: {  	s0 =	sor.u32 s1, s0  }
0xbc: {  	s0 =	sadd.s32 $0x8F2B, s0  }
0xbd: {  	[sflag:s0] =	ssyncadd.remote.s32 $0x1  }
0xbe: {  	_ =	sfence.sel $0xFFFF  }
0xbf: {  	[dreg:$0x0] =	wrdreg $0xFFFFFFFF;
	(pc) =	sbr.abs _section_cstart, $3  }
0xc0: {  	[dreg:$0x1] =	wrdreg $0xFFFFFFFF  }
0xc1: {  	_ =	task.clear_ibuf [dreg:s7], $0x2FFFF;
	_ =	strace $0x9FFFFFFF  }
0xc2: {  	(tm) =	ssettm $0x7FFFFFFF  }
0xc3: {  	_ =	shalt  }
tec
execute0_lowered:
.L_overlay_start_1:
0x0: {  	(tag) =	ssettag $0x1  }
0x1: {  	s1 =	srdreg.scid  }
0x2: {  	s0 =	stileid.u32;
	s3 =	rddreg [dreg:$0x0]  }
0x3: {  	s7 =	rddreg [dreg:$0x1];
	s2 =	simm.s32 $0x0;
	s12 =	simm.s32 $0x80000000  }
0x4: {  	s13 =	simm.s32 $0x2;
	s14 =	simm.s32 $0x80;
	s15 =	simm.s32 $0x400  }
0x5: {  	s16 =	simm.s32 $0x18000;
	s17 =	simm.s32 $0x3;
	s18 =	simm.s32 $0x0  }
0x6: {  	v0 =	vimm.s32 $0xDCFE98BA;
	s4 =	sand.u32 $0x1, s1;
	s28 =	sshll.u32 s0, $0x1;
	s1 =	rddreg [dreg:$0x2]  }
0x7: {  	v1 =	vimm.s32 $0x54761032;
	[smem:$0x7FF] =	sst s2;
	s3 =	sadd.s32 $0x200600, s3;
	s6 =	sor.u32 s4, s28  }
0x8: {  	v2 =	vimm.s32 $0xBA98FEDC;
	v3 =	vimm.s32 $0x32107654;
	v4 =	vimm.s32 $0xFEDCBA98;
	s31 =	sshll.u32 s0, $0x6;
	s4 =	ssub.s32 $0x2, s4;
	s5 =	smul.u32 $0x30, s6  }
0x9: {  	v5 =	vimm.s32 $0x76543210;
	v0 =	vunpack.c.l.s4.s8 v0;
	v1 =	vunpack.c.l.s4.s8 v1;
	s8 =	smul.u32 $0x30000, s6;
	s9 =	sshrl.u32 s4, $0x1;
	s11 =	sshll.u32 s6, $0x4  }
0xa: {  	v2 =	vunpack.c.l.s4.s8 v2;
	v3 =	vunpack.c.l.s4.s8 v3;
	v4 =	vunpack.c.l.s4.s8 v4;
	_ =	strace $0x80000047;
	s9 =	ssub.s32 s4, s9;
	s11 =	sand.u32 $0x70, s11  }
0xb: {  	v5 =	vunpack.c.l.s4.s8 v5;
	v0 =	vunpack.c.0.s8.s32 v0;
	v1 =	vunpack.c.0.s8.s32 v1;
	s10 =	sadd.s32 $0xA00, s5;
	s29 =	sshrl.u32 s8, $0x3;
	s8 =	sand.u32 $0x300, s31  }
0xc: {  	v2 =	vunpack.c.0.s8.s32 v2;
	v3 =	vunpack.c.0.s8.s32 v3;
	v4 =	vunpack.c.0.s8.s32 v4;
	s9 =	smax.u32 s9, $0x1;
	s30 =	sshll.u32 s10, $0x9;
	s5 =	sadd.s32 s3, s29  }
0xd: {  	v5 =	vunpack.c.0.s8.s32 v5;
	v0 =	vcombine.low v1, v0;
	s10 =	sshrl.u32 s10, $0x3;
	s8 =	sadd.s32 s7, s8;
	s4 =	sadd.s32 s3, s30  }
0xe: {  	v1 =	vcombine.low v3, v2;
	v2 =	vand.u32 $0xF, v4;
	v4 =	vlaneseq.u32;
	s5 =	sadd.s32 $0x141000, s5;
	s6 =	sadd.s32 $0x2, s10;
	s7 =	sadd.s32 $0x3, s10  }
0xf: {  	v3 =	vimm.s32 $0x0;
	v2 =	vcombine.low v2, v5;
	v4 =	vshrl.u32 v4, $0x1;
	s8 =	sadd.s32 s11, s8;
	s10 =	simm.s32 $0x8000;
	s11 =	simm.s32 $0x1  }
.LBB2_1:
0x10: {  	[tilespmem:s2], [sflag:$0x1] =	stream.linear.gather [hbm4b:s4+s2], $0x8000, $0x38;
	[tilespmem:$0x18100] =	vst v63  }
0x11: {  	s19 =	simm.s32 $0x0  }
0x12: {  	[tilespmem:s10], [sflag:$0x2] =	stream.linear.gather [hbm4b:s5+s2], $0x8000, $0x38;
	[tilespmem:$0x18100] =	vst v63  }
.LBB2_2:
0x13: {  	_ =	swait.ge [sflag:s11], $0x8000  }
0x14: {  	s20 =	simm.s32 $0x0;
	[sflag:s11] =	ssyncset.done $0x0  }
0x15: {  	s21 =	simm.s32 $0x10400;
	s22 =	simm.s32 $0x0;
	[sflag:s11] =	ssyncadd.s32 $0xFFFF8000  }
.LBB2_3:
0x16: {  	v6 =	vmov s20;
	_ =	sdelay $0x3  }
0x17: {  	s23 =	simm.s32 $0x0  }
0x18: {  	v7 =	vld.idx.msk [tilespmem:v6+s23+$0x0 ss:$0x1], $0xffff;
	_ =	sdelay $0x1  }
0x19: {  	v5 =	vmov s21;
	_ =	sdelay $0x2  }
0x1a: {  	vm0 =	vlt.s32 v7, $0x0;
	v8 =	vxor.u32 $0x7FFFFFFF, v7  }
0x1b: {  	v7 =	vsel vm0, v8, v7  }
0x1c: {  	[tilespmem:v5+s23+$0xFFFFFC00 ss:$0x1] =	vst.idx.msk $0xffff, v7  }
0x1d: {  	v7 =	vld.idx.msk [tilespmem:v6+s23+$0x10 ss:$0x1], $0xffff;
	_ =	sdelay $0x4  }
0x1e: {  	vm13 =	vlt.s32 v7, $0x0;
	v8 =	vxor.u32 $0x7FFFFFFF, v7  }
0x1f: {  	v7 =	vsel vm13, v8, v7  }
0x20: {  	[tilespmem:v5+s23+$0xFFFFFC10 ss:$0x1] =	vst.idx.msk $0xffff, v7  }
0x21: {  	v7 =	vld.idx.msk [tilespmem:v6+s23+$0x20 ss:$0x1], $0xffff;
	_ =	sdelay $0x4  }
0x22: {  	vm14 =	vlt.s32 v7, $0x0;
	v8 =	vxor.u32 $0x7FFFFFFF, v7  }
0x23: {  	v7 =	vsel vm14, v8, v7  }
0x24: {  	[tilespmem:v5+s23+$0xFFFFFC20 ss:$0x1] =	vst.idx.msk $0xffff, v7  }
0x25: {  	v7 =	vld.idx.msk [tilespmem:v6+s23+$0x30 ss:$0x1], $0xffff;
	_ =	sdelay $0x4  }
0x26: {  	vm15 =	vlt.s32 v7, $0x0;
	v8 =	vxor.u32 $0x7FFFFFFF, v7  }
0x27: {  	v7 =	vsel vm15, v8, v7  }
0x28: {  	[tilespmem:v5+s23+$0xFFFFFC30 ss:$0x1] =	vst.idx.msk $0xffff, v7  }
0x29: {  	v7 =	vld.idx.msk [tilespmem:v6+s23+$0x40 ss:$0x1], $0xffff;
	_ =	sdelay $0x4  }
0x2a: {  	vm4 =	vlt.s32 v7, $0x0;
	v8 =	vxor.u32 $0x7FFFFFFF, v7  }
0x2b: {  	v7 =	vsel vm4, v8, v7  }
0x2c: {  	[tilespmem:v5+s23+$0xFFFFFC40 ss:$0x1] =	vst.idx.msk $0xffff, v7  }
0x2d: {  	v7 =	vld.idx.msk [tilespmem:v6+s23+$0x50 ss:$0x1], $0xffff;
	_ =	sdelay $0x4  }
0x2e: {  	vm5 =	vlt.s32 v7, $0x0;
	v8 =	vxor.u32 $0x7FFFFFFF, v7  }
0x2f: {  	v7 =	vsel vm5, v8, v7  }
0x30: {  	[tilespmem:v5+s23+$0xFFFFFC50 ss:$0x1] =	vst.idx.msk $0xffff, v7  }
0x31: {  	v7 =	vld.idx.msk [tilespmem:v6+s23+$0x60 ss:$0x1], $0xffff;
	_ =	sdelay $0x4  }
0x32: {  	vm6 =	vlt.s32 v7, $0x0;
	v8 =	vxor.u32 $0x7FFFFFFF, v7  }
0x33: {  	v7 =	vsel vm6, v8, v7  }
0x34: {  	[tilespmem:v5+s23+$0xFFFFFC60 ss:$0x1] =	vst.idx.msk $0xffff, v7  }
0x35: {  	v7 =	vld.idx.msk [tilespmem:v6+s23+$0x70 ss:$0x1], $0xffff;
	_ =	sdelay $0x4  }
0x36: {  	vm7 =	vlt.s32 v7, $0x0;
	v8 =	vxor.u32 $0x7FFFFFFF, v7  }
0x37: {  	v7 =	vsel vm7, v8, v7  }
0x38: {  	[tilespmem:v5+s23+$0xFFFFFC70 ss:$0x1] =	vst.idx.msk $0xffff, v7  }
0x39: {  	v7 =	vld.idx.msk [tilespmem:v6+s23+$0x400 ss:$0x1], $0xffff;
	_ =	sdelay $0x4  }
0x3a: {  	vm8 =	vlt.s32 v7, $0x0;
	v8 =	vxor.u32 $0x7FFFFFFF, v7  }
0x3b: {  	v7 =	vsel vm8, v8, v7  }
0x3c: {  	[tilespmem:v5+s23+$0x0 ss:$0x1] =	vst.idx.msk $0xffff, v7  }
0x3d: {  	v7 =	vld.idx.msk [tilespmem:v6+s23+$0x410 ss:$0x1], $0xffff;
	_ =	sdelay $0x4  }
0x3e: {  	vm9 =	vlt.s32 v7, $0x0;
	v8 =	vxor.u32 $0x7FFFFFFF, v7  }
0x3f: {  	v7 =	vsel vm9, v8, v7  }
0x40: {  	[tilespmem:v5+s23+$0x10 ss:$0x1] =	vst.idx.msk $0xffff, v7  }
0x41: {  	v7 =	vld.idx.msk [tilespmem:v6+s23+$0x420 ss:$0x1], $0xffff;
	_ =	sdelay $0x4  }
0x42: {  	vm10 =	vlt.s32 v7, $0x0;
	v8 =	vxor.u32 $0x7FFFFFFF, v7  }
0x43: {  	v7 =	vsel vm10, v8, v7  }
0x44: {  	[tilespmem:v5+s23+$0x20 ss:$0x1] =	vst.idx.msk $0xffff, v7  }
0x45: {  	v7 =	vld.idx.msk [tilespmem:v6+s23+$0x430 ss:$0x1], $0xffff;
	_ =	sdelay $0x4  }
0x46: {  	vm11 =	vlt.s32 v7, $0x0;
	v8 =	vxor.u32 $0x7FFFFFFF, v7  }
0x47: {  	v7 =	vsel vm11, v8, v7  }
0x48: {  	[tilespmem:v5+s23+$0x30 ss:$0x1] =	vst.idx.msk $0xffff, v7  }
0x49: {  	v7 =	vld.idx.msk [tilespmem:v6+s23+$0x440 ss:$0x1], $0xffff;
	_ =	sdelay $0x4  }
0x4a: {  	vm12 =	vlt.s32 v7, $0x0;
	v8 =	vxor.u32 $0x7FFFFFFF, v7  }
0x4b: {  	v7 =	vsel vm12, v8, v7  }
0x4c: {  	[tilespmem:v5+s23+$0x40 ss:$0x1] =	vst.idx.msk $0xffff, v7  }
0x4d: {  	v7 =	vld.idx.msk [tilespmem:v6+s23+$0x450 ss:$0x1], $0xffff;
	_ =	sdelay $0x4  }
0x4e: {  	vm13 =	vlt.s32 v7, $0x0;
	v8 =	vxor.u32 $0x7FFFFFFF, v7  }
0x4f: {  	v7 =	vsel vm13, v8, v7  }
0x50: {  	[tilespmem:v5+s23+$0x50 ss:$0x1] =	vst.idx.msk $0xffff, v7  }
0x51: {  	v7 =	vld.idx.msk [tilespmem:v6+s23+$0x460 ss:$0x1], $0xffff;
	_ =	sdelay $0x4  }
0x52: {  	vm14 =	vlt.s32 v7, $0x0;
	v8 =	vxor.u32 $0x7FFFFFFF, v7  }
0x53: {  	v7 =	vsel vm14, v8, v7  }
0x54: {  	[tilespmem:v5+s23+$0x60 ss:$0x1] =	vst.idx.msk $0xffff, v7  }
0x55: {  	v7 =	vld.idx.msk [tilespmem:v6+s23+$0x470 ss:$0x1], $0xffff;
	_ =	sdelay $0x4  }
0x56: {  	vm15 =	vlt.s32 v7, $0x0;
	v8 =	vxor.u32 $0x7FFFFFFF, v7  }
0x57: {  	s24 =	simm.s32 $0x2000;
	s25 =	simm.s32 $0x4000;
	v7 =	vsel vm15, v8, v7  }
.LBB2_4:
0x58: {  	p0 =	sne.s32 s25, $0x1E000  }
0x59: {  	[tilespmem:v5+s23+$0x70 ss:$0x1] =	vst.idx.msk $0xffff, v7;
	s23 =	sshra.s32 s24, $0x2;
	s24 =	smov.u32 s25;
	s25 =	sadd.s32 $0x2000, s25  }
0x5a: {  	v7 =	vld.idx.msk [tilespmem:v6+s23+$0x0 ss:$0x1], $0xffff;
	_ =	sdelay $0x5  }
0x5b: {  	vm0 =	vlt.s32 v7, $0x0;
	v8 =	vxor.u32 $0x7FFFFFFF, v7  }
0x5c: {  	v7 =	vsel vm0, v8, v7  }
0x5d: {  	[tilespmem:v5+s23+$0xFFFFFC00 ss:$0x1] =	vst.idx.msk $0xffff, v7  }
0x5e: {  	v7 =	vld.idx.msk [tilespmem:v6+s23+$0x10 ss:$0x1], $0xffff;
	_ =	sdelay $0x5  }
0x5f: {  	vm0 =	vlt.s32 v7, $0x0;
	v8 =	vxor.u32 $0x7FFFFFFF, v7  }
0x60: {  	v7 =	vsel vm0, v8, v7  }
0x61: {  	[tilespmem:v5+s23+$0xFFFFFC10 ss:$0x1] =	vst.idx.msk $0xffff, v7  }
0x62: {  	v7 =	vld.idx.msk [tilespmem:v6+s23+$0x20 ss:$0x1], $0xffff;
	_ =	sdelay $0x5  }
0x63: {  	vm0 =	vlt.s32 v7, $0x0;
	v8 =	vxor.u32 $0x7FFFFFFF, v7  }
0x64: {  	v7 =	vsel vm0, v8, v7  }
0x65: {  	[tilespmem:v5+s23+$0xFFFFFC20 ss:$0x1] =	vst.idx.msk $0xffff, v7  }
0x66: {  	v7 =	vld.idx.msk [tilespmem:v6+s23+$0x30 ss:$0x1], $0xffff;
	_ =	sdelay $0x5  }
0x67: {  	vm0 =	vlt.s32 v7, $0x0;
	v8 =	vxor.u32 $0x7FFFFFFF, v7  }
0x68: {  	v7 =	vsel vm0, v8, v7  }
0x69: {  	[tilespmem:v5+s23+$0xFFFFFC30 ss:$0x1] =	vst.idx.msk $0xffff, v7  }
0x6a: {  	v7 =	vld.idx.msk [tilespmem:v6+s23+$0x40 ss:$0x1], $0xffff;
	_ =	sdelay $0x5  }
0x6b: {  	vm0 =	vlt.s32 v7, $0x0;
	v8 =	vxor.u32 $0x7FFFFFFF, v7  }
0x6c: {  	v7 =	vsel vm0, v8, v7  }
0x6d: {  	[tilespmem:v5+s23+$0xFFFFFC40 ss:$0x1] =	vst.idx.msk $0xffff, v7  }
0x6e: {  	v7 =	vld.idx.msk [tilespmem:v6+s23+$0x50 ss:$0x1], $0xffff;
	_ =	sdelay $0x5  }
0x6f: {  	vm0 =	vlt.s32 v7, $0x0;
	v8 =	vxor.u32 $0x7FFFFFFF, v7  }
0x70: {  	v7 =	vsel vm0, v8, v7  }
0x71: {  	[tilespmem:v5+s23+$0xFFFFFC50 ss:$0x1] =	vst.idx.msk $0xffff, v7  }
0x72: {  	v7 =	vld.idx.msk [tilespmem:v6+s23+$0x60 ss:$0x1], $0xffff;
	_ =	sdelay $0x5  }
0x73: {  	vm0 =	vlt.s32 v7, $0x0;
	v8 =	vxor.u32 $0x7FFFFFFF, v7  }
0x74: {  	v7 =	vsel vm0, v8, v7  }
0x75: {  	[tilespmem:v5+s23+$0xFFFFFC60 ss:$0x1] =	vst.idx.msk $0xffff, v7  }
0x76: {  	v7 =	vld.idx.msk [tilespmem:v6+s23+$0x70 ss:$0x1], $0xffff;
	_ =	sdelay $0x5  }
0x77: {  	vm0 =	vlt.s32 v7, $0x0;
	v8 =	vxor.u32 $0x7FFFFFFF, v7  }
0x78: {  	v7 =	vsel vm0, v8, v7  }
0x79: {  	[tilespmem:v5+s23+$0xFFFFFC70 ss:$0x1] =	vst.idx.msk $0xffff, v7  }
0x7a: {  	v7 =	vld.idx.msk [tilespmem:v6+s23+$0x400 ss:$0x1], $0xffff;
	_ =	sdelay $0x5  }
0x7b: {  	vm0 =	vlt.s32 v7, $0x0;
	v8 =	vxor.u32 $0x7FFFFFFF, v7  }
0x7c: {  	v7 =	vsel vm0, v8, v7  }
0x7d: {  	[tilespmem:v5+s23+$0x0 ss:$0x1] =	vst.idx.msk $0xffff, v7  }
0x7e: {  	v7 =	vld.idx.msk [tilespmem:v6+s23+$0x410 ss:$0x1], $0xffff;
	_ =	sdelay $0x5  }
0x7f: {  	vm0 =	vlt.s32 v7, $0x0;
	v8 =	vxor.u32 $0x7FFFFFFF, v7  }
0x80: {  	v7 =	vsel vm0, v8, v7  }
0x81: {  	[tilespmem:v5+s23+$0x10 ss:$0x1] =	vst.idx.msk $0xffff, v7  }
0x82: {  	v7 =	vld.idx.msk [tilespmem:v6+s23+$0x420 ss:$0x1], $0xffff;
	_ =	sdelay $0x5  }
0x83: {  	vm0 =	vlt.s32 v7, $0x0;
	v8 =	vxor.u32 $0x7FFFFFFF, v7  }
0x84: {  	v7 =	vsel vm0, v8, v7  }
0x85: {  	[tilespmem:v5+s23+$0x20 ss:$0x1] =	vst.idx.msk $0xffff, v7  }
0x86: {  	v7 =	vld.idx.msk [tilespmem:v6+s23+$0x430 ss:$0x1], $0xffff;
	_ =	sdelay $0x5  }
0x87: {  	vm0 =	vlt.s32 v7, $0x0;
	v8 =	vxor.u32 $0x7FFFFFFF, v7  }
0x88: {  	v7 =	vsel vm0, v8, v7  }
0x89: {  	[tilespmem:v5+s23+$0x30 ss:$0x1] =	vst.idx.msk $0xffff, v7  }
0x8a: {  	v7 =	vld.idx.msk [tilespmem:v6+s23+$0x440 ss:$0x1], $0xffff;
	_ =	sdelay $0x5  }
0x8b: {  	vm0 =	vlt.s32 v7, $0x0;
	v8 =	vxor.u32 $0x7FFFFFFF, v7  }
0x8c: {  	v7 =	vsel vm0, v8, v7  }
0x8d: {  	[tilespmem:v5+s23+$0x40 ss:$0x1] =	vst.idx.msk $0xffff, v7  }
0x8e: {  	v7 =	vld.idx.msk [tilespmem:v6+s23+$0x450 ss:$0x1], $0xffff;
	_ =	sdelay $0x5  }
0x8f: {  	vm0 =	vlt.s32 v7, $0x0;
	v8 =	vxor.u32 $0x7FFFFFFF, v7  }
0x90: {  	v7 =	vsel vm0, v8, v7  }
0x91: {  	[tilespmem:v5+s23+$0x50 ss:$0x1] =	vst.idx.msk $0xffff, v7  }
0x92: {  	v7 =	vld.idx.msk [tilespmem:v6+s23+$0x460 ss:$0x1], $0xffff;
	_ =	sdelay $0x5  }
0x93: {  	vm0 =	vlt.s32 v7, $0x0;
	v8 =	vxor.u32 $0x7FFFFFFF, v7  }
0x94: {  	v7 =	vsel vm0, v8, v7  }
0x95: {  	[tilespmem:v5+s23+$0x60 ss:$0x1] =	vst.idx.msk $0xffff, v7  }
0x96: {  	v7 =	vld.idx.msk [tilespmem:v6+s23+$0x470 ss:$0x1], $0xffff;
	_ =	sdelay $0x2  }
.Ltmp0:
0x97: {  	(pc) =	sbr.rel @p0 .LBB2_4-.Ltmp0, $3  }
0x98: {  	_ =	sdelay $0x1  }
0x99: {  	vm0 =	vlt.s32 v7, $0x0;
	v8 =	vxor.u32 $0x7FFFFFFF, v7  }
0x9a: {  	v7 =	vsel vm0, v8, v7  }
0x9b: {  	_ =	sdelay $0x3  }
0x9c: {  	s24 =	sshra.s32 s24, $0x2;
	[tilespmem:v5+s23+$0x70 ss:$0x1] =	vst.idx.msk $0xffff, v7  }
0x9d: {  	v7 =	vld.idx.msk [tilespmem:v6+s24+$0x0 ss:$0x1], $0xffff;
	_ =	sdelay $0x4  }
0x9e: {  	vm0 =	vlt.s32 v7, $0x0;
	v8 =	vxor.u32 $0x7FFFFFFF, v7  }
0x9f: {  	v7 =	vsel vm0, v8, v7  }
0xa0: {  	[tilespmem:v5+s24+$0xFFFFFC00 ss:$0x1] =	vst.idx.msk $0xffff, v7  }
0xa1: {  	v7 =	vld.idx.msk [tilespmem:v6+s24+$0x10 ss:$0x1], $0xffff;
	_ =	sdelay $0x4  }
0xa2: {  	vm13 =	vlt.s32 v7, $0x0;
	v50 =	vxor.u32 $0x7FFFFFFF, v7  }
0xa3: {  	v7 =	vsel vm13, v50, v7  }
0xa4: {  	[tilespmem:v5+s24+$0xFFFFFC10 ss:$0x1] =	vst.idx.msk $0xffff, v7  }
0xa5: {  	v7 =	vld.idx.msk [tilespmem:v6+s24+$0x20 ss:$0x1], $0xffff;
	_ =	sdelay $0x4  }
0xa6: {  	vm14 =	vlt.s32 v7, $0x0;
	v51 =	vxor.u32 $0x7FFFFFFF, v7  }
0xa7: {  	v7 =	vsel vm14, v51, v7  }
0xa8: {  	[tilespmem:v5+s24+$0xFFFFFC20 ss:$0x1] =	vst.idx.msk $0xffff, v7  }
0xa9: {  	v7 =	vld.idx.msk [tilespmem:v6+s24+$0x30 ss:$0x1], $0xffff;
	_ =	sdelay $0x4  }
0xaa: {  	vm15 =	vlt.s32 v7, $0x0;
	v52 =	vxor.u32 $0x7FFFFFFF, v7  }
0xab: {  	v7 =	vsel vm15, v52, v7  }
0xac: {  	[tilespmem:v5+s24+$0xFFFFFC30 ss:$0x1] =	vst.idx.msk $0xffff, v7  }
0xad: {  	v7 =	vld.idx.msk [tilespmem:v6+s24+$0x40 ss:$0x1], $0xffff;
	_ =	sdelay $0x4  }
0xae: {  	vm4 =	vlt.s32 v7, $0x0;
	v53 =	vxor.u32 $0x7FFFFFFF, v7  }
0xaf: {  	v7 =	vsel vm4, v53, v7  }
0xb0: {  	[tilespmem:v5+s24+$0xFFFFFC40 ss:$0x1] =	vst.idx.msk $0xffff, v7  }
0xb1: {  	v7 =	vld.idx.msk [tilespmem:v6+s24+$0x50 ss:$0x1], $0xffff;
	_ =	sdelay $0x4  }
0xb2: {  	vm5 =	vlt.s32 v7, $0x0;
	v54 =	vxor.u32 $0x7FFFFFFF, v7  }
0xb3: {  	v7 =	vsel vm5, v54, v7  }
0xb4: {  	[tilespmem:v5+s24+$0xFFFFFC50 ss:$0x1] =	vst.idx.msk $0xffff, v7  }
0xb5: {  	v7 =	vld.idx.msk [tilespmem:v6+s24+$0x60 ss:$0x1], $0xffff;
	_ =	sdelay $0x4  }
0xb6: {  	vm6 =	vlt.s32 v7, $0x0;
	v55 =	vxor.u32 $0x7FFFFFFF, v7  }
0xb7: {  	v7 =	vsel vm6, v55, v7  }
0xb8: {  	[tilespmem:v5+s24+$0xFFFFFC60 ss:$0x1] =	vst.idx.msk $0xffff, v7  }
0xb9: {  	v7 =	vld.idx.msk [tilespmem:v6+s24+$0x70 ss:$0x1], $0xffff;
	_ =	sdelay $0x4  }
0xba: {  	vm7 =	vlt.s32 v7, $0x0;
	v56 =	vxor.u32 $0x7FFFFFFF, v7  }
0xbb: {  	v7 =	vsel vm7, v56, v7  }
0xbc: {  	[tilespmem:v5+s24+$0xFFFFFC70 ss:$0x1] =	vst.idx.msk $0xffff, v7  }
0xbd: {  	v7 =	vld.idx.msk [tilespmem:v6+s24+$0x400 ss:$0x1], $0xffff;
	_ =	sdelay $0x4  }
0xbe: {  	vm8 =	vlt.s32 v7, $0x0;
	v57 =	vxor.u32 $0x7FFFFFFF, v7  }
0xbf: {  	v7 =	vsel vm8, v57, v7  }
0xc0: {  	[tilespmem:v5+s24+$0x0 ss:$0x1] =	vst.idx.msk $0xffff, v7  }
0xc1: {  	v7 =	vld.idx.msk [tilespmem:v6+s24+$0x410 ss:$0x1], $0xffff;
	_ =	sdelay $0x4  }
0xc2: {  	vm9 =	vlt.s32 v7, $0x0;
	v58 =	vxor.u32 $0x7FFFFFFF, v7  }
0xc3: {  	v7 =	vsel vm9, v58, v7  }
0xc4: {  	[tilespmem:v5+s24+$0x10 ss:$0x1] =	vst.idx.msk $0xffff, v7  }
0xc5: {  	v7 =	vld.idx.msk [tilespmem:v6+s24+$0x420 ss:$0x1], $0xffff;
	_ =	sdelay $0x4  }
0xc6: {  	vm10 =	vlt.s32 v7, $0x0;
	v59 =	vxor.u32 $0x7FFFFFFF, v7  }
0xc7: {  	v7 =	vsel vm10, v59, v7  }
0xc8: {  	[tilespmem:v5+s24+$0x20 ss:$0x1] =	vst.idx.msk $0xffff, v7  }
0xc9: {  	v7 =	vld.idx.msk [tilespmem:v6+s24+$0x430 ss:$0x1], $0xffff;
	_ =	sdelay $0x4  }
0xca: {  	vm11 =	vlt.s32 v7, $0x0;
	v60 =	vxor.u32 $0x7FFFFFFF, v7  }
0xcb: {  	v7 =	vsel vm11, v60, v7  }
0xcc: {  	[tilespmem:v5+s24+$0x30 ss:$0x1] =	vst.idx.msk $0xffff, v7  }
0xcd: {  	v7 =	vld.idx.msk [tilespmem:v6+s24+$0x440 ss:$0x1], $0xffff;
	_ =	sdelay $0x4  }
0xce: {  	vm12 =	vlt.s32 v7, $0x0;
	v61 =	vxor.u32 $0x7FFFFFFF, v7  }
0xcf: {  	v7 =	vsel vm12, v61, v7  }
0xd0: {  	[tilespmem:v5+s24+$0x40 ss:$0x1] =	vst.idx.msk $0xffff, v7  }
0xd1: {  	v7 =	vld.idx.msk [tilespmem:v6+s24+$0x450 ss:$0x1], $0xffff;
	_ =	sdelay $0x4  }
0xd2: {  	vm13 =	vlt.s32 v7, $0x0;
	v62 =	vxor.u32 $0x7FFFFFFF, v7  }
0xd3: {  	v7 =	vsel vm13, v62, v7  }
0xd4: {  	[tilespmem:v5+s24+$0x50 ss:$0x1] =	vst.idx.msk $0xffff, v7  }
0xd5: {  	v7 =	vld.idx.msk [tilespmem:v6+s24+$0x460 ss:$0x1], $0xffff;
	_ =	sdelay $0x4  }
0xd6: {  	vm14 =	vlt.s32 v7, $0x0;
	v63 =	vxor.u32 $0x7FFFFFFF, v7  }
0xd7: {  	v7 =	vsel vm14, v63, v7  }
0xd8: {  	[tilespmem:v5+s24+$0x60 ss:$0x1] =	vst.idx.msk $0xffff, v7  }
0xd9: {  	v6 =	vld.idx.msk [tilespmem:v6+s24+$0x470 ss:$0x1], $0xffff  }
0xda: {  	s22 =	sadd.s32 $0x1, s22  }
0xdb: {  	p0 =	sne.s32 s22, $0x8  }
.Ltmp1:
0xdc: {  	_ = 	snop;
	(pc) =	sbr.rel @p0 .LBB2_3-.Ltmp1, $4  }
0xdd: {  	_ = 	snop  }
0xde: {  	vm15 =	vlt.s32 v6, $0x0;
	v7 =	vxor.u32 $0x7FFFFFFF, v6  }
0xdf: {  	v6 =	vsel vm15, v7, v6  }
0xe0: {  	s21 =	sadd.s32 $0x80, s21;
	s20 =	sadd.s32 $0x80, s20;
	[tilespmem:v5+s24+$0x70 ss:$0x1] =	vst.idx.msk $0xffff, v6  }
0xe1: {  	s20 =	sshll.u32 s19, $0x1;
	p0 =	seq.s32 s19, $0x2  }
0xe2: {  	s21 =	sadd.s32 @!p0 s20, s6  }
0xe3: {  	s21 =	sshll.u32 @!p0 s21, $0xC  }
0xe4: {  	s21 =	sand.u32 @!p0 $0x1FFFE000, s21  }
0xe5: {  	s22 =	simm.s32 @!p0 $0x0;
	s21 =	sadd.s32 @!p0 s3, s21  }
0xe6: {  	[tilespmem:s22], [sflag:$0x1] =	stream.linear.gather @!p0 [hbm4b:s21+s22], $0x8000, $0x38;
	[tilespmem:$0x18100] =	vst v63  }
0xe7: {  	v7 =	vimm.s32 $0x0;
	v8 =	vimm.s32 $0x0;
	s21 =	simm.s32 $0x0;
	s22 =	simm.s32 $0x10470  }
.LBB2_7:
0xe8: {  	v5 =	vmov s22;
	_ =	sdelay $0x3  }
0xe9: {  	v6 =	vimm.s32 $0x0;
	s23 =	simm.s32 $0x0  }
.LBB2_8:
0xea: {  	_ =	sdelay $0x2  }
0xeb: {  	s26 =	simm.s32 $0x0  }
0xec: {  	v11 =	vld.idx.msk [tilespmem:v5+s26+$0xFFFFFB90 ss:$0x1], $0xffff  }
0xed: {  	v12 =	vld.idx.msk [tilespmem:v5+s26+$0xFFFFFBA0 ss:$0x1], $0xffff  }
0xee: {  	v13 =	vld.idx.msk [tilespmem:v5+s26+$0xFFFFFBB0 ss:$0x1], $0xffff  }
0xef: {  	s24 =	sshrl.u32 s12, s23;
	v14 =	vld.idx.msk [tilespmem:v5+s26+$0xFFFFFBC0 ss:$0x1], $0xffff  }
0xf0: {  	v9 =	vor.u32 s24, v6;
	v15 =	vld.idx.msk [tilespmem:v5+s26+$0xFFFFFBD0 ss:$0x1], $0xffff  }
0xf1: {  	v16 =	vld.idx.msk [tilespmem:v5+s26+$0xFFFFFBE0 ss:$0x1], $0xffff;
	v10 =	vxor.u32 $0x80000000, v9  }
0xf2: {  	v17 =	vld.idx.msk [tilespmem:v5+s26+$0xFFFFFBF0 ss:$0x1], $0xffff;
	vm0 =	vlt.s32 v11, v10  }
0xf3: {  	v19 =	vld.idx.msk [tilespmem:v5+s26+$0xFFFFFC00 ss:$0x1], $0xffff;
	v11 =	vimm.s32 $0x0;
	v18 =	vsel vm0, $0x1, v3;
	vm0 =	vlt.s32 v12, v10  }
0xf4: {  	v20 =	vld.idx.msk [tilespmem:v5+s26+$0xFFFFFFA0 ss:$0x1], $0xffff;
	v11 =	vadd.s32 v18, v11;
	v12 =	vsel vm0, $0x1, v3;
	vm0 =	vlt.s32 v13, v10  }
0xf5: {  	v18 =	vld.idx.msk [tilespmem:v5+s26+$0xFFFFFF90 ss:$0x1], $0xffff;
	v11 =	vadd.s32 v12, v11;
	v12 =	vsel vm0, $0x1, v3;
	vm0 =	vlt.s32 v14, v10  }
0xf6: {  	v12 =	vadd.s32 v12, v11;
	v13 =	vsel vm0, $0x1, v3;
	vm0 =	vlt.s32 v15, v10;
	v11 =	vld.idx.msk [tilespmem:v5+s26+$0xFFFFFFB0 ss:$0x1], $0xffff  }
0xf7: {  	v13 =	vadd.s32 v13, v12;
	v14 =	vsel vm0, $0x1, v3;
	vm0 =	vlt.s32 v16, v10;
	v12 =	vld.idx.msk [tilespmem:v5+s26+$0xFFFFFFC0 ss:$0x1], $0xffff  }
0xf8: {  	v14 =	vadd.s32 v14, v13;
	v15 =	vsel vm0, $0x1, v3;
	vm0 =	vlt.s32 v17, v10;
	v13 =	vld.idx.msk [tilespmem:v5+s26+$0xFFFFFFD0 ss:$0x1], $0xffff  }
0xf9: {  	v15 =	vadd.s32 v15, v14;
	v16 =	vsel vm0, $0x1, v3;
	vm0 =	vlt.s32 v19, v10;
	v14 =	vld.idx.msk [tilespmem:v5+s26+$0xFFFFFFE0 ss:$0x1], $0xffff  }
0xfa: {  	v16 =	vadd.s32 v16, v15;
	v17 =	vsel vm0, $0x1, v3;
	vm0 =	vlt.s32 v18, v10;
	v15 =	vld.idx.msk [tilespmem:v5+s26+$0xFFFFFFF0 ss:$0x1], $0xffff  }
0xfb: {  	s25 =	simm.s32 $0x4000;
	s24 =	simm.s32 $0x800;
	v17 =	vadd.s32 v17, v16;
	v18 =	vsel vm0, $0x1, v3;
	vm0 =	vlt.s32 v20, v10;
	v16 =	vld.idx.msk [tilespmem:v5+s26+$0x0 ss:$0x1], $0xffff  }
.LBB2_9:
0xfc: {  	p1 =	sne.s32 s25, $0x1E000;
	v19 =	vld.idx.msk [tilespmem:v5+s24+$0xFFFFFB90 ss:$0x1], $0xffff;
	v17 =	vadd.s32 v18, v17;
	v18 =	vsel vm0, $0x1, v3;
	vm0 =	vlt.s32 v11, v10  }
0xfd: {  	v11 =	vld.idx.msk [tilespmem:v5+s24+$0xFFFFFBA0 ss:$0x1], $0xffff;
	v17 =	vadd.s32 v18, v17;
	v18 =	vsel vm0, $0x1, v3;
	vm0 =	vlt.s32 v12, v10  }
0xfe: {  	v12 =	vld.idx.msk [tilespmem:v5+s24+$0xFFFFFBB0 ss:$0x1], $0xffff;
	v17 =	vadd.s32 v18, v17;
	v18 =	vsel vm0, $0x1, v3;
	vm0 =	vlt.s32 v13, v10  }
0xff: {  	v13 =	vld.idx.msk [tilespmem:v5+s24+$0xFFFFFBC0 ss:$0x1], $0xffff;
	v17 =	vadd.s32 v18, v17;
	v18 =	vsel vm0, $0x1, v3;
	vm0 =	vlt.s32 v14, v10  }
0x100: {  	v14 =	vld.idx.msk [tilespmem:v5+s24+$0xFFFFFBD0 ss:$0x1], $0xffff;
	v17 =	vadd.s32 v18, v17;
	v18 =	vsel vm0, $0x1, v3;
	vm0 =	vlt.s32 v15, v10  }
0x101: {  	v15 =	vld.idx.msk [tilespmem:v5+s24+$0xFFFFFBE0 ss:$0x1], $0xffff;
	v17 =	vadd.s32 v18, v17;
	v18 =	vsel vm0, $0x1, v3;
	vm0 =	vlt.s32 v16, v10  }
0x102: {  	vm1 =	vlt.s32 v19, v10;
	v16 =	vld.idx.msk [tilespmem:v5+s24+$0xFFFFFBF0 ss:$0x1], $0xffff;
	v17 =	vadd.s32 v18, v17;
	v18 =	vsel vm0, $0x1, v3  }
0x103: {  	v19 =	vsel vm1, $0x1, v3;
	vm0 =	vlt.s32 v11, v10;
	v20 =	vld.idx.msk [tilespmem:v5+s24+$0xFFFFFC00 ss:$0x1], $0xffff;
	v11 =	vadd.s32 v18, v17  }
0x104: {  	v17 =	vsel vm0, $0x1, v3;
	vm0 =	vlt.s32 v12, v10;
	v11 =	vadd.s32 v19, v11;
	v18 =	vld.idx.msk [tilespmem:v5+s24+$0xFFFFFF90 ss:$0x1], $0xffff  }
0x105: {  	v12 =	vsel vm0, $0x1, v3;
	vm0 =	vlt.s32 v13, v10;
	v11 =	vadd.s32 v17, v11;
	v19 =	vld.idx.msk [tilespmem:v5+s24+$0xFFFFFFA0 ss:$0x1], $0xffff  }
0x106: {  	v13 =	vsel vm0, $0x1, v3;
	vm0 =	vlt.s32 v14, v10;
	v12 =	vadd.s32 v12, v11;
	v11 =	vld.idx.msk [tilespmem:v5+s24+$0xFFFFFFB0 ss:$0x1], $0xffff  }
.Ltmp2:
0x107: {  	v14 =	vsel vm0, $0x1, v3;
	vm0 =	vlt.s32 v15, v10;
	v13 =	vadd.s32 v13, v12;
	v12 =	vld.idx.msk [tilespmem:v5+s24+$0xFFFFFFC0 ss:$0x1], $0xffff;
	(pc) =	sbr.rel @p1 .LBB2_9-.Ltmp2, $4  }
0x108: {  	v15 =	vsel vm0, $0x1, v3;
	vm0 =	vlt.s32 v16, v10;
	v14 =	vadd.s32 v14, v13;
	v13 =	vld.idx.msk [tilespmem:v5+s24+$0xFFFFFFD0 ss:$0x1], $0xffff  }
0x109: {  	v16 =	vsel vm0, $0x1, v3;
	vm0 =	vlt.s32 v20, v10;
	v15 =	vadd.s32 v15, v14;
	v14 =	vld.idx.msk [tilespmem:v5+s24+$0xFFFFFFE0 ss:$0x1], $0xffff  }
0x10a: {  	v17 =	vsel vm0, $0x1, v3;
	vm0 =	vlt.s32 v18, v10;
	v16 =	vadd.s32 v16, v15;
	v15 =	vld.idx.msk [tilespmem:v5+s24+$0xFFFFFFF0 ss:$0x1], $0xffff  }
0x10b: {  	v18 =	vsel vm0, $0x1, v3;
	vm0 =	vlt.s32 v19, v10;
	v17 =	vadd.s32 v17, v16;
	v16 =	vld.idx.msk [tilespmem:v5+s24+$0x0 ss:$0x1], $0xffff;
	s24 =	sshra.s32 s25, $0x2;
	s25 =	sadd.s32 $0x2000, s25  }
0x10c: {  	_ =	sdelay $0x2  }
0x10d: {  	v17 =	vadd.s32 v18, v17;
	v30 =	vsel vm0, $0x1, v3;
	vm6 =	vlt.s32 v11, v10  }
0x10e: {  	v11 =	vld.idx.msk [tilespmem:v5+s24+$0xFFFFFB90 ss:$0x1], $0xffff;
	vm7 =	vlt.s32 v12, v10;
	v17 =	vadd.s32 v30, v17;
	v31 =	vsel vm6, $0x1, v3  }
0x10f: {  	v32 =	vld.idx.msk [tilespmem:v5+s24+$0xFFFFFBA0 ss:$0x1], $0xffff;
	v33 =	vsel vm7, $0x1, v3;
	vm8 =	vlt.s32 v13, v10;
	v17 =	vadd.s32 v31, v17  }
0x110: {  	v34 =	vld.idx.msk [tilespmem:v5+s24+$0xFFFFFBB0 ss:$0x1], $0xffff;
	v35 =	vsel vm8, $0x1, v3;
	vm9 =	vlt.s32 v14, v10;
	v17 =	vadd.s32 v33, v17  }
0x111: {  	v36 =	vld.idx.msk [tilespmem:v5+s24+$0xFFFFFBC0 ss:$0x1], $0xffff;
	v37 =	vsel vm9, $0x1, v3;
	vm10 =	vlt.s32 v15, v10;
	v17 =	vadd.s32 v35, v17  }
0x112: {  	v38 =	vld.idx.msk [tilespmem:v5+s24+$0xFFFFFBD0 ss:$0x1], $0xffff;
	v39 =	vsel vm10, $0x1, v3;
	vm11 =	vlt.s32 v16, v10;
	v17 =	vadd.s32 v37, v17  }
0x113: {  	v40 =	vld.idx.msk [tilespmem:v5+s24+$0xFFFFFBE0 ss:$0x1], $0xffff;
	vm1 =	vlt.s32 v11, v10;
	v41 =	vsel vm11, $0x1, v3;
	v11 =	vadd.s32 v39, v17  }
0x114: {  	v42 =	vld.idx.msk [tilespmem:v5+s24+$0xFFFFFBF0 ss:$0x1], $0xffff;
	vm12 =	vlt.s32 v32, v10;
	v19 =	vsel vm1, $0x1, v3;
	v11 =	vadd.s32 v41, v11  }
0x115: {  	v43 =	vld.idx.msk [tilespmem:v5+s24+$0xFFFFFC00 ss:$0x1], $0xffff;
	vm13 =	vlt.s32 v34, v10;
	v44 =	vsel vm12, $0x1, v3;
	v11 =	vadd.s32 v19, v11  }
0x116: {  	v45 =	vld.idx.msk [tilespmem:v5+s24+$0xFFFFFF90 ss:$0x1], $0xffff;
	vm14 =	vlt.s32 v36, v10;
	v46 =	vsel vm13, $0x1, v3;
	v11 =	vadd.s32 v44, v11  }
0x117: {  	v47 =	vld.idx.msk [tilespmem:v5+s24+$0xFFFFFFA0 ss:$0x1], $0xffff;
	vm15 =	vlt.s32 v38, v10;
	v48 =	vsel vm14, $0x1, v3;
	v11 =	vadd.s32 v46, v11  }
0x118: {  	v49 =	vld.idx.msk [tilespmem:v5+s24+$0xFFFFFFB0 ss:$0x1], $0xffff;
	vm4 =	vlt.s32 v40, v10;
	v50 =	vsel vm15, $0x1, v3;
	v11 =	vadd.s32 v48, v11  }
0x119: {  	v51 =	vld.idx.msk [tilespmem:v5+s24+$0xFFFFFFC0 ss:$0x1], $0xffff;
	vm5 =	vlt.s32 v42, v10;
	v52 =	vsel vm4, $0x1, v3;
	v11 =	vadd.s32 v50, v11  }
0x11a: {  	v53 =	vld.idx.msk [tilespmem:v5+s24+$0xFFFFFFD0 ss:$0x1], $0xffff;
	vm6 =	vlt.s32 v43, v10;
	v54 =	vsel vm5, $0x1, v3;
	v11 =	vadd.s32 v52, v11  }
0x11b: {  	v55 =	vld.idx.msk [tilespmem:v5+s24+$0xFFFFFFE0 ss:$0x1], $0xffff;
	vm7 =	vlt.s32 v45, v10;
	v56 =	vsel vm6, $0x1, v3;
	v11 =	vadd.s32 v54, v11  }
0x11c: {  	v57 =	vld.idx.msk [tilespmem:v5+s24+$0xFFFFFFF0 ss:$0x1], $0xffff;
	vm8 =	vlt.s32 v47, v10;
	v58 =	vsel vm7, $0x1, v3;
	v11 =	vadd.s32 v56, v11  }
0x11d: {  	v59 =	vld.idx.msk [tilespmem:v5+s24+$0x0 ss:$0x1], $0xffff;
	vm9 =	vlt.s32 v49, v10;
	v60 =	vsel vm8, $0x1, v3;
	v11 =	vadd.s32 v58, v11  }
0x11e: {  	vm10 =	vlt.s32 v51, v10;
	v15 =	vsel vm9, $0x1, v3;
	v11 =	vadd.s32 v60, v11  }
0x11f: {  	vm11 =	vlt.s32 v53, v10;
	v61 =	vsel vm10, $0x1, v3;
	v11 =	vadd.s32 v15, v11  }
0x120: {  	v62 =	vsel vm11, $0x1, v3;
	vm12 =	vlt.s32 v55, v10;
	v11 =	vadd.s32 v61, v11  }
0x121: {  	vm13 =	vlt.s32 v57, v10;
	v12 =	vsel vm12, $0x1, v3;
	v11 =	vadd.s32 v62, v11  }
0x122: {  	vm14 =	vlt.s32 v59, v10;
	v63 =	vsel vm13, $0x1, v3;
	v11 =	vadd.s32 v12, v11  }
0x123: {  	v10 =	vadd.s32 v63, v11;
	v11 =	vsel vm14, $0x1, v3  }
0x124: {  	v10 =	vadd.s32 v11, v10  }
0x125: {  	v11 =	vperm.xlane v10, v0;
	_ =	sdelay $0x1  }
0x126: {  	v10 =	vadd.s32 v10, v11  }
0x127: {  	v11 =	vperm.xlane v10, v1  }
0x128: {  	s23 =	sadd.s32 $0x1, s23  }
0x129: {  	p1 =	sne.s32 s23, $0x20;
	v10 =	vadd.s32 v11, v10  }
.Ltmp3:
0x12a: {  	v11 =	vperm.xlane v10, v2;
	(pc) =	sbr.rel @p1 .LBB2_8-.Ltmp3, $4  }
0x12b: {  	_ = 	snop  }
0x12c: {  	v10 =	vadd.s32 v11, v10  }
0x12d: {  	vm15 =	vlt.s32 v10, $0x400  }
0x12e: {  	v6 =	vsel vm15, v9, v6  }
0x12f: {  	_ =	sdelay $0x2  }
0x130: {  	s23 =	simm.s32 $0x0  }
0x131: {  	v10 =	vld.idx.msk [tilespmem:v5+s23+$0xFFFFFB90 ss:$0x1], $0xffff;
	_ =	sdelay $0x2  }
0x132: {  	v11 =	vld.idx.msk [tilespmem:v5+s23+$0xFFFFFBA0 ss:$0x1], $0xffff  }
0x133: {  	v12 =	vimm.s32 $0x7FFFFFFF  }
0x134: {  	v9 =	vxor.u32 $0x80000000, v6;
	vm0 =	vlt.s32 v12, v10  }
0x135: {  	v6 =	vld.idx.msk [tilespmem:v5+s23+$0xFFFFFBB0 ss:$0x1], $0xffff;
	vm5 =	vle.s32 v10, v9;
	v10 =	vsel vm0, v12, v10  }
0x136: {  	v10 =	vsel vm5, v12, v10  }
0x137: {  	vm0 =	vlt.s32 v10, v11  }
0x138: {  	vm6 =	vle.s32 v11, v9;
	v12 =	vld.idx.msk [tilespmem:v5+s23+$0xFFFFFBC0 ss:$0x1], $0xffff;
	v11 =	vsel vm0, v10, v11  }
0x139: {  	v10 =	vsel vm6, v10, v11  }
0x13a: {  	vm0 =	vlt.s32 v10, v6  }
0x13b: {  	vm7 =	vle.s32 v6, v9;
	v11 =	vld.idx.msk [tilespmem:v5+s23+$0xFFFFFBD0 ss:$0x1], $0xffff;
	v6 =	vsel vm0, v10, v6  }
0x13c: {  	v6 =	vsel vm7, v10, v6  }
0x13d: {  	vm0 =	vlt.s32 v6, v12  }
0x13e: {  	vm8 =	vle.s32 v12, v9;
	v10 =	vld.idx.msk [tilespmem:v5+s23+$0xFFFFFBE0 ss:$0x1], $0xffff;
	v12 =	vsel vm0, v6, v12  }
0x13f: {  	v6 =	vsel vm8, v6, v12  }
0x140: {  	vm0 =	vlt.s32 v6, v11  }
0x141: {  	vm9 =	vle.s32 v11, v9;
	v12 =	vld.idx.msk [tilespmem:v5+s23+$0xFFFFFBF0 ss:$0x1], $0xffff;
	v11 =	vsel vm0, v6, v11  }
0x142: {  	v6 =	vsel vm9, v6, v11  }
0x143: {  	vm0 =	vlt.s32 v6, v10  }
0x144: {  	vm10 =	vle.s32 v10, v9;
	v11 =	vld.idx.msk [tilespmem:v5+s23+$0xFFFFFC00 ss:$0x1], $0xffff;
	v10 =	vsel vm0, v6, v10  }
0x145: {  	v13 =	vsel vm10, v6, v10  }
0x146: {  	v14 =	vld.idx.msk [tilespmem:v5+s23+$0xFFFFFF90 ss:$0x1], $0xffff;
	vm0 =	vlt.s32 v13, v12  }
0x147: {  	v15 =	vld.idx.msk [tilespmem:v5+s23+$0xFFFFFFA0 ss:$0x1], $0xffff;
	vm11 =	vle.s32 v12, v9;
	v12 =	vsel vm0, v13, v12  }
0x148: {  	v16 =	vld.idx.msk [tilespmem:v5+s23+$0xFFFFFFD0 ss:$0x1], $0xffff;
	v12 =	vsel vm11, v13, v12  }
0x149: {  	v17 =	vld.idx.msk [tilespmem:v5+s23+$0xFFFFFFB0 ss:$0x1], $0xffff;
	vm0 =	vlt.s32 v12, v11  }
0x14a: {  	v6 =	vld.idx.msk [tilespmem:v5+s23+$0x0 ss:$0x1], $0xffff;
	vm12 =	vle.s32 v11, v9;
	v11 =	vsel vm0, v12, v11  }
0x14b: {  	v10 =	vld.idx.msk [tilespmem:v5+s23+$0xFFFFFFF0 ss:$0x1], $0xffff;
	v11 =	vsel vm12, v12, v11  }
0x14c: {  	v13 =	vld.idx.msk [tilespmem:v5+s23+$0xFFFFFFE0 ss:$0x1], $0xffff;
	vm0 =	vlt.s32 v11, v14  }
0x14d: {  	vm13 =	vle.s32 v14, v9;
	v12 =	vld.idx.msk [tilespmem:v5+s23+$0xFFFFFFC0 ss:$0x1], $0xffff;
	v14 =	vsel vm0, v11, v14  }
0x14e: {  	v11 =	vsel vm13, v11, v14  }
0x14f: {  	vm14 =	vle.s32 v15, v9;
	vm0 =	vlt.s32 v11, v15  }
0x150: {  	vm3 =	vle.s32 v16, v9;
	vm1 =	vle.s32 v10, v9;
	v15 =	vsel vm0, v11, v15  }
0x151: {  	vm2 =	vle.s32 v13, v9;
	v14 =	vimm.s32 $0x0;
	v11 =	vsel vm14, v11, v15  }
0x152: {  	vm0 =	vle.s32 v6, v9;
	vm4 =	vle.s32 v12, v9;
	vm15 =	vlt.s32 v11, v17  }
0x153: {  	v15 =	vsel vm5, $0x1, v3;
	vm5 =	vle.s32 v17, v9;
	v17 =	vsel vm15, v11, v17  }
0x154: {  	v14 =	vadd.s32 v15, v14;
	v15 =	vsel vm6, $0x1, v3;
	v11 =	vsel vm5, v11, v17  }
0x155: {  	v14 =	vadd.s32 v15, v14;
	v15 =	vsel vm7, $0x1, v3;
	vm6 =	vlt.s32 v11, v12  }
0x156: {  	v14 =	vadd.s32 v15, v14;
	v15 =	vsel vm8, $0x1, v3;
	v12 =	vsel vm6, v11, v12  }
0x157: {  	v14 =	vadd.s32 v15, v14;
	v15 =	vsel vm9, $0x1, v3;
	v11 =	vsel vm4, v11, v12  }
0x158: {  	v12 =	vadd.s32 v15, v14;
	v14 =	vsel vm10, $0x1, v3;
	vm6 =	vlt.s32 v11, v16  }
0x159: {  	v12 =	vadd.s32 v14, v12;
	v14 =	vsel vm11, $0x1, v3;
	v15 =	vsel vm6, v11, v16  }
0x15a: {  	v12 =	vadd.s32 v14, v12;
	v14 =	vsel vm12, $0x1, v3;
	v15 =	vsel vm3, v11, v15  }
0x15b: {  	v11 =	vadd.s32 v14, v12;
	v12 =	vsel vm13, $0x1, v3;
	vm6 =	vlt.s32 v15, v13  }
0x15c: {  	v11 =	vadd.s32 v12, v11;
	v12 =	vsel vm14, $0x1, v3;
	v13 =	vsel vm6, v15, v13  }
0x15d: {  	s24 =	simm.s32 $0x4000;
	s23 =	simm.s32 $0x800;
	v11 =	vadd.s32 v12, v11;
	v12 =	vsel vm5, $0x1, v3;
	v13 =	vsel vm2, v15, v13  }
.LBB2_12:
0x15e: {  	p1 =	sne.s32 s24, $0x1E000;
	v14 =	vld.idx.msk [tilespmem:v5+s23+$0xFFFFFB90 ss:$0x1], $0xffff;
	v11 =	vadd.s32 v12, v11;
	v12 =	vsel vm4, $0x1, v3;
	vm4 =	vlt.s32 v13, v10  }
0x15f: {  	v11 =	vadd.s32 v12, v11;
	v12 =	vsel vm3, $0x1, v3;
	v10 =	vsel vm4, v13, v10  }
0x160: {  	v11 =	vadd.s32 v12, v11;
	v12 =	vsel vm2, $0x1, v3;
	v10 =	vsel vm1, v13, v10  }
0x161: {  	v13 =	vld.idx.msk [tilespmem:v5+s23+$0xFFFFFBA0 ss:$0x1], $0xffff;
	v11 =	vadd.s32 v12, v11;
	v12 =	vsel vm1, $0x1, v3;
	vm1 =	vlt.s32 v10, v6  }
0x162: {  	v11 =	vadd.s32 v12, v11;
	v12 =	vsel vm0, $0x1, v3;
	v6 =	vsel vm1, v10, v6  }
0x163: {  	v11 =	vadd.s32 v12, v11;
	v6 =	vsel vm0, v10, v6  }
0x164: {  	vm0 =	vlt.s32 v6, v14;
	v10 =	vld.idx.msk [tilespmem:v5+s23+$0xFFFFFBB0 ss:$0x1], $0xffff  }
0x165: {  	vm5 =	vle.s32 v14, v9;
	v12 =	vsel vm0, v6, v14  }
0x166: {  	v6 =	vsel vm5, v6, v12  }
0x167: {  	vm0 =	vlt.s32 v6, v13;
	v12 =	vld.idx.msk [tilespmem:v5+s23+$0xFFFFFBC0 ss:$0x1], $0xffff  }
0x168: {  	vm6 =	vle.s32 v13, v9;
	v13 =	vsel vm0, v6, v13  }
0x169: {  	v6 =	vsel vm6, v6, v13  }
0x16a: {  	vm0 =	vlt.s32 v6, v10;
	v13 =	vld.idx.msk [tilespmem:v5+s23+$0xFFFFFBD0 ss:$0x1], $0xffff  }
0x16b: {  	vm7 =	vle.s32 v10, v9;
	v10 =	vsel vm0, v6, v10  }
0x16c: {  	v6 =	vsel vm7, v6, v10  }
0x16d: {  	vm0 =	vlt.s32 v6, v12;
	v10 =	vld.idx.msk [tilespmem:v5+s23+$0xFFFFFBE0 ss:$0x1], $0xffff  }
0x16e: {  	vm8 =	vle.s32 v12, v9;
	v12 =	vsel vm0, v6, v12  }
0x16f: {  	v6 =	vsel vm8, v6, v12  }
0x170: {  	vm0 =	vlt.s32 v6, v13;
	v12 =	vld.idx.msk [tilespmem:v5+s23+$0xFFFFFBF0 ss:$0x1], $0xffff  }
0x171: {  	vm9 =	vle.s32 v13, v9;
	v13 =	vsel vm0, v6, v13  }
0x172: {  	v6 =	vsel vm9, v6, v13  }
0x173: {  	vm0 =	vlt.s32 v6, v10;
	v13 =	vld.idx.msk [tilespmem:v5+s23+$0xFFFFFC00 ss:$0x1], $0xffff  }
0x174: {  	vm10 =	vle.s32 v10, v9;
	v10 =	vsel vm0, v6, v10  }
0x175: {  	v14 =	vsel vm10, v6, v10;
	v6 =	vld.idx.msk [tilespmem:v5+s23+$0x0 ss:$0x1], $0xffff  }
0x176: {  	vm0 =	vlt.s32 v14, v12;
	v15 =	vld.idx.msk [tilespmem:v5+s23+$0xFFFFFF90 ss:$0x1], $0xffff  }
0x177: {  	vm11 =	vle.s32 v12, v9;
	v12 =	vsel vm0, v14, v12;
	v10 =	vld.idx.msk [tilespmem:v5+s23+$0xFFFFFFF0 ss:$0x1], $0xffff  }
0x178: {  	v12 =	vsel vm11, v14, v12;
	v14 =	vld.idx.msk [tilespmem:v5+s23+$0xFFFFFFE0 ss:$0x1], $0xffff  }
0x179: {  	vm0 =	vlt.s32 v12, v13;
	v16 =	vld.idx.msk [tilespmem:v5+s23+$0xFFFFFFA0 ss:$0x1], $0xffff  }
0x17a: {  	vm12 =	vle.s32 v13, v9;
	v13 =	vsel vm0, v12, v13;
	v17 =	vld.idx.msk [tilespmem:v5+s23+$0xFFFFFFD0 ss:$0x1], $0xffff  }
0x17b: {  	v12 =	vsel vm12, v12, v13;
	v13 =	vld.idx.msk [tilespmem:v5+s23+$0xFFFFFFC0 ss:$0x1], $0xffff  }
0x17c: {  	vm0 =	vlt.s32 v12, v15;
	v18 =	vld.idx.msk [tilespmem:v5+s23+$0xFFFFFFB0 ss:$0x1], $0xffff  }
0x17d: {  	vm13 =	vle.s32 v15, v9;
	v15 =	vsel vm0, v12, v15  }
0x17e: {  	v12 =	vsel vm13, v12, v15  }
0x17f: {  	vm0 =	vlt.s32 v12, v16  }
0x180: {  	vm14 =	vle.s32 v16, v9;
	v15 =	vsel vm0, v12, v16;
	vm0 =	vle.s32 v6, v9  }
0x181: {  	vm1 =	vle.s32 v10, v9;
	vm2 =	vle.s32 v14, v9;
	v12 =	vsel vm14, v12, v15  }
0x182: {  	vm3 =	vle.s32 v17, v9;
	vm4 =	vle.s32 v13, v9;
	vm15 =	vlt.s32 v12, v18  }
0x183: {  	v15 =	vsel vm5, $0x1, v3;
	vm5 =	vle.s32 v18, v9;
	v16 =	vsel vm15, v12, v18  }
0x184: {  	v11 =	vadd.s32 v15, v11;
	v15 =	vsel vm6, $0x1, v3;
	v12 =	vsel vm5, v12, v16  }
0x185: {  	v11 =	vadd.s32 v15, v11;
	v15 =	vsel vm7, $0x1, v3;
	vm6 =	vlt.s32 v12, v13  }
0x186: {  	v11 =	vadd.s32 v15, v11;
	v15 =	vsel vm8, $0x1, v3;
	v13 =	vsel vm6, v12, v13  }
0x187: {  	v11 =	vadd.s32 v15, v11;
	v15 =	vsel vm9, $0x1, v3;
	v12 =	vsel vm4, v12, v13  }
0x188: {  	v11 =	vadd.s32 v15, v11;
	v13 =	vsel vm10, $0x1, v3;
	vm6 =	vlt.s32 v12, v17  }
.Ltmp4:
0x189: {  	v11 =	vadd.s32 v13, v11;
	v13 =	vsel vm11, $0x1, v3;
	v15 =	vsel vm6, v12, v17;
	(pc) =	sbr.rel @p1 .LBB2_12-.Ltmp4, $4  }
0x18a: {  	v11 =	vadd.s32 v13, v11;
	v13 =	vsel vm12, $0x1, v3;
	v15 =	vsel vm3, v12, v15  }
0x18b: {  	v11 =	vadd.s32 v13, v11;
	v12 =	vsel vm13, $0x1, v3;
	vm6 =	vlt.s32 v15, v14  }
0x18c: {  	v11 =	vadd.s32 v12, v11;
	v12 =	vsel vm14, $0x1, v3;
	v13 =	vsel vm6, v15, v14  }
0x18d: {  	s23 =	sshra.s32 s24, $0x2;
	s24 =	sadd.s32 $0x2000, s24;
	v11 =	vadd.s32 v12, v11;
	v12 =	vsel vm5, $0x1, v3;
	v13 =	vsel vm2, v15, v13  }
0x18e: {  	_ =	sdelay $0x2  }
0x18f: {  	vm5 =	vlt.s32 v13, v10  }
0x190: {  	v14 =	vld.idx.msk [tilespmem:v5+s23+$0xFFFFFB90 ss:$0x1], $0xffff;
	v10 =	vsel vm5, v13, v10  }
0x191: {  	v10 =	vsel vm1, v13, v10  }
0x192: {  	vm12 =	vlt.s32 v10, v6  }
0x193: {  	v39 =	vld.idx.msk [tilespmem:v5+s23+$0xFFFFFBA0 ss:$0x1], $0xffff;
	v6 =	vsel vm12, v10, v6  }
0x194: {  	v6 =	vsel vm0, v10, v6  }
0x195: {  	vm6 =	vlt.s32 v6, v14  }
0x196: {  	v10 =	vld.idx.msk [tilespmem:v5+s23+$0xFFFFFBB0 ss:$0x1], $0xffff;
	vm5 =	vle.s32 v14, v9;
	v14 =	vsel vm6, v6, v14  }
0x197: {  	v6 =	vsel vm5, v6, v14  }
0x198: {  	vm7 =	vlt.s32 v6, v39  }
0x199: {  	v40 =	vld.idx.msk [tilespmem:v5+s23+$0xFFFFFBC0 ss:$0x1], $0xffff;
	vm6 =	vle.s32 v39, v9;
	v13 =	vsel vm7, v6, v39  }
0x19a: {  	v6 =	vsel vm6, v6, v13  }
0x19b: {  	vm8 =	vlt.s32 v6, v10  }
0x19c: {  	v41 =	vld.idx.msk [tilespmem:v5+s23+$0xFFFFFBD0 ss:$0x1], $0xffff;
	vm7 =	vle.s32 v10, v9;
	v10 =	vsel vm8, v6, v10  }
0x19d: {  	v6 =	vsel vm7, v6, v10  }
0x19e: {  	vm9 =	vlt.s32 v6, v40  }
0x19f: {  	vm8 =	vle.s32 v40, v9;
	v10 =	vld.idx.msk [tilespmem:v5+s23+$0xFFFFFBE0 ss:$0x1], $0xffff;
	v14 =	vsel vm9, v6, v40  }
0x1a0: {  	v6 =	vsel vm8, v6, v14  }
0x1a1: {  	vm10 =	vlt.s32 v6, v41  }
0x1a2: {  	v42 =	vld.idx.msk [tilespmem:v5+s23+$0xFFFFFBF0 ss:$0x1], $0xffff;
	vm9 =	vle.s32 v41, v9;
	v13 =	vsel vm10, v6, v41  }
0x1a3: {  	v6 =	vsel vm9, v6, v13  }
0x1a4: {  	vm11 =	vlt.s32 v6, v10  }
0x1a5: {  	v43 =	vld.idx.msk [tilespmem:v5+s23+$0xFFFFFC00 ss:$0x1], $0xffff;
	vm10 =	vle.s32 v10, v9;
	v10 =	vsel vm11, v6, v10  }
0x1a6: {  	v6 =	vsel vm10, v6, v10  }
0x1a7: {  	vm12 =	vlt.s32 v6, v42  }
0x1a8: {  	vm11 =	vle.s32 v42, v9;
	v10 =	vld.idx.msk [tilespmem:v5+s23+$0xFFFFFF90 ss:$0x1], $0xffff;
	v14 =	vsel vm12, v6, v42  }
0x1a9: {  	v6 =	vsel vm11, v6, v14  }
0x1aa: {  	vm12 =	vlt.s32 v6, v43  }
0x1ab: {  	v44 =	vsel vm4, $0x1, v3;
	v45 =	vld.idx.msk [tilespmem:v5+s23+$0xFFFFFFA0 ss:$0x1], $0xffff;
	vm4 =	vle.s32 v43, v9;
	v13 =	vsel vm12, v6, v43  }
0x1ac: {  	v15 =	vld.idx.msk [tilespmem:v5+s23+$0xFFFFFFF0 ss:$0x1], $0xffff;
	v6 =	vsel vm4, v6, v13  }
0x1ad: {  	v11 =	vadd.s32 v12, v11;
	v46 =	vsel vm3, $0x1, v3;
	v47 =	vld.idx.msk [tilespmem:v5+s23+$0xFFFFFFE0 ss:$0x1], $0xffff;
	vm13 =	vlt.s32 v6, v10  }
0x1ae: {  	v48 =	vsel vm2, $0x1, v3;
	v16 =	vld.idx.msk [tilespmem:v5+s23+$0xFFFFFFB0 ss:$0x1], $0xffff;
	vm2 =	vle.s32 v10, v9;
	v10 =	vsel vm13, v6, v10  }
0x1af: {  	v49 =	vsel vm1, $0x1, v3;
	v11 =	vadd.s32 v44, v11;
	v6 =	vsel vm2, v6, v10  }
0x1b0: {  	v50 =	vsel vm0, $0x1, v3;
	v11 =	vadd.s32 v46, v11;
	vm14 =	vlt.s32 v6, v45  }
0x1b1: {  	v17 =	vld.idx.msk [tilespmem:v5+s23+$0xFFFFFFC0 ss:$0x1], $0xffff;
	v11 =	vadd.s32 v48, v11;
	vm3 =	vle.s32 v45, v9;
	v14 =	vsel vm14, v6, v45  }
0x1b2: {  	vm1 =	vle.s32 v47, v9;
	vm0 =	vle.s32 v15, v9;
	v6 =	vsel vm3, v6, v14  }
0x1b3: {  	v52 =	vsel vm5, $0x1, v3;
	v53 =	vsel vm6, $0x1, v3;
	vm13 =	vlt.s32 v6, v16  }
0x1b4: {  	v10 =	vadd.s32 v49, v11;
	v11 =	vld.idx.msk [tilespmem:v5+s23+$0xFFFFFFD0 ss:$0x1], $0xffff;
	vm14 =	vle.s32 v16, v9;
	v51 =	vsel vm13, v6, v16  }
0x1b5: {  	v54 =	vsel vm7, $0x1, v3;
	v10 =	vadd.s32 v50, v10;
	v6 =	vsel vm14, v6, v51  }
0x1b6: {  	v56 =	vsel vm8, $0x1, v3;
	v10 =	vadd.s32 v52, v10;
	vm15 =	vlt.s32 v6, v17  }
0x1b7: {  	vm12 =	vle.s32 v17, v9;
	v10 =	vadd.s32 v53, v10;
	v55 =	vsel vm15, v6, v17  }
0x1b8: {  	v57 =	vsel vm9, $0x1, v3;
	v10 =	vadd.s32 v54, v10;
	v6 =	vsel vm12, v6, v55  }
0x1b9: {  	v58 =	vsel vm10, $0x1, v3;
	v10 =	vadd.s32 v56, v10;
	vm8 =	vlt.s32 v6, v11  }
0x1ba: {  	vm13 =	vle.s32 v11, v9;
	v10 =	vadd.s32 v57, v10;
	v11 =	vsel vm8, v6, v11  }
0x1bb: {  	v59 =	vsel vm11, $0x1, v3;
	v10 =	vadd.s32 v58, v10;
	v6 =	vsel vm13, v6, v11  }
0x1bc: {  	v10 =	vadd.s32 v59, v10;
	v11 =	vsel vm4, $0x1, v3;
	vm9 =	vlt.s32 v6, v47  }
0x1bd: {  	v5 =	vld.idx.msk [tilespmem:v5+s23+$0x0 ss:$0x1], $0xffff;
	v10 =	vadd.s32 v11, v10;
	v11 =	vsel vm2, $0x1, v3;
	v12 =	vsel vm9, v6, v47  }
0x1be: {  	v10 =	vadd.s32 v11, v10;
	v11 =	vsel vm3, $0x1, v3;
	v6 =	vsel vm1, v6, v12  }
0x1bf: {  	v10 =	vadd.s32 v11, v10;
	v11 =	vsel vm14, $0x1, v3;
	vm10 =	vlt.s32 v6, v15  }
0x1c0: {  	v10 =	vadd.s32 v11, v10;
	v11 =	vsel vm12, $0x1, v3;
	v12 =	vsel vm10, v6, v15  }
0x1c1: {  	v10 =	vadd.s32 v11, v10;
	v11 =	vsel vm13, $0x1, v3;
	v6 =	vsel vm0, v6, v12  }
0x1c2: {  	v10 =	vadd.s32 v11, v10;
	v11 =	vsel vm1, $0x1, v3;
	vm11 =	vlt.s32 v6, v5  }
0x1c3: {  	vm12 =	vle.s32 v5, v9;
	v10 =	vadd.s32 v11, v10;
	v5 =	vsel vm11, v6, v5  }
0x1c4: {  	v11 =	vsel vm0, $0x1, v3;
	v12 =	vsel vm12, v6, v5;
	v5 =	vand.u32 $0xF, v0  }
0x1c5: {  	v6 =	vadd.s32 v11, v10;
	v10 =	vsel vm12, $0x1, v3;
	v11 =	vperm.xlane v12, v5  }
0x1c6: {  	v10 =	vadd.s32 v10, v6  }
0x1c7: {  	v60 =	vperm.xlane v10, v5;
	vm13 =	vlt.s32 v12, v11  }
0x1c8: {  	v6 =	vand.u32 $0xF, v1;
	v11 =	vsel vm13, v12, v11  }
0x1c9: {  	v10 =	vadd.s32 v10, v60;
	v12 =	vperm.xlane v11, v6  }
0x1ca: {  	v13 =	vperm.xlane v10, v6  }
0x1cb: {  	vm0 =	vlt.s32 v11, v12  }
0x1cc: {  	v63 =	vmov s21;
	s21 =	sadd.s32 $0x1, s21;
	v10 =	vadd.s32 v13, v10;
	v11 =	vsel vm0, v11, v12  }
0x1cd: {  	p1 =	sne.s32 s21, $0x8;
	v61 =	vperm.xlane v10, v2;
	v62 =	vperm.xlane v11, v2  }
.Ltmp5:
0x1ce: {  	_ = 	snop;
	(pc) =	sbr.rel @p1 .LBB2_7-.Ltmp5, $4  }
0x1cf: {  	v10 =	vadd.s32 v61, v10;
	vm0 =	vlt.s32 v11, v62  }
0x1d0: {  	vm14 =	vgt.s32 v10, $0x400;
	v11 =	vsel vm0, v11, v62  }
0x1d1: {  	vm15 =	veq.s32 v63, v4;
	v10 =	vsel vm14, v9, v11  }
0x1d2: {  	s22 =	sadd.s32 $0x80, s22;
	v8 =	vsel vm15, v9, v8;
	v7 =	vsel vm15, v10, v7  }
0x1d3: {  	s21 =	sshll.u32 s19, $0x6  }
0x1d4: {  	s21 =	sand.u32 $0x3FFFFFC0, s21  }
0x1d5: {  	[tilespmem:s21+$0x18000] =	vst v8  }
0x1d6: {  	[tilespmem:s21+$0x18010] =	vst v7  }
0x1d7: {  	_ =	swait.ge [sflag:s13], $0x8000  }
0x1d8: {  	s22 =	simm.s32 $0x0;
	[sflag:s13] =	ssyncset.done $0x0  }
0x1d9: {  	s23 =	simm.s32 $0x10400;
	s24 =	simm.s32 $0x8000;
	[sflag:s13] =	ssyncadd.s32 $0xFFFF8000  }
.LBB2_15:
0x1da: {  	v8 =	vmov s24;
	_ =	sdelay $0x3  }
0x1db: {  	s25 =	simm.s32 $0x0  }
0x1dc: {  	v9 =	vld.idx.msk [tilespmem:v8+s25+$0x0 ss:$0x1], $0xffff;
	_ =	sdelay $0x1  }
0x1dd: {  	v7 =	vmov s23;
	_ =	sdelay $0x2  }
0x1de: {  	vm0 =	vlt.s32 v9, $0x0;
	v10 =	vxor.u32 $0x7FFFFFFF, v9  }
0x1df: {  	v9 =	vsel vm0, v10, v9  }
0x1e0: {  	[tilespmem:v7+s25+$0xFFFFFC00 ss:$0x1] =	vst.idx.msk $0xffff, v9  }
0x1e1: {  	v9 =	vld.idx.msk [tilespmem:v8+s25+$0x10 ss:$0x1], $0xffff;
	_ =	sdelay $0x4  }
0x1e2: {  	vm13 =	vlt.s32 v9, $0x0;
	v10 =	vxor.u32 $0x7FFFFFFF, v9  }
0x1e3: {  	v9 =	vsel vm13, v10, v9  }
0x1e4: {  	[tilespmem:v7+s25+$0xFFFFFC10 ss:$0x1] =	vst.idx.msk $0xffff, v9  }
0x1e5: {  	v9 =	vld.idx.msk [tilespmem:v8+s25+$0x20 ss:$0x1], $0xffff;
	_ =	sdelay $0x4  }
0x1e6: {  	vm14 =	vlt.s32 v9, $0x0;
	v10 =	vxor.u32 $0x7FFFFFFF, v9  }
0x1e7: {  	v9 =	vsel vm14, v10, v9  }
0x1e8: {  	[tilespmem:v7+s25+$0xFFFFFC20 ss:$0x1] =	vst.idx.msk $0xffff, v9  }
0x1e9: {  	v9 =	vld.idx.msk [tilespmem:v8+s25+$0x30 ss:$0x1], $0xffff;
	_ =	sdelay $0x4  }
0x1ea: {  	vm15 =	vlt.s32 v9, $0x0;
	v10 =	vxor.u32 $0x7FFFFFFF, v9  }
0x1eb: {  	v9 =	vsel vm15, v10, v9  }
0x1ec: {  	[tilespmem:v7+s25+$0xFFFFFC30 ss:$0x1] =	vst.idx.msk $0xffff, v9  }
0x1ed: {  	v9 =	vld.idx.msk [tilespmem:v8+s25+$0x40 ss:$0x1], $0xffff;
	_ =	sdelay $0x4  }
0x1ee: {  	vm4 =	vlt.s32 v9, $0x0;
	v10 =	vxor.u32 $0x7FFFFFFF, v9  }
0x1ef: {  	v9 =	vsel vm4, v10, v9  }
0x1f0: {  	[tilespmem:v7+s25+$0xFFFFFC40 ss:$0x1] =	vst.idx.msk $0xffff, v9  }
0x1f1: {  	v9 =	vld.idx.msk [tilespmem:v8+s25+$0x50 ss:$0x1], $0xffff;
	_ =	sdelay $0x4  }
0x1f2: {  	vm5 =	vlt.s32 v9, $0x0;
	v10 =	vxor.u32 $0x7FFFFFFF, v9  }
0x1f3: {  	v9 =	vsel vm5, v10, v9  }
0x1f4: {  	[tilespmem:v7+s25+$0xFFFFFC50 ss:$0x1] =	vst.idx.msk $0xffff, v9  }
0x1f5: {  	v9 =	vld.idx.msk [tilespmem:v8+s25+$0x60 ss:$0x1], $0xffff;
	_ =	sdelay $0x4  }
0x1f6: {  	vm6 =	vlt.s32 v9, $0x0;
	v10 =	vxor.u32 $0x7FFFFFFF, v9  }
0x1f7: {  	v9 =	vsel vm6, v10, v9  }
0x1f8: {  	[tilespmem:v7+s25+$0xFFFFFC60 ss:$0x1] =	vst.idx.msk $0xffff, v9  }
0x1f9: {  	v9 =	vld.idx.msk [tilespmem:v8+s25+$0x70 ss:$0x1], $0xffff;
	_ =	sdelay $0x4  }
0x1fa: {  	vm7 =	vlt.s32 v9, $0x0;
	v10 =	vxor.u32 $0x7FFFFFFF, v9  }
0x1fb: {  	v9 =	vsel vm7, v10, v9  }
0x1fc: {  	[tilespmem:v7+s25+$0xFFFFFC70 ss:$0x1] =	vst.idx.msk $0xffff, v9  }
0x1fd: {  	v9 =	vld.idx.msk [tilespmem:v8+s25+$0x400 ss:$0x1], $0xffff;
	_ =	sdelay $0x4  }
0x1fe: {  	vm8 =	vlt.s32 v9, $0x0;
	v10 =	vxor.u32 $0x7FFFFFFF, v9  }
0x1ff: {  	v9 =	vsel vm8, v10, v9  }
0x200: {  	[tilespmem:v7+s25+$0x0 ss:$0x1] =	vst.idx.msk $0xffff, v9  }
0x201: {  	v9 =	vld.idx.msk [tilespmem:v8+s25+$0x410 ss:$0x1], $0xffff;
	_ =	sdelay $0x4  }
0x202: {  	vm9 =	vlt.s32 v9, $0x0;
	v10 =	vxor.u32 $0x7FFFFFFF, v9  }
0x203: {  	v9 =	vsel vm9, v10, v9  }
0x204: {  	[tilespmem:v7+s25+$0x10 ss:$0x1] =	vst.idx.msk $0xffff, v9  }
0x205: {  	v9 =	vld.idx.msk [tilespmem:v8+s25+$0x420 ss:$0x1], $0xffff;
	_ =	sdelay $0x4  }
0x206: {  	vm10 =	vlt.s32 v9, $0x0;
	v10 =	vxor.u32 $0x7FFFFFFF, v9  }
0x207: {  	v9 =	vsel vm10, v10, v9  }
0x208: {  	[tilespmem:v7+s25+$0x20 ss:$0x1] =	vst.idx.msk $0xffff, v9  }
0x209: {  	v9 =	vld.idx.msk [tilespmem:v8+s25+$0x430 ss:$0x1], $0xffff;
	_ =	sdelay $0x4  }
0x20a: {  	vm11 =	vlt.s32 v9, $0x0;
	v10 =	vxor.u32 $0x7FFFFFFF, v9  }
0x20b: {  	v9 =	vsel vm11, v10, v9  }
0x20c: {  	[tilespmem:v7+s25+$0x30 ss:$0x1] =	vst.idx.msk $0xffff, v9  }
0x20d: {  	v9 =	vld.idx.msk [tilespmem:v8+s25+$0x440 ss:$0x1], $0xffff;
	_ =	sdelay $0x4  }
0x20e: {  	vm12 =	vlt.s32 v9, $0x0;
	v10 =	vxor.u32 $0x7FFFFFFF, v9  }
0x20f: {  	v9 =	vsel vm12, v10, v9  }
0x210: {  	[tilespmem:v7+s25+$0x40 ss:$0x1] =	vst.idx.msk $0xffff, v9  }
0x211: {  	v9 =	vld.idx.msk [tilespmem:v8+s25+$0x450 ss:$0x1], $0xffff;
	_ =	sdelay $0x4  }
0x212: {  	vm13 =	vlt.s32 v9, $0x0;
	v10 =	vxor.u32 $0x7FFFFFFF, v9  }
0x213: {  	v9 =	vsel vm13, v10, v9  }
0x214: {  	[tilespmem:v7+s25+$0x50 ss:$0x1] =	vst.idx.msk $0xffff, v9  }
0x215: {  	v9 =	vld.idx.msk [tilespmem:v8+s25+$0x460 ss:$0x1], $0xffff;
	_ =	sdelay $0x4  }
0x216: {  	vm14 =	vlt.s32 v9, $0x0;
	v10 =	vxor.u32 $0x7FFFFFFF, v9  }
0x217: {  	v9 =	vsel vm14, v10, v9  }
0x218: {  	[tilespmem:v7+s25+$0x60 ss:$0x1] =	vst.idx.msk $0xffff, v9  }
0x219: {  	v9 =	vld.idx.msk [tilespmem:v8+s25+$0x470 ss:$0x1], $0xffff;
	_ =	sdelay $0x4  }
0x21a: {  	vm15 =	vlt.s32 v9, $0x0;
	v10 =	vxor.u32 $0x7FFFFFFF, v9  }
0x21b: {  	s26 =	simm.s32 $0x2000;
	s28 =	simm.s32 $0x4000;
	v9 =	vsel vm15, v10, v9  }
.LBB2_16:
0x21c: {  	p1 =	sne.s32 s28, $0x1E000  }
0x21d: {  	[tilespmem:v7+s25+$0x70 ss:$0x1] =	vst.idx.msk $0xffff, v9;
	s25 =	sshra.s32 s26, $0x2;
	s26 =	smov.u32 s28;
	s28 =	sadd.s32 $0x2000, s28  }
0x21e: {  	v9 =	vld.idx.msk [tilespmem:v8+s25+$0x0 ss:$0x1], $0xffff;
	_ =	sdelay $0x5  }
0x21f: {  	vm0 =	vlt.s32 v9, $0x0;
	v10 =	vxor.u32 $0x7FFFFFFF, v9  }
0x220: {  	v9 =	vsel vm0, v10, v9  }
0x221: {  	[tilespmem:v7+s25+$0xFFFFFC00 ss:$0x1] =	vst.idx.msk $0xffff, v9  }
0x222: {  	v9 =	vld.idx.msk [tilespmem:v8+s25+$0x10 ss:$0x1], $0xffff;
	_ =	sdelay $0x5  }
0x223: {  	vm0 =	vlt.s32 v9, $0x0;
	v10 =	vxor.u32 $0x7FFFFFFF, v9  }
0x224: {  	v9 =	vsel vm0, v10, v9  }
0x225: {  	[tilespmem:v7+s25+$0xFFFFFC10 ss:$0x1] =	vst.idx.msk $0xffff, v9  }
0x226: {  	v9 =	vld.idx.msk [tilespmem:v8+s25+$0x20 ss:$0x1], $0xffff;
	_ =	sdelay $0x5  }
0x227: {  	vm0 =	vlt.s32 v9, $0x0;
	v10 =	vxor.u32 $0x7FFFFFFF, v9  }
0x228: {  	v9 =	vsel vm0, v10, v9  }
0x229: {  	[tilespmem:v7+s25+$0xFFFFFC20 ss:$0x1] =	vst.idx.msk $0xffff, v9  }
0x22a: {  	v9 =	vld.idx.msk [tilespmem:v8+s25+$0x30 ss:$0x1], $0xffff;
	_ =	sdelay $0x5  }
0x22b: {  	vm0 =	vlt.s32 v9, $0x0;
	v10 =	vxor.u32 $0x7FFFFFFF, v9  }
0x22c: {  	v9 =	vsel vm0, v10, v9  }
0x22d: {  	[tilespmem:v7+s25+$0xFFFFFC30 ss:$0x1] =	vst.idx.msk $0xffff, v9  }
0x22e: {  	v9 =	vld.idx.msk [tilespmem:v8+s25+$0x40 ss:$0x1], $0xffff;
	_ =	sdelay $0x5  }
0x22f: {  	vm0 =	vlt.s32 v9, $0x0;
	v10 =	vxor.u32 $0x7FFFFFFF, v9  }
0x230: {  	v9 =	vsel vm0, v10, v9  }
0x231: {  	[tilespmem:v7+s25+$0xFFFFFC40 ss:$0x1] =	vst.idx.msk $0xffff, v9  }
0x232: {  	v9 =	vld.idx.msk [tilespmem:v8+s25+$0x50 ss:$0x1], $0xffff;
	_ =	sdelay $0x5  }
0x233: {  	vm0 =	vlt.s32 v9, $0x0;
	v10 =	vxor.u32 $0x7FFFFFFF, v9  }
0x234: {  	v9 =	vsel vm0, v10, v9  }
0x235: {  	[tilespmem:v7+s25+$0xFFFFFC50 ss:$0x1] =	vst.idx.msk $0xffff, v9  }
0x236: {  	v9 =	vld.idx.msk [tilespmem:v8+s25+$0x60 ss:$0x1], $0xffff;
	_ =	sdelay $0x5  }
0x237: {  	vm0 =	vlt.s32 v9, $0x0;
	v10 =	vxor.u32 $0x7FFFFFFF, v9  }
0x238: {  	v9 =	vsel vm0, v10, v9  }
0x239: {  	[tilespmem:v7+s25+$0xFFFFFC60 ss:$0x1] =	vst.idx.msk $0xffff, v9  }
0x23a: {  	v9 =	vld.idx.msk [tilespmem:v8+s25+$0x70 ss:$0x1], $0xffff;
	_ =	sdelay $0x5  }
0x23b: {  	vm0 =	vlt.s32 v9, $0x0;
	v10 =	vxor.u32 $0x7FFFFFFF, v9  }
0x23c: {  	v9 =	vsel vm0, v10, v9  }
0x23d: {  	[tilespmem:v7+s25+$0xFFFFFC70 ss:$0x1] =	vst.idx.msk $0xffff, v9  }
0x23e: {  	v9 =	vld.idx.msk [tilespmem:v8+s25+$0x400 ss:$0x1], $0xffff;
	_ =	sdelay $0x5  }
0x23f: {  	vm0 =	vlt.s32 v9, $0x0;
	v10 =	vxor.u32 $0x7FFFFFFF, v9  }
0x240: {  	v9 =	vsel vm0, v10, v9  }
0x241: {  	[tilespmem:v7+s25+$0x0 ss:$0x1] =	vst.idx.msk $0xffff, v9  }
0x242: {  	v9 =	vld.idx.msk [tilespmem:v8+s25+$0x410 ss:$0x1], $0xffff;
	_ =	sdelay $0x5  }
0x243: {  	vm0 =	vlt.s32 v9, $0x0;
	v10 =	vxor.u32 $0x7FFFFFFF, v9  }
0x244: {  	v9 =	vsel vm0, v10, v9  }
0x245: {  	[tilespmem:v7+s25+$0x10 ss:$0x1] =	vst.idx.msk $0xffff, v9  }
0x246: {  	v9 =	vld.idx.msk [tilespmem:v8+s25+$0x420 ss:$0x1], $0xffff;
	_ =	sdelay $0x5  }
0x247: {  	vm0 =	vlt.s32 v9, $0x0;
	v10 =	vxor.u32 $0x7FFFFFFF, v9  }
0x248: {  	v9 =	vsel vm0, v10, v9  }
0x249: {  	[tilespmem:v7+s25+$0x20 ss:$0x1] =	vst.idx.msk $0xffff, v9  }
0x24a: {  	v9 =	vld.idx.msk [tilespmem:v8+s25+$0x430 ss:$0x1], $0xffff;
	_ =	sdelay $0x5  }
0x24b: {  	vm0 =	vlt.s32 v9, $0x0;
	v10 =	vxor.u32 $0x7FFFFFFF, v9  }
0x24c: {  	v9 =	vsel vm0, v10, v9  }
0x24d: {  	[tilespmem:v7+s25+$0x30 ss:$0x1] =	vst.idx.msk $0xffff, v9  }
0x24e: {  	v9 =	vld.idx.msk [tilespmem:v8+s25+$0x440 ss:$0x1], $0xffff;
	_ =	sdelay $0x5  }
0x24f: {  	vm0 =	vlt.s32 v9, $0x0;
	v10 =	vxor.u32 $0x7FFFFFFF, v9  }
0x250: {  	v9 =	vsel vm0, v10, v9  }
0x251: {  	[tilespmem:v7+s25+$0x40 ss:$0x1] =	vst.idx.msk $0xffff, v9  }
0x252: {  	v9 =	vld.idx.msk [tilespmem:v8+s25+$0x450 ss:$0x1], $0xffff;
	_ =	sdelay $0x5  }
0x253: {  	vm0 =	vlt.s32 v9, $0x0;
	v10 =	vxor.u32 $0x7FFFFFFF, v9  }
0x254: {  	v9 =	vsel vm0, v10, v9  }
0x255: {  	[tilespmem:v7+s25+$0x50 ss:$0x1] =	vst.idx.msk $0xffff, v9  }
0x256: {  	v9 =	vld.idx.msk [tilespmem:v8+s25+$0x460 ss:$0x1], $0xffff;
	_ =	sdelay $0x5  }
0x257: {  	vm0 =	vlt.s32 v9, $0x0;
	v10 =	vxor.u32 $0x7FFFFFFF, v9  }
0x258: {  	v9 =	vsel vm0, v10, v9  }
0x259: {  	[tilespmem:v7+s25+$0x60 ss:$0x1] =	vst.idx.msk $0xffff, v9  }
0x25a: {  	v9 =	vld.idx.msk [tilespmem:v8+s25+$0x470 ss:$0x1], $0xffff;
	_ =	sdelay $0x2  }
.Ltmp6:
0x25b: {  	(pc) =	sbr.rel @p1 .LBB2_16-.Ltmp6, $3  }
0x25c: {  	_ =	sdelay $0x1  }
0x25d: {  	vm0 =	vlt.s32 v9, $0x0;
	v10 =	vxor.u32 $0x7FFFFFFF, v9  }
0x25e: {  	v9 =	vsel vm0, v10, v9  }
0x25f: {  	_ =	sdelay $0x3  }
0x260: {  	s26 =	sshra.s32 s26, $0x2;
	[tilespmem:v7+s25+$0x70 ss:$0x1] =	vst.idx.msk $0xffff, v9  }
0x261: {  	v9 =	vld.idx.msk [tilespmem:v8+s26+$0x0 ss:$0x1], $0xffff;
	_ =	sdelay $0x4  }
0x262: {  	vm0 =	vlt.s32 v9, $0x0;
	v10 =	vxor.u32 $0x7FFFFFFF, v9  }
0x263: {  	v9 =	vsel vm0, v10, v9  }
0x264: {  	[tilespmem:v7+s26+$0xFFFFFC00 ss:$0x1] =	vst.idx.msk $0xffff, v9  }
0x265: {  	v9 =	vld.idx.msk [tilespmem:v8+s26+$0x10 ss:$0x1], $0xffff;
	_ =	sdelay $0x4  }
0x266: {  	vm13 =	vlt.s32 v9, $0x0;
	v49 =	vxor.u32 $0x7FFFFFFF, v9  }
0x267: {  	v9 =	vsel vm13, v49, v9  }
0x268: {  	[tilespmem:v7+s26+$0xFFFFFC10 ss:$0x1] =	vst.idx.msk $0xffff, v9  }
0x269: {  	v9 =	vld.idx.msk [tilespmem:v8+s26+$0x20 ss:$0x1], $0xffff;
	_ =	sdelay $0x4  }
0x26a: {  	vm14 =	vlt.s32 v9, $0x0;
	v50 =	vxor.u32 $0x7FFFFFFF, v9  }
0x26b: {  	v9 =	vsel vm14, v50, v9  }
0x26c: {  	[tilespmem:v7+s26+$0xFFFFFC20 ss:$0x1] =	vst.idx.msk $0xffff, v9  }
0x26d: {  	v9 =	vld.idx.msk [tilespmem:v8+s26+$0x30 ss:$0x1], $0xffff;
	_ =	sdelay $0x4  }
0x26e: {  	vm15 =	vlt.s32 v9, $0x0;
	v51 =	vxor.u32 $0x7FFFFFFF, v9  }
0x26f: {  	v9 =	vsel vm15, v51, v9  }
0x270: {  	[tilespmem:v7+s26+$0xFFFFFC30 ss:$0x1] =	vst.idx.msk $0xffff, v9  }
0x271: {  	v9 =	vld.idx.msk [tilespmem:v8+s26+$0x40 ss:$0x1], $0xffff;
	_ =	sdelay $0x4  }
0x272: {  	vm4 =	vlt.s32 v9, $0x0;
	v52 =	vxor.u32 $0x7FFFFFFF, v9  }
0x273: {  	v9 =	vsel vm4, v52, v9  }
0x274: {  	[tilespmem:v7+s26+$0xFFFFFC40 ss:$0x1] =	vst.idx.msk $0xffff, v9  }
0x275: {  	v9 =	vld.idx.msk [tilespmem:v8+s26+$0x50 ss:$0x1], $0xffff;
	_ =	sdelay $0x4  }
0x276: {  	vm5 =	vlt.s32 v9, $0x0;
	v53 =	vxor.u32 $0x7FFFFFFF, v9  }
0x277: {  	v9 =	vsel vm5, v53, v9  }
0x278: {  	[tilespmem:v7+s26+$0xFFFFFC50 ss:$0x1] =	vst.idx.msk $0xffff, v9  }
0x279: {  	v9 =	vld.idx.msk [tilespmem:v8+s26+$0x60 ss:$0x1], $0xffff;
	_ =	sdelay $0x4  }
0x27a: {  	vm6 =	vlt.s32 v9, $0x0;
	v54 =	vxor.u32 $0x7FFFFFFF, v9  }
0x27b: {  	v9 =	vsel vm6, v54, v9  }
0x27c: {  	[tilespmem:v7+s26+$0xFFFFFC60 ss:$0x1] =	vst.idx.msk $0xffff, v9  }
0x27d: {  	v9 =	vld.idx.msk [tilespmem:v8+s26+$0x70 ss:$0x1], $0xffff;
	_ =	sdelay $0x4  }
0x27e: {  	vm7 =	vlt.s32 v9, $0x0;
	v55 =	vxor.u32 $0x7FFFFFFF, v9  }
0x27f: {  	v9 =	vsel vm7, v55, v9  }
0x280: {  	[tilespmem:v7+s26+$0xFFFFFC70 ss:$0x1] =	vst.idx.msk $0xffff, v9  }
0x281: {  	v9 =	vld.idx.msk [tilespmem:v8+s26+$0x400 ss:$0x1], $0xffff;
	_ =	sdelay $0x4  }
0x282: {  	vm8 =	vlt.s32 v9, $0x0;
	v56 =	vxor.u32 $0x7FFFFFFF, v9  }
0x283: {  	v9 =	vsel vm8, v56, v9  }
0x284: {  	[tilespmem:v7+s26+$0x0 ss:$0x1] =	vst.idx.msk $0xffff, v9  }
0x285: {  	v9 =	vld.idx.msk [tilespmem:v8+s26+$0x410 ss:$0x1], $0xffff;
	_ =	sdelay $0x4  }
0x286: {  	vm9 =	vlt.s32 v9, $0x0;
	v57 =	vxor.u32 $0x7FFFFFFF, v9  }
0x287: {  	v9 =	vsel vm9, v57, v9  }
0x288: {  	[tilespmem:v7+s26+$0x10 ss:$0x1] =	vst.idx.msk $0xffff, v9  }
0x289: {  	v9 =	vld.idx.msk [tilespmem:v8+s26+$0x420 ss:$0x1], $0xffff;
	_ =	sdelay $0x4  }
0x28a: {  	vm10 =	vlt.s32 v9, $0x0;
	v58 =	vxor.u32 $0x7FFFFFFF, v9  }
0x28b: {  	v9 =	vsel vm10, v58, v9  }
0x28c: {  	[tilespmem:v7+s26+$0x20 ss:$0x1] =	vst.idx.msk $0xffff, v9  }
0x28d: {  	v9 =	vld.idx.msk [tilespmem:v8+s26+$0x430 ss:$0x1], $0xffff;
	_ =	sdelay $0x4  }
0x28e: {  	vm11 =	vlt.s32 v9, $0x0;
	v59 =	vxor.u32 $0x7FFFFFFF, v9  }
0x28f: {  	v9 =	vsel vm11, v59, v9  }
0x290: {  	[tilespmem:v7+s26+$0x30 ss:$0x1] =	vst.idx.msk $0xffff, v9  }
0x291: {  	v9 =	vld.idx.msk [tilespmem:v8+s26+$0x440 ss:$0x1], $0xffff;
	_ =	sdelay $0x4  }
0x292: {  	vm12 =	vlt.s32 v9, $0x0;
	v60 =	vxor.u32 $0x7FFFFFFF, v9  }
0x293: {  	v9 =	vsel vm12, v60, v9  }
0x294: {  	[tilespmem:v7+s26+$0x40 ss:$0x1] =	vst.idx.msk $0xffff, v9  }
0x295: {  	v9 =	vld.idx.msk [tilespmem:v8+s26+$0x450 ss:$0x1], $0xffff;
	_ =	sdelay $0x4  }
0x296: {  	vm13 =	vlt.s32 v9, $0x0;
	v61 =	vxor.u32 $0x7FFFFFFF, v9  }
0x297: {  	v9 =	vsel vm13, v61, v9  }
0x298: {  	[tilespmem:v7+s26+$0x50 ss:$0x1] =	vst.idx.msk $0xffff, v9  }
0x299: {  	v9 =	vld.idx.msk [tilespmem:v8+s26+$0x460 ss:$0x1], $0xffff;
	_ =	sdelay $0x4  }
0x29a: {  	vm14 =	vlt.s32 v9, $0x0;
	v62 =	vxor.u32 $0x7FFFFFFF, v9  }
0x29b: {  	v9 =	vsel vm14, v62, v9  }
0x29c: {  	[tilespmem:v7+s26+$0x60 ss:$0x1] =	vst.idx.msk $0xffff, v9  }
0x29d: {  	v8 =	vld.idx.msk [tilespmem:v8+s26+$0x470 ss:$0x1], $0xffff  }
0x29e: {  	s22 =	sadd.s32 $0x1, s22  }
0x29f: {  	p1 =	sne.s32 s22, $0x8  }
.Ltmp7:
0x2a0: {  	_ = 	snop;
	(pc) =	sbr.rel @p1 .LBB2_15-.Ltmp7, $4  }
0x2a1: {  	_ = 	snop  }
0x2a2: {  	vm15 =	vlt.s32 v8, $0x0;
	v63 =	vxor.u32 $0x7FFFFFFF, v8  }
0x2a3: {  	v8 =	vsel vm15, v63, v8  }
0x2a4: {  	s23 =	sadd.s32 $0x80, s23;
	s24 =	sadd.s32 $0x80, s24;
	[tilespmem:v7+s26+$0x70 ss:$0x1] =	vst.idx.msk $0xffff, v8  }
0x2a5: {  	s20 =	sadd.s32 @!p0 s20, s7  }
0x2a6: {  	s20 =	sshll.u32 @!p0 s20, $0xC  }
0x2a7: {  	s22 =	simm.s32 @!p0 $0x0;
	s23 =	simm.s32 @!p0 $0x8000;
	s20 =	sadd.s32 @!p0 s3, s20  }
0x2a8: {  	[tilespmem:s23], [sflag:$0x2] =	stream.linear.gather @!p0 [hbm4b:s20+s22], $0x8000, $0x38;
	[tilespmem:$0x18100] =	vst v63  }
0x2a9: {  	v7 =	vimm.s32 $0x0;
	v8 =	vimm.s32 $0x0;
	s20 =	simm.s32 $0x0;
	s22 =	simm.s32 $0x10470  }
.LBB2_19:
0x2aa: {  	v9 =	vmov s22;
	_ =	sdelay $0x3  }
0x2ab: {  	v10 =	vimm.s32 $0x0;
	s23 =	simm.s32 $0x0  }
.LBB2_20:
0x2ac: {  	_ =	sdelay $0x2  }
0x2ad: {  	s26 =	simm.s32 $0x0  }
0x2ae: {  	v13 =	vld.idx.msk [tilespmem:v9+s26+$0xFFFFFB90 ss:$0x1], $0xffff  }
0x2af: {  	v14 =	vld.idx.msk [tilespmem:v9+s26+$0xFFFFFBA0 ss:$0x1], $0xffff  }
0x2b0: {  	v15 =	vld.idx.msk [tilespmem:v9+s26+$0xFFFFFBB0 ss:$0x1], $0xffff  }
0x2b1: {  	s24 =	sshrl.u32 s12, s23;
	v16 =	vld.idx.msk [tilespmem:v9+s26+$0xFFFFFBC0 ss:$0x1], $0xffff  }
0x2b2: {  	v11 =	vor.u32 s24, v10;
	v17 =	vld.idx.msk [tilespmem:v9+s26+$0xFFFFFBD0 ss:$0x1], $0xffff  }
0x2b3: {  	v18 =	vld.idx.msk [tilespmem:v9+s26+$0xFFFFFBE0 ss:$0x1], $0xffff;
	v12 =	vxor.u32 $0x80000000, v11  }
0x2b4: {  	v19 =	vld.idx.msk [tilespmem:v9+s26+$0xFFFFFBF0 ss:$0x1], $0xffff;
	vm0 =	vlt.s32 v13, v12  }
0x2b5: {  	v21 =	vld.idx.msk [tilespmem:v9+s26+$0xFFFFFC00 ss:$0x1], $0xffff;
	v13 =	vimm.s32 $0x0;
	v20 =	vsel vm0, $0x1, v3;
	vm0 =	vlt.s32 v14, v12  }
0x2b6: {  	v22 =	vld.idx.msk [tilespmem:v9+s26+$0xFFFFFFA0 ss:$0x1], $0xffff;
	v13 =	vadd.s32 v20, v13;
	v14 =	vsel vm0, $0x1, v3;
	vm0 =	vlt.s32 v15, v12  }
0x2b7: {  	v20 =	vld.idx.msk [tilespmem:v9+s26+$0xFFFFFF90 ss:$0x1], $0xffff;
	v13 =	vadd.s32 v14, v13;
	v14 =	vsel vm0, $0x1, v3;
	vm0 =	vlt.s32 v16, v12  }
0x2b8: {  	v14 =	vadd.s32 v14, v13;
	v15 =	vsel vm0, $0x1, v3;
	vm0 =	vlt.s32 v17, v12;
	v13 =	vld.idx.msk [tilespmem:v9+s26+$0xFFFFFFB0 ss:$0x1], $0xffff  }
0x2b9: {  	v15 =	vadd.s32 v15, v14;
	v16 =	vsel vm0, $0x1, v3;
	vm0 =	vlt.s32 v18, v12;
	v14 =	vld.idx.msk [tilespmem:v9+s26+$0xFFFFFFC0 ss:$0x1], $0xffff  }
0x2ba: {  	v16 =	vadd.s32 v16, v15;
	v17 =	vsel vm0, $0x1, v3;
	vm0 =	vlt.s32 v19, v12;
	v15 =	vld.idx.msk [tilespmem:v9+s26+$0xFFFFFFD0 ss:$0x1], $0xffff  }
0x2bb: {  	v17 =	vadd.s32 v17, v16;
	v18 =	vsel vm0, $0x1, v3;
	vm0 =	vlt.s32 v21, v12;
	v16 =	vld.idx.msk [tilespmem:v9+s26+$0xFFFFFFE0 ss:$0x1], $0xffff  }
0x2bc: {  	v18 =	vadd.s32 v18, v17;
	v19 =	vsel vm0, $0x1, v3;
	vm0 =	vlt.s32 v20, v12;
	v17 =	vld.idx.msk [tilespmem:v9+s26+$0xFFFFFFF0 ss:$0x1], $0xffff  }
0x2bd: {  	s25 =	simm.s32 $0x4000;
	s24 =	simm.s32 $0x800;
	v19 =	vadd.s32 v19, v18;
	v20 =	vsel vm0, $0x1, v3;
	vm0 =	vlt.s32 v22, v12;
	v18 =	vld.idx.msk [tilespmem:v9+s26+$0x0 ss:$0x1], $0xffff  }
.LBB2_21:
0x2be: {  	p0 =	sne.s32 s25, $0x1E000;
	v21 =	vld.idx.msk [tilespmem:v9+s24+$0xFFFFFB90 ss:$0x1], $0xffff;
	v19 =	vadd.s32 v20, v19;
	v20 =	vsel vm0, $0x1, v3;
	vm0 =	vlt.s32 v13, v12  }
0x2bf: {  	v13 =	vld.idx.msk [tilespmem:v9+s24+$0xFFFFFBA0 ss:$0x1], $0xffff;
	v19 =	vadd.s32 v20, v19;
	v20 =	vsel vm0, $0x1, v3;
	vm0 =	vlt.s32 v14, v12  }
0x2c0: {  	v14 =	vld.idx.msk [tilespmem:v9+s24+$0xFFFFFBB0 ss:$0x1], $0xffff;
	v19 =	vadd.s32 v20, v19;
	v20 =	vsel vm0, $0x1, v3;
	vm0 =	vlt.s32 v15, v12  }
0x2c1: {  	v15 =	vld.idx.msk [tilespmem:v9+s24+$0xFFFFFBC0 ss:$0x1], $0xffff;
	v19 =	vadd.s32 v20, v19;
	v20 =	vsel vm0, $0x1, v3;
	vm0 =	vlt.s32 v16, v12  }
0x2c2: {  	v16 =	vld.idx.msk [tilespmem:v9+s24+$0xFFFFFBD0 ss:$0x1], $0xffff;
	v19 =	vadd.s32 v20, v19;
	v20 =	vsel vm0, $0x1, v3;
	vm0 =	vlt.s32 v17, v12  }
0x2c3: {  	v17 =	vld.idx.msk [tilespmem:v9+s24+$0xFFFFFBE0 ss:$0x1], $0xffff;
	v19 =	vadd.s32 v20, v19;
	v20 =	vsel vm0, $0x1, v3;
	vm0 =	vlt.s32 v18, v12  }
0x2c4: {  	vm1 =	vlt.s32 v21, v12;
	v18 =	vld.idx.msk [tilespmem:v9+s24+$0xFFFFFBF0 ss:$0x1], $0xffff;
	v19 =	vadd.s32 v20, v19;
	v20 =	vsel vm0, $0x1, v3  }
0x2c5: {  	v21 =	vsel vm1, $0x1, v3;
	vm0 =	vlt.s32 v13, v12;
	v22 =	vld.idx.msk [tilespmem:v9+s24+$0xFFFFFC00 ss:$0x1], $0xffff;
	v13 =	vadd.s32 v20, v19  }
0x2c6: {  	v19 =	vsel vm0, $0x1, v3;
	vm0 =	vlt.s32 v14, v12;
	v13 =	vadd.s32 v21, v13;
	v20 =	vld.idx.msk [tilespmem:v9+s24+$0xFFFFFF90 ss:$0x1], $0xffff  }
0x2c7: {  	v14 =	vsel vm0, $0x1, v3;
	vm0 =	vlt.s32 v15, v12;
	v13 =	vadd.s32 v19, v13;
	v21 =	vld.idx.msk [tilespmem:v9+s24+$0xFFFFFFA0 ss:$0x1], $0xffff  }
0x2c8: {  	v15 =	vsel vm0, $0x1, v3;
	vm0 =	vlt.s32 v16, v12;
	v14 =	vadd.s32 v14, v13;
	v13 =	vld.idx.msk [tilespmem:v9+s24+$0xFFFFFFB0 ss:$0x1], $0xffff  }
.Ltmp8:
0x2c9: {  	v16 =	vsel vm0, $0x1, v3;
	vm0 =	vlt.s32 v17, v12;
	v15 =	vadd.s32 v15, v14;
	v14 =	vld.idx.msk [tilespmem:v9+s24+$0xFFFFFFC0 ss:$0x1], $0xffff;
	(pc) =	sbr.rel @p0 .LBB2_21-.Ltmp8, $4  }
0x2ca: {  	v17 =	vsel vm0, $0x1, v3;
	vm0 =	vlt.s32 v18, v12;
	v16 =	vadd.s32 v16, v15;
	v15 =	vld.idx.msk [tilespmem:v9+s24+$0xFFFFFFD0 ss:$0x1], $0xffff  }
0x2cb: {  	v18 =	vsel vm0, $0x1, v3;
	vm0 =	vlt.s32 v22, v12;
	v17 =	vadd.s32 v17, v16;
	v16 =	vld.idx.msk [tilespmem:v9+s24+$0xFFFFFFE0 ss:$0x1], $0xffff  }
0x2cc: {  	v19 =	vsel vm0, $0x1, v3;
	vm0 =	vlt.s32 v20, v12;
	v18 =	vadd.s32 v18, v17;
	v17 =	vld.idx.msk [tilespmem:v9+s24+$0xFFFFFFF0 ss:$0x1], $0xffff  }
0x2cd: {  	v20 =	vsel vm0, $0x1, v3;
	vm0 =	vlt.s32 v21, v12;
	v19 =	vadd.s32 v19, v18;
	v18 =	vld.idx.msk [tilespmem:v9+s24+$0x0 ss:$0x1], $0xffff;
	s24 =	sshra.s32 s25, $0x2;
	s25 =	sadd.s32 $0x2000, s25  }
0x2ce: {  	_ =	sdelay $0x2  }
0x2cf: {  	v19 =	vadd.s32 v20, v19;
	v26 =	vsel vm0, $0x1, v3;
	vm6 =	vlt.s32 v13, v12  }
0x2d0: {  	v27 =	vld.idx.msk [tilespmem:v9+s24+$0xFFFFFB90 ss:$0x1], $0xffff;
	vm7 =	vlt.s32 v14, v12;
	v19 =	vadd.s32 v26, v19;
	v28 =	vsel vm6, $0x1, v3  }
0x2d1: {  	v29 =	vld.idx.msk [tilespmem:v9+s24+$0xFFFFFBA0 ss:$0x1], $0xffff;
	v30 =	vsel vm7, $0x1, v3;
	vm8 =	vlt.s32 v15, v12;
	v19 =	vadd.s32 v28, v19  }
0x2d2: {  	v31 =	vld.idx.msk [tilespmem:v9+s24+$0xFFFFFBB0 ss:$0x1], $0xffff;
	v32 =	vsel vm8, $0x1, v3;
	vm9 =	vlt.s32 v16, v12;
	v19 =	vadd.s32 v30, v19  }
0x2d3: {  	v33 =	vld.idx.msk [tilespmem:v9+s24+$0xFFFFFBC0 ss:$0x1], $0xffff;
	v34 =	vsel vm9, $0x1, v3;
	vm10 =	vlt.s32 v17, v12;
	v19 =	vadd.s32 v32, v19  }
0x2d4: {  	v35 =	vld.idx.msk [tilespmem:v9+s24+$0xFFFFFBD0 ss:$0x1], $0xffff;
	v36 =	vsel vm10, $0x1, v3;
	vm11 =	vlt.s32 v18, v12;
	v19 =	vadd.s32 v34, v19  }
0x2d5: {  	v37 =	vld.idx.msk [tilespmem:v9+s24+$0xFFFFFBE0 ss:$0x1], $0xffff;
	vm1 =	vlt.s32 v27, v12;
	v39 =	vsel vm11, $0x1, v3;
	v38 =	vadd.s32 v36, v19  }
0x2d6: {  	v40 =	vld.idx.msk [tilespmem:v9+s24+$0xFFFFFBF0 ss:$0x1], $0xffff;
	vm12 =	vlt.s32 v29, v12;
	v21 =	vsel vm1, $0x1, v3;
	v13 =	vadd.s32 v39, v38  }
0x2d7: {  	v41 =	vld.idx.msk [tilespmem:v9+s24+$0xFFFFFC00 ss:$0x1], $0xffff;
	vm13 =	vlt.s32 v31, v12;
	v42 =	vsel vm12, $0x1, v3;
	v13 =	vadd.s32 v21, v13  }
0x2d8: {  	v43 =	vld.idx.msk [tilespmem:v9+s24+$0xFFFFFF90 ss:$0x1], $0xffff;
	vm14 =	vlt.s32 v33, v12;
	v44 =	vsel vm13, $0x1, v3;
	v13 =	vadd.s32 v42, v13  }
0x2d9: {  	v45 =	vld.idx.msk [tilespmem:v9+s24+$0xFFFFFFA0 ss:$0x1], $0xffff;
	vm15 =	vlt.s32 v35, v12;
	v46 =	vsel vm14, $0x1, v3;
	v13 =	vadd.s32 v44, v13  }
0x2da: {  	v47 =	vld.idx.msk [tilespmem:v9+s24+$0xFFFFFFB0 ss:$0x1], $0xffff;
	vm4 =	vlt.s32 v37, v12;
	v48 =	vsel vm15, $0x1, v3;
	v13 =	vadd.s32 v46, v13  }
0x2db: {  	v49 =	vld.idx.msk [tilespmem:v9+s24+$0xFFFFFFC0 ss:$0x1], $0xffff;
	vm5 =	vlt.s32 v40, v12;
	v50 =	vsel vm4, $0x1, v3;
	v13 =	vadd.s32 v48, v13  }
0x2dc: {  	v51 =	vld.idx.msk [tilespmem:v9+s24+$0xFFFFFFD0 ss:$0x1], $0xffff;
	vm6 =	vlt.s32 v41, v12;
	v52 =	vsel vm5, $0x1, v3;
	v13 =	vadd.s32 v50, v13  }
0x2dd: {  	v53 =	vld.idx.msk [tilespmem:v9+s24+$0xFFFFFFE0 ss:$0x1], $0xffff;
	vm7 =	vlt.s32 v43, v12;
	v54 =	vsel vm6, $0x1, v3;
	v13 =	vadd.s32 v52, v13  }
0x2de: {  	v55 =	vld.idx.msk [tilespmem:v9+s24+$0xFFFFFFF0 ss:$0x1], $0xffff;
	vm8 =	vlt.s32 v45, v12;
	v56 =	vsel vm7, $0x1, v3;
	v13 =	vadd.s32 v54, v13  }
0x2df: {  	v57 =	vld.idx.msk [tilespmem:v9+s24+$0x0 ss:$0x1], $0xffff;
	vm9 =	vlt.s32 v47, v12;
	v58 =	vsel vm8, $0x1, v3;
	v13 =	vadd.s32 v56, v13  }
0x2e0: {  	vm10 =	vlt.s32 v49, v12;
	v17 =	vsel vm9, $0x1, v3;
	v13 =	vadd.s32 v58, v13  }
0x2e1: {  	vm11 =	vlt.s32 v51, v12;
	v59 =	vsel vm10, $0x1, v3;
	v13 =	vadd.s32 v17, v13  }
0x2e2: {  	v60 =	vsel vm11, $0x1, v3;
	vm12 =	vlt.s32 v53, v12;
	v13 =	vadd.s32 v59, v13  }
0x2e3: {  	vm13 =	vlt.s32 v55, v12;
	v14 =	vsel vm12, $0x1, v3;
	v13 =	vadd.s32 v60, v13  }
0x2e4: {  	vm14 =	vlt.s32 v57, v12;
	v61 =	vsel vm13, $0x1, v3;
	v13 =	vadd.s32 v14, v13  }
0x2e5: {  	v63 =	vsel vm14, $0x1, v3;
	v62 =	vadd.s32 v61, v13  }
0x2e6: {  	v12 =	vadd.s32 v63, v62  }
0x2e7: {  	v13 =	vperm.xlane v12, v0;
	_ =	sdelay $0x1  }
0x2e8: {  	v12 =	vadd.s32 v12, v13  }
0x2e9: {  	v13 =	vperm.xlane v12, v1  }
0x2ea: {  	s23 =	sadd.s32 $0x1, s23  }
0x2eb: {  	p0 =	sne.s32 s23, $0x20;
	v12 =	vadd.s32 v13, v12  }
.Ltmp9:
0x2ec: {  	v13 =	vperm.xlane v12, v2;
	(pc) =	sbr.rel @p0 .LBB2_20-.Ltmp9, $4  }
0x2ed: {  	_ = 	snop  }
0x2ee: {  	v12 =	vadd.s32 v13, v12  }
0x2ef: {  	vm15 =	vlt.s32 v12, $0x400  }
0x2f0: {  	v10 =	vsel vm15, v11, v10  }
0x2f1: {  	_ =	sdelay $0x2  }
0x2f2: {  	s23 =	simm.s32 $0x0  }
0x2f3: {  	v11 =	vld.idx.msk [tilespmem:v9+s23+$0xFFFFFB90 ss:$0x1], $0xffff;
	_ =	sdelay $0x2  }
0x2f4: {  	v12 =	vld.idx.msk [tilespmem:v9+s23+$0xFFFFFBA0 ss:$0x1], $0xffff  }
0x2f5: {  	v13 =	vimm.s32 $0x7FFFFFFF  }
0x2f6: {  	v10 =	vxor.u32 $0x80000000, v10;
	vm0 =	vlt.s32 v13, v11  }
0x2f7: {  	v14 =	vld.idx.msk [tilespmem:v9+s23+$0xFFFFFBB0 ss:$0x1], $0xffff;
	vm5 =	vle.s32 v11, v10;
	v11 =	vsel vm0, v13, v11  }
0x2f8: {  	v11 =	vsel vm5, v13, v11  }
0x2f9: {  	vm0 =	vlt.s32 v11, v12  }
0x2fa: {  	vm6 =	vle.s32 v12, v10;
	v13 =	vld.idx.msk [tilespmem:v9+s23+$0xFFFFFBC0 ss:$0x1], $0xffff;
	v12 =	vsel vm0, v11, v12  }
0x2fb: {  	v11 =	vsel vm6, v11, v12  }
0x2fc: {  	vm0 =	vlt.s32 v11, v14  }
0x2fd: {  	vm7 =	vle.s32 v14, v10;
	v12 =	vld.idx.msk [tilespmem:v9+s23+$0xFFFFFBD0 ss:$0x1], $0xffff;
	v14 =	vsel vm0, v11, v14  }
0x2fe: {  	v11 =	vsel vm7, v11, v14  }
0x2ff: {  	vm0 =	vlt.s32 v11, v13  }
0x300: {  	vm8 =	vle.s32 v13, v10;
	v14 =	vld.idx.msk [tilespmem:v9+s23+$0xFFFFFBE0 ss:$0x1], $0xffff;
	v13 =	vsel vm0, v11, v13  }
0x301: {  	v11 =	vsel vm8, v11, v13  }
0x302: {  	vm0 =	vlt.s32 v11, v12  }
0x303: {  	vm9 =	vle.s32 v12, v10;
	v13 =	vld.idx.msk [tilespmem:v9+s23+$0xFFFFFBF0 ss:$0x1], $0xffff;
	v12 =	vsel vm0, v11, v12  }
0x304: {  	v11 =	vsel vm9, v11, v12  }
0x305: {  	vm0 =	vlt.s32 v11, v14  }
0x306: {  	v15 =	vld.idx.msk [tilespmem:v9+s23+$0xFFFFFC00 ss:$0x1], $0xffff;
	vm10 =	vle.s32 v14, v10;
	v12 =	vsel vm0, v11, v14  }
0x307: {  	v14 =	vsel vm10, v11, v12  }
0x308: {  	v16 =	vld.idx.msk [tilespmem:v9+s23+$0xFFFFFF90 ss:$0x1], $0xffff;
	vm0 =	vlt.s32 v14, v13  }
0x309: {  	v17 =	vld.idx.msk [tilespmem:v9+s23+$0xFFFFFFA0 ss:$0x1], $0xffff;
	vm11 =	vle.s32 v13, v10;
	v13 =	vsel vm0, v14, v13  }
0x30a: {  	v18 =	vld.idx.msk [tilespmem:v9+s23+$0xFFFFFFD0 ss:$0x1], $0xffff;
	v13 =	vsel vm11, v14, v13  }
0x30b: {  	v19 =	vld.idx.msk [tilespmem:v9+s23+$0xFFFFFFB0 ss:$0x1], $0xffff;
	vm0 =	vlt.s32 v13, v15  }
0x30c: {  	vm12 =	vle.s32 v15, v10;
	v11 =	vld.idx.msk [tilespmem:v9+s23+$0x0 ss:$0x1], $0xffff;
	v15 =	vsel vm0, v13, v15  }
0x30d: {  	v12 =	vld.idx.msk [tilespmem:v9+s23+$0xFFFFFFF0 ss:$0x1], $0xffff;
	v13 =	vsel vm12, v13, v15  }
0x30e: {  	v14 =	vld.idx.msk [tilespmem:v9+s23+$0xFFFFFFE0 ss:$0x1], $0xffff;
	vm0 =	vlt.s32 v13, v16  }
0x30f: {  	vm13 =	vle.s32 v16, v10;
	v15 =	vld.idx.msk [tilespmem:v9+s23+$0xFFFFFFC0 ss:$0x1], $0xffff;
	v16 =	vsel vm0, v13, v16  }
0x310: {  	v13 =	vsel vm13, v13, v16  }
0x311: {  	vm14 =	vle.s32 v17, v10;
	vm0 =	vlt.s32 v13, v17  }
0x312: {  	vm3 =	vle.s32 v18, v10;
	vm1 =	vle.s32 v12, v10;
	v17 =	vsel vm0, v13, v17  }
0x313: {  	vm2 =	vle.s32 v14, v10;
	v16 =	vimm.s32 $0x0;
	v13 =	vsel vm14, v13, v17  }
0x314: {  	vm0 =	vle.s32 v11, v10;
	vm4 =	vle.s32 v15, v10;
	vm15 =	vlt.s32 v13, v19  }
0x315: {  	v17 =	vsel vm5, $0x1, v3;
	vm5 =	vle.s32 v19, v10;
	v19 =	vsel vm15, v13, v19  }
0x316: {  	v16 =	vadd.s32 v17, v16;
	v17 =	vsel vm6, $0x1, v3;
	v13 =	vsel vm5, v13, v19  }
0x317: {  	v16 =	vadd.s32 v17, v16;
	v17 =	vsel vm7, $0x1, v3;
	vm6 =	vlt.s32 v13, v15  }
0x318: {  	v16 =	vadd.s32 v17, v16;
	v17 =	vsel vm8, $0x1, v3;
	v15 =	vsel vm6, v13, v15  }
0x319: {  	v16 =	vadd.s32 v17, v16;
	v17 =	vsel vm9, $0x1, v3;
	v13 =	vsel vm4, v13, v15  }
0x31a: {  	v15 =	vadd.s32 v17, v16;
	v16 =	vsel vm10, $0x1, v3;
	vm6 =	vlt.s32 v13, v18  }
0x31b: {  	v15 =	vadd.s32 v16, v15;
	v16 =	vsel vm11, $0x1, v3;
	v17 =	vsel vm6, v13, v18  }
0x31c: {  	v15 =	vadd.s32 v16, v15;
	v16 =	vsel vm12, $0x1, v3;
	v17 =	vsel vm3, v13, v17  }
0x31d: {  	v13 =	vadd.s32 v16, v15;
	v15 =	vsel vm13, $0x1, v3;
	vm6 =	vlt.s32 v17, v14  }
0x31e: {  	v13 =	vadd.s32 v15, v13;
	v15 =	vsel vm14, $0x1, v3;
	v16 =	vsel vm6, v17, v14  }
0x31f: {  	s24 =	simm.s32 $0x4000;
	s23 =	simm.s32 $0x800;
	v13 =	vadd.s32 v15, v13;
	v14 =	vsel vm5, $0x1, v3;
	v15 =	vsel vm2, v17, v16  }
.LBB2_24:
0x320: {  	p0 =	sne.s32 s24, $0x1E000;
	v16 =	vld.idx.msk [tilespmem:v9+s23+$0xFFFFFB90 ss:$0x1], $0xffff;
	v13 =	vadd.s32 v14, v13;
	v14 =	vsel vm4, $0x1, v3;
	vm4 =	vlt.s32 v15, v12  }
0x321: {  	v13 =	vadd.s32 v14, v13;
	v14 =	vsel vm3, $0x1, v3;
	v12 =	vsel vm4, v15, v12  }
0x322: {  	v13 =	vadd.s32 v14, v13;
	v14 =	vsel vm2, $0x1, v3;
	v12 =	vsel vm1, v15, v12  }
0x323: {  	v15 =	vld.idx.msk [tilespmem:v9+s23+$0xFFFFFBA0 ss:$0x1], $0xffff;
	v13 =	vadd.s32 v14, v13;
	v14 =	vsel vm1, $0x1, v3;
	vm1 =	vlt.s32 v12, v11  }
0x324: {  	v13 =	vadd.s32 v14, v13;
	v14 =	vsel vm0, $0x1, v3;
	v11 =	vsel vm1, v12, v11  }
0x325: {  	v13 =	vadd.s32 v14, v13;
	v11 =	vsel vm0, v12, v11  }
0x326: {  	vm0 =	vlt.s32 v11, v16;
	v12 =	vld.idx.msk [tilespmem:v9+s23+$0xFFFFFBB0 ss:$0x1], $0xffff  }
0x327: {  	vm5 =	vle.s32 v16, v10;
	v14 =	vsel vm0, v11, v16  }
0x328: {  	v11 =	vsel vm5, v11, v14  }
0x329: {  	vm0 =	vlt.s32 v11, v15;
	v14 =	vld.idx.msk [tilespmem:v9+s23+$0xFFFFFBC0 ss:$0x1], $0xffff  }
0x32a: {  	vm6 =	vle.s32 v15, v10;
	v15 =	vsel vm0, v11, v15  }
0x32b: {  	v11 =	vsel vm6, v11, v15  }
0x32c: {  	vm0 =	vlt.s32 v11, v12;
	v15 =	vld.idx.msk [tilespmem:v9+s23+$0xFFFFFBD0 ss:$0x1], $0xffff  }
0x32d: {  	vm7 =	vle.s32 v12, v10;
	v12 =	vsel vm0, v11, v12  }
0x32e: {  	v11 =	vsel vm7, v11, v12  }
0x32f: {  	vm0 =	vlt.s32 v11, v14;
	v12 =	vld.idx.msk [tilespmem:v9+s23+$0xFFFFFBE0 ss:$0x1], $0xffff  }
0x330: {  	vm8 =	vle.s32 v14, v10;
	v14 =	vsel vm0, v11, v14  }
0x331: {  	v11 =	vsel vm8, v11, v14  }
0x332: {  	vm0 =	vlt.s32 v11, v15;
	v14 =	vld.idx.msk [tilespmem:v9+s23+$0xFFFFFBF0 ss:$0x1], $0xffff  }
0x333: {  	vm9 =	vle.s32 v15, v10;
	v15 =	vsel vm0, v11, v15  }
0x334: {  	v11 =	vsel vm9, v11, v15  }
0x335: {  	vm0 =	vlt.s32 v11, v12;
	v15 =	vld.idx.msk [tilespmem:v9+s23+$0xFFFFFC00 ss:$0x1], $0xffff  }
0x336: {  	vm10 =	vle.s32 v12, v10;
	v12 =	vsel vm0, v11, v12  }
0x337: {  	v16 =	vsel vm10, v11, v12;
	v11 =	vld.idx.msk [tilespmem:v9+s23+$0x0 ss:$0x1], $0xffff  }
0x338: {  	vm0 =	vlt.s32 v16, v14;
	v17 =	vld.idx.msk [tilespmem:v9+s23+$0xFFFFFF90 ss:$0x1], $0xffff  }
0x339: {  	vm11 =	vle.s32 v14, v10;
	v14 =	vsel vm0, v16, v14;
	v12 =	vld.idx.msk [tilespmem:v9+s23+$0xFFFFFFF0 ss:$0x1], $0xffff  }
0x33a: {  	v14 =	vsel vm11, v16, v14;
	v16 =	vld.idx.msk [tilespmem:v9+s23+$0xFFFFFFE0 ss:$0x1], $0xffff  }
0x33b: {  	vm0 =	vlt.s32 v14, v15;
	v18 =	vld.idx.msk [tilespmem:v9+s23+$0xFFFFFFA0 ss:$0x1], $0xffff  }
0x33c: {  	vm12 =	vle.s32 v15, v10;
	v15 =	vsel vm0, v14, v15;
	v19 =	vld.idx.msk [tilespmem:v9+s23+$0xFFFFFFD0 ss:$0x1], $0xffff  }
0x33d: {  	v14 =	vsel vm12, v14, v15;
	v15 =	vld.idx.msk [tilespmem:v9+s23+$0xFFFFFFC0 ss:$0x1], $0xffff  }
0x33e: {  	vm0 =	vlt.s32 v14, v17;
	v20 =	vld.idx.msk [tilespmem:v9+s23+$0xFFFFFFB0 ss:$0x1], $0xffff  }
0x33f: {  	vm13 =	vle.s32 v17, v10;
	v17 =	vsel vm0, v14, v17  }
0x340: {  	v14 =	vsel vm13, v14, v17  }
0x341: {  	vm0 =	vlt.s32 v14, v18  }
0x342: {  	vm14 =	vle.s32 v18, v10;
	v17 =	vsel vm0, v14, v18;
	vm0 =	vle.s32 v11, v10  }
0x343: {  	vm1 =	vle.s32 v12, v10;
	vm2 =	vle.s32 v16, v10;
	v14 =	vsel vm14, v14, v17  }
0x344: {  	vm3 =	vle.s32 v19, v10;
	vm4 =	vle.s32 v15, v10;
	vm15 =	vlt.s32 v14, v20  }
0x345: {  	v17 =	vsel vm5, $0x1, v3;
	vm5 =	vle.s32 v20, v10;
	v18 =	vsel vm15, v14, v20  }
0x346: {  	v13 =	vadd.s32 v17, v13;
	v17 =	vsel vm6, $0x1, v3;
	v14 =	vsel vm5, v14, v18  }
0x347: {  	v13 =	vadd.s32 v17, v13;
	v17 =	vsel vm7, $0x1, v3;
	vm6 =	vlt.s32 v14, v15  }
0x348: {  	v13 =	vadd.s32 v17, v13;
	v17 =	vsel vm8, $0x1, v3;
	v15 =	vsel vm6, v14, v15  }
0x349: {  	v13 =	vadd.s32 v17, v13;
	v17 =	vsel vm9, $0x1, v3;
	v14 =	vsel vm4, v14, v15  }
0x34a: {  	v13 =	vadd.s32 v17, v13;
	v15 =	vsel vm10, $0x1, v3;
	vm6 =	vlt.s32 v14, v19  }
.Ltmp10:
0x34b: {  	v13 =	vadd.s32 v15, v13;
	v15 =	vsel vm11, $0x1, v3;
	v17 =	vsel vm6, v14, v19;
	(pc) =	sbr.rel @p0 .LBB2_24-.Ltmp10, $4  }
0x34c: {  	v13 =	vadd.s32 v15, v13;
	v15 =	vsel vm12, $0x1, v3;
	v17 =	vsel vm3, v14, v17  }
0x34d: {  	v13 =	vadd.s32 v15, v13;
	v14 =	vsel vm13, $0x1, v3;
	vm6 =	vlt.s32 v17, v16  }
0x34e: {  	v13 =	vadd.s32 v14, v13;
	v14 =	vsel vm14, $0x1, v3;
	v15 =	vsel vm6, v17, v16  }
0x34f: {  	s23 =	sshra.s32 s24, $0x2;
	s24 =	sadd.s32 $0x2000, s24;
	v13 =	vadd.s32 v14, v13;
	v14 =	vsel vm5, $0x1, v3;
	v15 =	vsel vm2, v17, v15  }
0x350: {  	_ =	sdelay $0x2  }
0x351: {  	vm5 =	vlt.s32 v15, v12  }
0x352: {  	v16 =	vld.idx.msk [tilespmem:v9+s23+$0xFFFFFB90 ss:$0x1], $0xffff;
	v12 =	vsel vm5, v15, v12  }
0x353: {  	v12 =	vsel vm1, v15, v12  }
0x354: {  	vm13 =	vlt.s32 v12, v11  }
0x355: {  	v24 =	vld.idx.msk [tilespmem:v9+s23+$0xFFFFFBA0 ss:$0x1], $0xffff;
	v11 =	vsel vm13, v12, v11  }
0x356: {  	v11 =	vsel vm0, v12, v11  }
0x357: {  	vm6 =	vlt.s32 v11, v16  }
0x358: {  	v25 =	vld.idx.msk [tilespmem:v9+s23+$0xFFFFFBB0 ss:$0x1], $0xffff;
	vm5 =	vle.s32 v16, v10;
	v16 =	vsel vm6, v11, v16  }
0x359: {  	v11 =	vsel vm5, v11, v16  }
0x35a: {  	vm7 =	vlt.s32 v11, v24  }
0x35b: {  	v26 =	vld.idx.msk [tilespmem:v9+s23+$0xFFFFFBC0 ss:$0x1], $0xffff;
	vm6 =	vle.s32 v24, v10;
	v15 =	vsel vm7, v11, v24  }
0x35c: {  	v11 =	vsel vm6, v11, v15  }
0x35d: {  	vm8 =	vlt.s32 v11, v25  }
0x35e: {  	v27 =	vld.idx.msk [tilespmem:v9+s23+$0xFFFFFBD0 ss:$0x1], $0xffff;
	vm7 =	vle.s32 v25, v10;
	v12 =	vsel vm8, v11, v25  }
0x35f: {  	v11 =	vsel vm7, v11, v12  }
0x360: {  	vm9 =	vlt.s32 v11, v26  }
0x361: {  	v28 =	vld.idx.msk [tilespmem:v9+s23+$0xFFFFFBE0 ss:$0x1], $0xffff;
	vm8 =	vle.s32 v26, v10;
	v16 =	vsel vm9, v11, v26  }
0x362: {  	v11 =	vsel vm8, v11, v16  }
0x363: {  	vm10 =	vlt.s32 v11, v27  }
0x364: {  	v29 =	vld.idx.msk [tilespmem:v9+s23+$0xFFFFFBF0 ss:$0x1], $0xffff;
	vm9 =	vle.s32 v27, v10;
	v15 =	vsel vm10, v11, v27  }
0x365: {  	v11 =	vsel vm9, v11, v15  }
0x366: {  	vm11 =	vlt.s32 v11, v28  }
0x367: {  	v30 =	vld.idx.msk [tilespmem:v9+s23+$0xFFFFFC00 ss:$0x1], $0xffff;
	vm10 =	vle.s32 v28, v10;
	v12 =	vsel vm11, v11, v28  }
0x368: {  	v11 =	vsel vm10, v11, v12  }
0x369: {  	vm12 =	vlt.s32 v11, v29  }
0x36a: {  	v31 =	vld.idx.msk [tilespmem:v9+s23+$0xFFFFFF90 ss:$0x1], $0xffff;
	vm11 =	vle.s32 v29, v10;
	v16 =	vsel vm12, v11, v29  }
0x36b: {  	v11 =	vsel vm11, v11, v16  }
0x36c: {  	vm13 =	vlt.s32 v11, v30  }
0x36d: {  	v32 =	vld.idx.msk [tilespmem:v9+s23+$0xFFFFFFA0 ss:$0x1], $0xffff;
	vm12 =	vle.s32 v30, v10;
	v15 =	vsel vm13, v11, v30  }
0x36e: {  	v17 =	vld.idx.msk [tilespmem:v9+s23+$0x0 ss:$0x1], $0xffff;
	v11 =	vsel vm12, v11, v15  }
0x36f: {  	v13 =	vadd.s32 v14, v13;
	v33 =	vsel vm4, $0x1, v3;
	v18 =	vld.idx.msk [tilespmem:v9+s23+$0xFFFFFFB0 ss:$0x1], $0xffff;
	vm14 =	vlt.s32 v11, v31  }
0x370: {  	v35 =	vsel vm3, $0x1, v3;
	v19 =	vld.idx.msk [tilespmem:v9+s23+$0xFFFFFFE0 ss:$0x1], $0xffff;
	vm3 =	vle.s32 v31, v10;
	v12 =	vsel vm14, v11, v31  }
0x371: {  	v36 =	vsel vm2, $0x1, v3;
	v39 =	vsel vm1, $0x1, v3;
	v11 =	vsel vm3, v11, v12  }
0x372: {  	v40 =	vsel vm0, $0x1, v3;
	v13 =	vadd.s32 v33, v13;
	vm15 =	vlt.s32 v11, v32  }
0x373: {  	v38 =	vld.idx.msk [tilespmem:v9+s23+$0xFFFFFFC0 ss:$0x1], $0xffff;
	v13 =	vadd.s32 v35, v13;
	vm4 =	vle.s32 v32, v10;
	v16 =	vsel vm15, v11, v32  }
0x374: {  	v37 =	vadd.s32 v36, v13;
	vm0 =	vle.s32 v17, v10;
	v11 =	vsel vm4, v11, v16  }
0x375: {  	v34 =	vld.idx.msk [tilespmem:v9+s23+$0xFFFFFFF0 ss:$0x1], $0xffff;
	vm1 =	vle.s32 v19, v10;
	v42 =	vsel vm5, $0x1, v3;
	vm2 =	vlt.s32 v11, v18  }
0x376: {  	v9 =	vld.idx.msk [tilespmem:v9+s23+$0xFFFFFFD0 ss:$0x1], $0xffff;
	v51 =	vsel vm3, $0x1, v3;
	vm15 =	vle.s32 v18, v10;
	v41 =	vsel vm2, v11, v18  }
0x377: {  	v43 =	vsel vm6, $0x1, v3;
	v12 =	vadd.s32 v39, v37;
	v11 =	vsel vm15, v11, v41  }
0x378: {  	v44 =	vsel vm7, $0x1, v3;
	v12 =	vadd.s32 v40, v12;
	vm5 =	vlt.s32 v11, v38  }
0x379: {  	vm14 =	vle.s32 v38, v10;
	v12 =	vadd.s32 v42, v12;
	v13 =	vsel vm5, v11, v38  }
0x37a: {  	v45 =	vsel vm8, $0x1, v3;
	v12 =	vadd.s32 v43, v12;
	v11 =	vsel vm14, v11, v13  }
0x37b: {  	v46 =	vsel vm9, $0x1, v3;
	v12 =	vadd.s32 v44, v12;
	vm8 =	vlt.s32 v11, v9  }
0x37c: {  	vm13 =	vle.s32 v9, v10;
	v12 =	vadd.s32 v45, v12;
	v9 =	vsel vm8, v11, v9  }
0x37d: {  	v47 =	vsel vm10, $0x1, v3;
	v12 =	vadd.s32 v46, v12;
	v9 =	vsel vm13, v11, v9  }
0x37e: {  	v48 =	vsel vm11, $0x1, v3;
	v11 =	vadd.s32 v47, v12;
	vm10 =	vlt.s32 v9, v19  }
0x37f: {  	v49 =	vsel vm12, $0x1, v3;
	v11 =	vadd.s32 v48, v11;
	v50 =	vsel vm10, v9, v19  }
0x380: {  	v52 =	vsel vm4, $0x1, v3;
	v11 =	vadd.s32 v49, v11;
	v9 =	vsel vm1, v9, v50  }
0x381: {  	v53 =	vsel vm15, $0x1, v3;
	v11 =	vadd.s32 v51, v11;
	vm11 =	vlt.s32 v9, v34  }
0x382: {  	vm2 =	vle.s32 v34, v10;
	v11 =	vadd.s32 v52, v11;
	v13 =	vsel vm11, v9, v34  }
0x383: {  	v54 =	vsel vm14, $0x1, v3;
	v11 =	vadd.s32 v53, v11;
	v9 =	vsel vm2, v9, v13  }
0x384: {  	v55 =	vsel vm13, $0x1, v3;
	v11 =	vadd.s32 v54, v11;
	vm12 =	vlt.s32 v9, v17  }
0x385: {  	v56 =	vsel vm1, $0x1, v3;
	v11 =	vadd.s32 v55, v11;
	v13 =	vsel vm12, v9, v17  }
0x386: {  	v57 =	vsel vm2, $0x1, v3;
	v11 =	vadd.s32 v56, v11;
	v9 =	vsel vm0, v9, v13  }
0x387: {  	v58 =	vsel vm0, $0x1, v3;
	v11 =	vadd.s32 v57, v11;
	v13 =	vperm.xlane v9, v5  }
0x388: {  	v11 =	vadd.s32 v58, v11  }
0x389: {  	v12 =	vperm.xlane v11, v5;
	vm13 =	vlt.s32 v9, v13  }
0x38a: {  	v9 =	vsel vm13, v9, v13  }
0x38b: {  	v11 =	vadd.s32 v11, v12;
	v59 =	vperm.xlane v9, v6  }
0x38c: {  	v60 =	vperm.xlane v11, v6  }
0x38d: {  	vm0 =	vlt.s32 v9, v59  }
0x38e: {  	v63 =	vmov s20;
	s20 =	sadd.s32 $0x1, s20;
	v11 =	vadd.s32 v60, v11;
	v9 =	vsel vm0, v9, v59  }
0x38f: {  	p0 =	sne.s32 s20, $0x8;
	v61 =	vperm.xlane v11, v2;
	v62 =	vperm.xlane v9, v2  }
.Ltmp11:
0x390: {  	_ = 	snop;
	(pc) =	sbr.rel @p0 .LBB2_19-.Ltmp11, $4  }
0x391: {  	v11 =	vadd.s32 v61, v11;
	vm0 =	vlt.s32 v9, v62  }
0x392: {  	vm14 =	vgt.s32 v11, $0x400;
	v9 =	vsel vm0, v9, v62  }
0x393: {  	vm15 =	veq.s32 v63, v4;
	v9 =	vsel vm14, v10, v9  }
0x394: {  	s22 =	sadd.s32 $0x80, s22;
	v8 =	vsel vm15, v10, v8;
	v7 =	vsel vm15, v9, v7  }
0x395: {  	s19 =	sadd.s32 $0x1, s19  }
0x396: {  	p0 =	sne.s32 s19, $0x3  }
.Ltmp12:
0x397: {  	_ = 	snop;
	(pc) =	sbr.rel @p0 .LBB2_2-.Ltmp12, $3  }
0x398: {  	_ =	sdelay $0x1  }
0x399: {  	[tilespmem:s21+$0x18020] =	vst v8  }
0x39a: {  	[tilespmem:s21+$0x18030] =	vst v7  }
0x39b: {  	s18 =	sadd.s32 $0x1, s18  }
0x39c: {  	p0 =	sne.s32 s18, s9  }
.Ltmp13:
0x39d: {  	_ = 	snop;
	(pc) =	sbr.rel @p0 .LBB2_1-.Ltmp13, $4  }
0x39e: {  	[hbm4b:s8+s14] =	stream.strided.scatter [tilespmem:s16], [sflag:$0x3], $0x100, s15, s14, $0x38;
	[tilespmem:$0x18100] =	vst v63  }
0x39f: {  	_ =	swait.ge [sflag:s17], $0x100  }
0x3a0: {  	[sflag:s17] =	ssyncset.done $0x0  }
0x3a1: {  	[sflag:s17] =	ssyncadd.s32 $0xFFFFFF00  }
0x3a2: {  	_ =	sfence.sel $0x180000  }
0x3a3: {  	[bflag:$0x0] =	sbarrier.arrive $0xFFFF  }
0x3a4: {  	p0 =	sne.s32 s0, $0x0;
	_ =	strace $0x90000047  }
0x3a5: {  	s0 =	sadd.s32 @!p0 $0x100000, s1;
	[bflag:$0x2] =	sbarrier.arrive $0xFFFF  }
0x3a6: {  	[sflag:s0] =	ssyncadd.tile.s32 @!p0 $0x1;
	_ =	shalt  }
.Lfunc_end2:
_tile_overlayer_lowered:
.L_overlay_start_2:
0x3a7: {  	(tag) =	ssettag $0x2  }
0x3a8: {  	s0 =	rddreg [dreg:$0x0];
	s2 =	stileid.u32  }
0x3a9: {  	s1 =	rddreg [dreg:$0x1];
	p0 =	sne.s32 s2, $0x0  }
0x3aa: {  	s3 =	rddreg [dreg:$0x2];
	[bflag:$0x3] =	sbarrier.arrive $0xFFFF;
	s2 =	simm.s32 @!p0 $0x1C03  }
0x3ab: {  	[timem:s3], [sflag:s2] =	dma.local @!p0 [hbm:s0], s1  }
0x3ac: {  	s0 =	simm.s32 @!p0 $0x3  }
0x3ad: {  	_ =	swait.ge @!p0 [sflag:s0], s1  }
0x3ae: {  	s1 =	ssub.s32 @!p0 $0x0, s1;
	[sflag:s0] =	ssyncset.done @!p0 $0x0  }
0x3af: {  	[sflag:s0] =	ssyncadd.s32 @!p0 s1  }
0x3b0: {  	[bflag:$0x3] =	sbarrier.arrive $0xFFFF  }
0x3b1: {  	_ =	shalt  }

</sc_bundles>
